<compile_context>
chip_gen: v7x
topology: tpu7x:2x2x1
jax: 0.10.2.dev20260603
libtpu: 0.0.44.dev20260713+nightly
codegen_flags: <defaults>
</compile_context>

<pallas_src>
import functools

import jax
import jax.numpy as jnp
from jax import lax
from jax.experimental import pallas as pl
from jax.experimental.pallas import tpu as pltpu
from jax.experimental.pallas import tpu_sc as plsc

M = 512
NW = 32
L = 16


def _row_cumsum_incl(x):
    rows = [x[0:1]]
    for k in range(1, x.shape[0]):
        rows.append(rows[-1] + x[k:k + 1])
    return jnp.concatenate(rows, axis=0)


def _lane_cumsum_incl(x):
    T = x.shape[1]
    acc = x
    s = 1
    while s < T:
        shifted = jnp.concatenate(
            [jnp.zeros_like(acc[:, :s]), acc[:, :-s]], axis=1)
        acc = acc + shifted
        s *= 2
    return acc


def _routing_body(ltT_ref, dst_ref, w_ref, meta_ref):
    ltT = ltT_ref[...]
    E, T = ltT.shape
    mx = jnp.max(ltT, axis=0, keepdims=True)
    p = jnp.exp(ltT - mx)
    probs = p / jnp.sum(p, axis=0, keepdims=True)

    eq0 = (probs == jnp.max(probs, axis=0, keepdims=True)).astype(jnp.float32)
    f0 = eq0 * (_row_cumsum_incl(eq0) == 1.0)
    m0 = jnp.sum(probs * f0, axis=0, keepdims=True)
    pm = jnp.where(f0 > 0, -1.0, probs)
    eq1 = (pm == jnp.max(pm, axis=0, keepdims=True)).astype(jnp.float32)
    f1 = eq1 * (_row_cumsum_incl(eq1) == 1.0)
    m1 = jnp.sum(pm * f1, axis=0, keepdims=True)

    denom = m0 + m1
    w0 = m0 / denom
    w1 = m1 / denom

    c0 = _lane_cumsum_incl(f0)
    c1 = _lane_cumsum_incl(f1)
    cnt0 = c0[:, T - 1:T]
    cnt1 = c1[:, T - 1:T]
    c0ex = c0 - f0
    c1ex = c1 - f1

    cnt = (cnt0 + cnt1).astype(jnp.int32)
    nb = (cnt + (M - 1)) // M
    nb_ex = (_row_cumsum_incl(nb) - nb)
    poff = (nb_ex * M).astype(jnp.float32)

    dst0 = jnp.sum(f0 * (poff + c0ex), axis=0, keepdims=True)
    dst1 = jnp.sum(f1 * (poff + cnt0 + c1ex), axis=0, keepdims=True)

    zi = jnp.zeros((6, T), jnp.int32)
    zf = jnp.zeros((6, T), jnp.float32)
    dst_ref[...] = jnp.concatenate(
        [dst0.astype(jnp.int32), dst1.astype(jnp.int32), zi], axis=0)
    w_ref[...] = jnp.concatenate([w0, w1, zf], axis=0)

    rows_i = lax.broadcasted_iota(jnp.int32, (E, 128), 0)
    lanes_i = lax.broadcasted_iota(jnp.int32, (E, 128), 1)
    sel = (rows_i == lanes_i).astype(jnp.float32)
    nbrow = jnp.sum(nb.astype(jnp.float32) * sel, axis=0, keepdims=True)
    porow = jnp.sum(poff * sel, axis=0, keepdims=True)
    zm = jnp.zeros((6, 128), jnp.float32)
    meta_ref[...] = jnp.concatenate([nbrow, porow, zm], axis=0).astype(jnp.int32)


def _routing(router_logits_T):
    E, T = router_logits_T.shape
    return pl.pallas_call(
        _routing_body,
        out_shape=(
            jax.ShapeDtypeStruct((8, T), jnp.int32),
            jax.ShapeDtypeStruct((8, T), jnp.float32),
            jax.ShapeDtypeStruct((8, 128), jnp.int32),
        ),
    )(router_logits_T)


def _dispatch(hidden_states, dst0r, dst1r, S):
    T, H = hidden_states.shape
    TPW = T // NW
    mesh = plsc.VectorSubcoreMesh(core_axis_name="c", subcore_axis_name="s")

    @functools.partial(
        pl.kernel,
        out_type=jax.ShapeDtypeStruct((S, H), jnp.float32),
        mesh=mesh,
        scratch_types=[
            pltpu.VMEM((TPW, H), jnp.float32),
            pltpu.VMEM((1, TPW), jnp.int32),
            pltpu.VMEM((1, TPW), jnp.int32),
            pltpu.SemaphoreType.DMA,
            pltpu.SemaphoreType.DMA,
        ],
    )
    def k(x_hbm, d0_hbm, d1_hbm, xs_hbm, xbuf, idx0, idx1, ssem0, ssem1):
        wid = lax.axis_index("s") * 2 + lax.axis_index("c")
        base = wid * TPW
        pltpu.sync_copy(d0_hbm.at[pl.ds(wid, 1)], idx0)
        pltpu.sync_copy(d1_hbm.at[pl.ds(wid, 1)], idx1)
        pltpu.sync_copy(x_hbm.at[pl.ds(base, TPW)], xbuf)
        s0 = pltpu.async_copy(xbuf, xs_hbm.at[idx0.at[0]], ssem0)
        s1 = pltpu.async_copy(xbuf, xs_hbm.at[idx1.at[0]], ssem1)
        s0.wait()
        s1.wait()

    return k(hidden_states, dst0r, dst1r)


def _make_ffn_body(F, ffc, ff):
    def _ffn_body(meta_ref, x_ref, w13_hbm, w2_hbm, y_ref,
                  w1b, w3b, w2b, acc, sems, osem):
        step = pl.program_id(0)
        nsteps = pl.num_programs(0)
        e = step // F
        f = lax.rem(step, F)

        def w_copies(s, sl):
            es = s // F
            fs = lax.rem(s, F)
            return (
                pltpu.make_async_copy(
                    w13_hbm.at[es, pl.ds(fs * ffc, ffc), :],
                    w1b.at[sl], sems.at[sl, 0]),
                pltpu.make_async_copy(
                    w13_hbm.at[es, pl.ds(ff + fs * ffc, ffc), :],
                    w3b.at[sl], sems.at[sl, 1]),
                pltpu.make_async_copy(
                    w2_hbm.at[es, :, pl.ds(fs * ffc, ffc)],
                    w2b.at[sl], sems.at[sl, 2]),
            )

        slot = lax.rem(step, 2)

        @pl.when(step == 0)
        def _():
            for c in w_copies(0, 0):
                c.start()

        @pl.when(step + 1 < nsteps)
        def _():
            for c in w_copies(step + 1, 1 - slot):
                c.start()

        for c in w_copies(step, slot):
            c.wait()

        nb = meta_ref[0, e]
        poff = meta_ref[1, e]
        w1 = w1b[slot].astype(jnp.bfloat16)
        w3 = w3b[slot].astype(jnp.bfloat16)
        w2 = w2b[slot].astype(jnp.bfloat16)
        dn = (((1,), (1,)), ((), ()))

        def blk(i, carry):
            r0 = pl.multiple_of(poff + i * M, M)
            x = x_ref[pl.ds(r0, M), :].astype(jnp.bfloat16)
            gate = lax.dot_general(x, w1, dn,
                                   preferred_element_type=jnp.float32)
            up = lax.dot_general(x, w3, dn,
                                 preferred_element_type=jnp.float32)
            act = (gate * lax.logistic(gate) * up).astype(jnp.bfloat16)
            yv = lax.dot_general(act, w2, dn,
                                 preferred_element_type=jnp.float32)
            a0 = pl.multiple_of(i * M, M)

            @pl.when(f == 0)
            def _():
                acc[pl.ds(a0, M), :] = yv

            @pl.when(f != 0)
            def _():
                acc[pl.ds(a0, M), :] += yv

            @pl.when(f == F - 1)
            def _():
                cp = pltpu.make_async_copy(
                    acc.at[pl.ds(a0, M), :], y_ref.at[pl.ds(r0, M), :], osem)
                cp.start()
                cp.wait()

            return carry

        lax.fori_loop(0, nb, blk, 0)

    return _ffn_body


def _ffn(meta, x_s, w13_weight, w2_weight, F=4):
    S, H = x_s.shape
    E = w13_weight.shape[0]
    ff = w2_weight.shape[2]
    ffc = ff // F
    grid_spec = pltpu.PrefetchScalarGridSpec(
        num_scalar_prefetch=1,
        grid=(E * F,),
        in_specs=[
            pl.BlockSpec((S, H), lambda s, meta: (0, 0)),
            pl.BlockSpec(memory_space=pltpu.MemorySpace.HBM),
            pl.BlockSpec(memory_space=pltpu.MemorySpace.HBM),
        ],
        out_specs=pl.BlockSpec(memory_space=pltpu.MemorySpace.HBM),
        scratch_shapes=[
            pltpu.VMEM((2, ffc, H), jnp.float32),
            pltpu.VMEM((2, ffc, H), jnp.float32),
            pltpu.VMEM((2, H, ffc), jnp.float32),
            pltpu.VMEM((2048, H), jnp.float32),
            pltpu.SemaphoreType.DMA((2, 3)),
            pltpu.SemaphoreType.DMA,
        ],
    )
    return pl.pallas_call(
        _make_ffn_body(F, ffc, ff),
        grid_spec=grid_spec,
        out_shape=jax.ShapeDtypeStruct((S, H), jnp.float32),
        compiler_params=pltpu.CompilerParams(
            dimension_semantics=("arbitrary",),
            vmem_limit_bytes=100 * 1024 * 1024,
        ),
    )(meta, x_s, w13_weight, w2_weight)


def _combine(y_s, d0r, d1r, w0r, w1r, T, H):
    HALF = T // (NW * 2)
    mesh = plsc.VectorSubcoreMesh(core_axis_name="c", subcore_axis_name="s")

    @functools.partial(
        pl.kernel,
        out_type=jax.ShapeDtypeStruct((T, H), jnp.float32),
        mesh=mesh,
        scratch_types=[
            pltpu.VMEM((HALF, H), jnp.float32),
            pltpu.VMEM((HALF, H), jnp.float32),
            pltpu.VMEM((1, HALF), jnp.int32),
            pltpu.VMEM((1, HALF), jnp.int32),
            pltpu.VMEM((1, HALF), jnp.float32),
            pltpu.VMEM((1, HALF), jnp.float32),
            pltpu.SemaphoreType.DMA,
            pltpu.SemaphoreType.DMA,
        ],
    )
    def k(y_hbm, d0_hbm, d1_hbm, w0_hbm, w1_hbm, out_hbm,
          buf0, buf1, idx0, idx1, wb0, wb1, sem0, sem1):
        wid = lax.axis_index("s") * 2 + lax.axis_index("c")

        @pl.loop(0, 2)
        def _(h):
            chunk = wid * 2 + h
            base = chunk * HALF
            pltpu.sync_copy(d0_hbm.at[pl.ds(chunk, 1)], idx0)
            pltpu.sync_copy(d1_hbm.at[pl.ds(chunk, 1)], idx1)
            pltpu.sync_copy(w0_hbm.at[pl.ds(chunk, 1)], wb0)
            pltpu.sync_copy(w1_hbm.at[pl.ds(chunk, 1)], wb1)
            cp0 = pltpu.async_copy(y_hbm.at[idx0.at[0]], buf0, sem0)
            cp1 = pltpu.async_copy(y_hbm.at[idx1.at[0]], buf1, sem1)
            cp0.wait()
            cp1.wait()

            @pl.loop(0, HALF // L)
            def _(g):
                wv0 = wb0[0, pl.ds(g * L, L)]
                wv1 = wb1[0, pl.ds(g * L, L)]

                @pl.loop(0, L)
                def _(j):
                    r = g * L + j
                    jv = jnp.full((L,), j, jnp.int32)
                    w0v = wv0.at[jv].get(mode="promise_in_bounds")
                    w1v = wv1.at[jv].get(mode="promise_in_bounds")

                    for c in range(H // L):
                        a = buf0[r, pl.ds(c * L, L)]
                        b = buf1[r, pl.ds(c * L, L)]
                        buf0[r, pl.ds(c * L, L)] = a * w0v + b * w1v

            pltpu.sync_copy(buf0, out_hbm.at[pl.ds(base, HALF)])

    return k(y_s, d0r, d1r, w0r, w1r)


def kernel(hidden_states, router_logits, w13_weight, w2_weight):
    T, H = hidden_states.shape
    E = router_logits.shape[1]
    K = 2
    S = (T * K // M + E) * M

    dst, w01, meta = _routing(router_logits.T)

    TPW = T // NW
    dst0r = dst[0].reshape(NW, TPW)
    dst1r = dst[1].reshape(NW, TPW)

    x_s = _dispatch(hidden_states, dst0r, dst1r, S)
    y_s = _ffn(meta, x_s, w13_weight, w2_weight)

    HALF = T // (NW * 2)
    d0c = dst[0].reshape(NW * 2, HALF)
    d1c = dst[1].reshape(NW * 2, HALF)
    w0c = w01[0].reshape(NW * 2, HALF)
    w1c = w01[1].reshape(NW * 2, HALF)
    return _combine(y_s, d0c, d1c, w0c, w1c, T, H)

# --- scband reference (transcript-rebuilt; emitter-appended) ---
"""Pipeline reference for scband-fused-mo-e-50483045597480 (READ-ONLY COPY).

The authoritative reference and input builder live on the scoring server;
editing this copy changes nothing except your own understanding.
"""

import jax, jax.numpy as jnp
import numpy as np

NUM_EXPERTS = 8
TOP_K = 2
HIDDEN = 1024
INTERMEDIATE = 2048
TOKENS = 2048


def setup_inputs(seed: int = 0) -> dict:
    key = jax.random.key(seed)
    k1, k2, k3, k4 = jax.random.split(key, 4)
    hidden_states = jax.random.normal(k1, (TOKENS, HIDDEN), dtype=jnp.float32)
    router_logits = jax.random.normal(k2, (TOKENS, NUM_EXPERTS), dtype=jnp.float32)
    # w13: [E, 2*intermediate, hidden] (w1 = gate_proj rows [:ff], w3 = up_proj rows [ff:])
    w13_weight = jax.random.normal(k3, (NUM_EXPERTS, 2 * INTERMEDIATE, HIDDEN), dtype=jnp.float32) * 0.02
    # w2: [E, hidden, intermediate] (down_proj)
    w2_weight = jax.random.normal(k4, (NUM_EXPERTS, HIDDEN, INTERMEDIATE), dtype=jnp.float32) * 0.02
    return {
        "hidden_states": hidden_states,
        "router_logits": router_logits,
        "w13_weight": w13_weight,
        "w2_weight": w2_weight,
    }


def reference(hidden_states, router_logits, w13_weight, w2_weight):
    # fused_moe semantics: softmax routing, top-k selection, renormalize,
    # per-token weighted sum of SwiGLU expert FFN outputs.
    probs = jax.nn.softmax(router_logits.astype(jnp.float32), axis=-1)
    topk_weights, topk_ids = jax.lax.top_k(probs, TOP_K)  # [T, K]
    # renormalize=True
    topk_weights = topk_weights / jnp.sum(topk_weights, axis=-1, keepdims=True)

    ff = w2_weight.shape[2]
    out = jnp.zeros_like(hidden_states)
    for e in range(NUM_EXPERTS):
        w1 = w13_weight[e, :ff, :]   # [ff, h] gate
        w3 = w13_weight[e, ff:, :]   # [ff, h] up
        w2 = w2_weight[e]            # [h, ff] down
        gate = hidden_states @ w1.T
        up = hidden_states @ w3.T
        y = (jax.nn.silu(gate) * up) @ w2.T  # [T, h]
        mask = (topk_ids == e)
        coef = jnp.sum(jnp.where(mask, topk_weights, 0.0), axis=-1)  # [T]
        out = out + coef[:, None] * y
    return out

if __name__ == "__main__":
    import jax
    _d = setup_inputs()
    print(jax.jit(kernel)(*tuple(_d.values())))

</pallas_src>

<mosaic_0001>
#map = affine_map<(d0, d1) -> (0, 0)>
module attributes {stable_mosaic.version = 14 : i64} {
  func.func @k(%arg0: i32, %arg1: i32, %arg2: memref<8192x1024xf32, #tpu.memory_space<hbm>>, %arg3: memref<64x32xi32, #tpu.memory_space<hbm>>, %arg4: memref<64x32xi32, #tpu.memory_space<hbm>>, %arg5: memref<64x32xf32, #tpu.memory_space<hbm>>, %arg6: memref<64x32xf32, #tpu.memory_space<hbm>>, %arg7: memref<2048x1024xf32, #tpu.memory_space<hbm>>, %arg8: memref<32x1024xf32, #tpu.memory_space<vmem>>, %arg9: memref<32x1024xf32, #tpu.memory_space<vmem>>, %arg10: memref<1x32xi32, #tpu.memory_space<vmem>>, %arg11: memref<1x32xi32, #tpu.memory_space<vmem>>, %arg12: memref<1x32xf32, #tpu.memory_space<vmem>>, %arg13: memref<1x32xf32, #tpu.memory_space<vmem>>, %arg14: memref<!tpu.dma_semaphore, #tpu.memory_space<semaphore_mem>>, %arg15: memref<!tpu.dma_semaphore, #tpu.memory_space<semaphore_mem>>) attributes {dimension_semantics = [#tpu.dimension_semantics<core_parallel>, #tpu.dimension_semantics<subcore_parallel>], iteration_bounds = array<i64: 2, 16>, scalar_prefetch = 0 : i64, scratch_operands = 8 : i64, tpu.core_type = #tpu.core_type<sc_vector_subcore>, window_params = [{transform_indices = #map}, {transform_indices = #map}, {transform_indices = #map}, {transform_indices = #map}, {transform_indices = #map}, {transform_indices = #map}]} {
    %mul3A = arith.constant 2 : i32
    %mul3A_0 = arith.muli %arg1, %mul3A : i32
    %add3A = arith.addi %mul3A_0, %arg0 : i32
    %scan3A = arith.constant 0 : i32
    %scan3A_1 = arith.constant 2 : i32
    %scan3A_2 = arith.addi %scan3A, %scan3A_1 : i32
    %scan3A_3 = arith.constant 1 : i32
    scf.for %scan3A_5 = %scan3A to %scan3A_2 step %scan3A_3  : i32 {
      %mul3A_6 = arith.constant 1 : i32
      %mul3A_7 = arith.muli %scan3A_5, %mul3A_6 : i32
      %add3A_8 = arith.constant 0 : i32
      %add3A_9 = arith.addi %add3A_8, %mul3A_7 : i32
      %mul3A_10 = arith.constant 2 : i32
      %mul3A_11 = arith.muli %add3A, %mul3A_10 : i32
      %add3A_12 = arith.addi %mul3A_11, %add3A_9 : i32
      %mul3A_13 = arith.constant 32 : i32
      %mul3A_14 = arith.muli %add3A_12, %mul3A_13 : i32
      "tpu.region"() ({
        %run_scoped3A = tpu.sem_alloc : memref<!tpu.dma_semaphore, #tpu.memory_space<semaphore_mem>>
        %dma_start3A_46 = arith.constant 0 : i32
        %dma_start3A_47 = tpu.memref_slice %arg3[%add3A_12, %dma_start3A_46] : memref<64x32xi32, #tpu.memory_space<hbm>> -> memref<1x32xi32, #tpu.memory_space<hbm>>
        %dma_start3A_48 = arith.constant 0 : i32
        %dma_start3A_49 = tpu.memref_slice %arg3[%add3A_12, %dma_start3A_48] : memref<64x32xi32, #tpu.memory_space<hbm>> -> memref<1x32xi32, #tpu.memory_space<hbm>>
        tpu.enqueue_dma source(%dma_start3A_49 : memref<1x32xi32, #tpu.memory_space<hbm>>) target(%arg10 : memref<1x32xi32, #tpu.memory_space<vmem>>) target_semaphore(%run_scoped3A : memref<!tpu.dma_semaphore, #tpu.memory_space<semaphore_mem>>)
        %dma_wait3A_50 = arith.constant 0 : i32
        %dma_wait3A_51 = tpu.memref_slice %arg3[%add3A_12, %dma_wait3A_50] : memref<64x32xi32, #tpu.memory_space<hbm>> -> memref<1x32xi32, #tpu.memory_space<hbm>>
        %dma_wait3A_52 = arith.constant 0 : i32
        %dma_wait3A_53 = tpu.memref_slice %arg3[%add3A_12, %dma_wait3A_52] : memref<64x32xi32, #tpu.memory_space<hbm>> -> memref<1x32xi32, #tpu.memory_space<hbm>>
        tpu.wait_dma2 semaphore(%run_scoped3A : memref<!tpu.dma_semaphore, #tpu.memory_space<semaphore_mem>>) src(%dma_wait3A_53 : memref<1x32xi32, #tpu.memory_space<hbm>>) dst(%arg10 : memref<1x32xi32, #tpu.memory_space<vmem>>)
        tpu.yield
      }) : () -> ()
      "tpu.region"() ({
        %run_scoped3A = tpu.sem_alloc : memref<!tpu.dma_semaphore, #tpu.memory_space<semaphore_mem>>
        %dma_start3A_46 = arith.constant 0 : i32
        %dma_start3A_47 = tpu.memref_slice %arg4[%add3A_12, %dma_start3A_46] : memref<64x32xi32, #tpu.memory_space<hbm>> -> memref<1x32xi32, #tpu.memory_space<hbm>>
        %dma_start3A_48 = arith.constant 0 : i32
        %dma_start3A_49 = tpu.memref_slice %arg4[%add3A_12, %dma_start3A_48] : memref<64x32xi32, #tpu.memory_space<hbm>> -> memref<1x32xi32, #tpu.memory_space<hbm>>
        tpu.enqueue_dma source(%dma_start3A_49 : memref<1x32xi32, #tpu.memory_space<hbm>>) target(%arg11 : memref<1x32xi32, #tpu.memory_space<vmem>>) target_semaphore(%run_scoped3A : memref<!tpu.dma_semaphore, #tpu.memory_space<semaphore_mem>>)
        %dma_wait3A_50 = arith.constant 0 : i32
        %dma_wait3A_51 = tpu.memref_slice %arg4[%add3A_12, %dma_wait3A_50] : memref<64x32xi32, #tpu.memory_space<hbm>> -> memref<1x32xi32, #tpu.memory_space<hbm>>
        %dma_wait3A_52 = arith.constant 0 : i32
        %dma_wait3A_53 = tpu.memref_slice %arg4[%add3A_12, %dma_wait3A_52] : memref<64x32xi32, #tpu.memory_space<hbm>> -> memref<1x32xi32, #tpu.memory_space<hbm>>
        tpu.wait_dma2 semaphore(%run_scoped3A : memref<!tpu.dma_semaphore, #tpu.memory_space<semaphore_mem>>) src(%dma_wait3A_53 : memref<1x32xi32, #tpu.memory_space<hbm>>) dst(%arg11 : memref<1x32xi32, #tpu.memory_space<vmem>>)
        tpu.yield
      }) : () -> ()
      "tpu.region"() ({
        %run_scoped3A = tpu.sem_alloc : memref<!tpu.dma_semaphore, #tpu.memory_space<semaphore_mem>>
        %dma_start3A_46 = arith.constant 0 : i32
        %dma_start3A_47 = tpu.memref_slice %arg5[%add3A_12, %dma_start3A_46] : memref<64x32xf32, #tpu.memory_space<hbm>> -> memref<1x32xf32, #tpu.memory_space<hbm>>
        %dma_start3A_48 = arith.constant 0 : i32
        %dma_start3A_49 = tpu.memref_slice %arg5[%add3A_12, %dma_start3A_48] : memref<64x32xf32, #tpu.memory_space<hbm>> -> memref<1x32xf32, #tpu.memory_space<hbm>>
        tpu.enqueue_dma source(%dma_start3A_49 : memref<1x32xf32, #tpu.memory_space<hbm>>) target(%arg12 : memref<1x32xf32, #tpu.memory_space<vmem>>) target_semaphore(%run_scoped3A : memref<!tpu.dma_semaphore, #tpu.memory_space<semaphore_mem>>)
        %dma_wait3A_50 = arith.constant 0 : i32
        %dma_wait3A_51 = tpu.memref_slice %arg5[%add3A_12, %dma_wait3A_50] : memref<64x32xf32, #tpu.memory_space<hbm>> -> memref<1x32xf32, #tpu.memory_space<hbm>>
        %dma_wait3A_52 = arith.constant 0 : i32
        %dma_wait3A_53 = tpu.memref_slice %arg5[%add3A_12, %dma_wait3A_52] : memref<64x32xf32, #tpu.memory_space<hbm>> -> memref<1x32xf32, #tpu.memory_space<hbm>>
        tpu.wait_dma2 semaphore(%run_scoped3A : memref<!tpu.dma_semaphore, #tpu.memory_space<semaphore_mem>>) src(%dma_wait3A_53 : memref<1x32xf32, #tpu.memory_space<hbm>>) dst(%arg12 : memref<1x32xf32, #tpu.memory_space<vmem>>)
        tpu.yield
      }) : () -> ()
      "tpu.region"() ({
        %run_scoped3A = tpu.sem_alloc : memref<!tpu.dma_semaphore, #tpu.memory_space<semaphore_mem>>
        %dma_start3A_46 = arith.constant 0 : i32
        %dma_start3A_47 = tpu.memref_slice %arg6[%add3A_12, %dma_start3A_46] : memref<64x32xf32, #tpu.memory_space<hbm>> -> memref<1x32xf32, #tpu.memory_space<hbm>>
        %dma_start3A_48 = arith.constant 0 : i32
        %dma_start3A_49 = tpu.memref_slice %arg6[%add3A_12, %dma_start3A_48] : memref<64x32xf32, #tpu.memory_space<hbm>> -> memref<1x32xf32, #tpu.memory_space<hbm>>
        tpu.enqueue_dma source(%dma_start3A_49 : memref<1x32xf32, #tpu.memory_space<hbm>>) target(%arg13 : memref<1x32xf32, #tpu.memory_space<vmem>>) target_semaphore(%run_scoped3A : memref<!tpu.dma_semaphore, #tpu.memory_space<semaphore_mem>>)
        %dma_wait3A_50 = arith.constant 0 : i32
        %dma_wait3A_51 = tpu.memref_slice %arg6[%add3A_12, %dma_wait3A_50] : memref<64x32xf32, #tpu.memory_space<hbm>> -> memref<1x32xf32, #tpu.memory_space<hbm>>
        %dma_wait3A_52 = arith.constant 0 : i32
        %dma_wait3A_53 = tpu.memref_slice %arg6[%add3A_12, %dma_wait3A_52] : memref<64x32xf32, #tpu.memory_space<hbm>> -> memref<1x32xf32, #tpu.memory_space<hbm>>
        tpu.wait_dma2 semaphore(%run_scoped3A : memref<!tpu.dma_semaphore, #tpu.memory_space<semaphore_mem>>) src(%dma_wait3A_53 : memref<1x32xf32, #tpu.memory_space<hbm>>) dst(%arg13 : memref<1x32xf32, #tpu.memory_space<vmem>>)
        tpu.yield
      }) : () -> ()
      %dma_start3A = arith.constant 0 : i32
      %dma_start3A_15 = arith.constant 0 : i32
      %dma_start3A_16 = tpu.memref_slice %arg10[%dma_start3A, %dma_start3A_15] : memref<1x32xi32, #tpu.memory_space<vmem>> -> memref<1x32xi32, #tpu.memory_space<vmem>>
      %dma_start3A_17 = tpu.memref_squeeze %dma_start3A_16 : memref<1x32xi32, #tpu.memory_space<vmem>> -> memref<32xi32, #tpu.memory_space<vmem>>
      %dma_start3A_18 = arith.constant 0 : i32
      %dma_start3A_19 = arith.constant 0 : i32
      %dma_start3A_20 = tpu.memref_slice %arg2[%dma_start3A_18, %dma_start3A_19] : memref<8192x1024xf32, #tpu.memory_space<hbm>> -> memref<8192x1024xf32, #tpu.memory_space<hbm>>
      tpu.enqueue_indirect_dma source(%dma_start3A_20 : memref<8192x1024xf32, #tpu.memory_space<hbm>>) target(%arg8 : memref<32x1024xf32, #tpu.memory_space<vmem>>) offsets(%dma_start3A_17 : memref<32xi32, #tpu.memory_space<vmem>>) semaphore(%arg14 : memref<!tpu.dma_semaphore, #tpu.memory_space<semaphore_mem>>)
      %dma_start3A_21 = arith.constant 0 : i32
      %dma_start3A_22 = arith.constant 0 : i32
      %dma_start3A_23 = tpu.memref_slice %arg11[%dma_start3A_21, %dma_start3A_22] : memref<1x32xi32, #tpu.memory_space<vmem>> -> memref<1x32xi32, #tpu.memory_space<vmem>>
      %dma_start3A_24 = tpu.memref_squeeze %dma_start3A_23 : memref<1x32xi32, #tpu.memory_space<vmem>> -> memref<32xi32, #tpu.memory_space<vmem>>
      %dma_start3A_25 = arith.constant 0 : i32
      %dma_start3A_26 = arith.constant 0 : i32
      %dma_start3A_27 = tpu.memref_slice %arg2[%dma_start3A_25, %dma_start3A_26] : memref<8192x1024xf32, #tpu.memory_space<hbm>> -> memref<8192x1024xf32, #tpu.memory_space<hbm>>
      tpu.enqueue_indirect_dma source(%dma_start3A_27 : memref<8192x1024xf32, #tpu.memory_space<hbm>>) target(%arg9 : memref<32x1024xf32, #tpu.memory_space<vmem>>) offsets(%dma_start3A_24 : memref<32xi32, #tpu.memory_space<vmem>>) semaphore(%arg15 : memref<!tpu.dma_semaphore, #tpu.memory_space<semaphore_mem>>)
      %dma_wait3A = arith.constant 0 : i32
      %dma_wait3A_28 = arith.constant 0 : i32
      %dma_wait3A_29 = tpu.memref_slice %arg10[%dma_wait3A, %dma_wait3A_28] : memref<1x32xi32, #tpu.memory_space<vmem>> -> memref<1x32xi32, #tpu.memory_space<vmem>>
      %dma_wait3A_30 = tpu.memref_squeeze %dma_wait3A_29 : memref<1x32xi32, #tpu.memory_space<vmem>> -> memref<32xi32, #tpu.memory_space<vmem>>
      %dma_wait3A_31 = arith.constant 0 : i32
      %dma_wait3A_32 = arith.constant 0 : i32
      %dma_wait3A_33 = tpu.memref_slice %arg2[%dma_wait3A_31, %dma_wait3A_32] : memref<8192x1024xf32, #tpu.memory_space<hbm>> -> memref<8192x1024xf32, #tpu.memory_space<hbm>>
      tpu.wait_indirect_dma semaphore(%arg14 : memref<!tpu.dma_semaphore, #tpu.memory_space<semaphore_mem>>) src(%dma_wait3A_33 : memref<8192x1024xf32, #tpu.memory_space<hbm>>) dst(%arg8 : memref<32x1024xf32, #tpu.memory_space<vmem>>)
      %dma_wait3A_34 = arith.constant 0 : i32
      %dma_wait3A_35 = arith.constant 0 : i32
      %dma_wait3A_36 = tpu.memref_slice %arg11[%dma_wait3A_34, %dma_wait3A_35] : memref<1x32xi32, #tpu.memory_space<vmem>> -> memref<1x32xi32, #tpu.memory_space<vmem>>
      %dma_wait3A_37 = tpu.memref_squeeze %dma_wait3A_36 : memref<1x32xi32, #tpu.memory_space<vmem>> -> memref<32xi32, #tpu.memory_space<vmem>>
      %dma_wait3A_38 = arith.constant 0 : i32
      %dma_wait3A_39 = arith.constant 0 : i32
      %dma_wait3A_40 = tpu.memref_slice %arg2[%dma_wait3A_38, %dma_wait3A_39] : memref<8192x1024xf32, #tpu.memory_space<hbm>> -> memref<8192x1024xf32, #tpu.memory_space<hbm>>
      tpu.wait_indirect_dma semaphore(%arg15 : memref<!tpu.dma_semaphore, #tpu.memory_space<semaphore_mem>>) src(%dma_wait3A_40 : memref<8192x1024xf32, #tpu.memory_space<hbm>>) dst(%arg9 : memref<32x1024xf32, #tpu.memory_space<vmem>>)
      %scan3A_41 = arith.constant 0 : i32
      %scan3A_42 = arith.constant 2 : i32
      %scan3A_43 = arith.addi %scan3A_41, %scan3A_42 : i32
      %scan3A_44 = arith.constant 1 : i32
      scf.for %scan3A_46 = %scan3A_41 to %scan3A_43 step %scan3A_44  : i32 {
        %mul3A_47 = arith.constant 1 : i32
        %mul3A_48 = arith.muli %scan3A_46, %mul3A_47 : i32
        %add3A_49 = arith.constant 0 : i32
        %add3A_50 = arith.addi %add3A_49, %mul3A_48 : i32
        %mul3A_51 = arith.constant 16 : i32
        %mul3A_52 = arith.muli %add3A_50, %mul3A_51 : i32
        %get3A = arith.constant 0 : i32
        %get3A_53 = arith.index_cast %get3A : i32 to index
        %get3A_54 = arith.index_cast %mul3A_52 : i32 to index
        %get3A_55 = tpu.vector_load %arg12[%get3A_53, %get3A_54] {strides = array<i32>} : memref<1x32xf32, #tpu.memory_space<vmem>>, vector<1x16xf32>,
        %get3A_56 = vector.shape_cast %get3A_55 : vector<1x16xf32> to vector<16xf32>
        %mul3A_57 = arith.constant 16 : i32
        %mul3A_58 = arith.muli %add3A_50, %mul3A_57 : i32
        %get3A_59 = arith.constant 0 : i32
        %get3A_60 = arith.index_cast %get3A_59 : i32 to index
        %get3A_61 = arith.index_cast %mul3A_58 : i32 to index
        %get3A_62 = tpu.vector_load %arg13[%get3A_60, %get3A_61] {strides = array<i32>} : memref<1x32xf32, #tpu.memory_space<vmem>>, vector<1x16xf32>,
        %get3A_63 = vector.shape_cast %get3A_62 : vector<1x16xf32> to vector<16xf32>
        %scan3A_64 = arith.constant 0 : i32
        %scan3A_65 = arith.constant 16 : i32
        %scan3A_66 = arith.addi %scan3A_64, %scan3A_65 : i32
        %scan3A_67 = arith.constant 1 : i32
        scf.for %scan3A_69 = %scan3A_64 to %scan3A_66 step %scan3A_67  : i32 {
          %mul3A_70 = arith.constant 1 : i32
          %mul3A_71 = arith.muli %scan3A_69, %mul3A_70 : i32
          %add3A_72 = arith.constant 0 : i32
          %add3A_73 = arith.addi %add3A_72, %mul3A_71 : i32
          %mul3A_74 = arith.constant 16 : i32
          %mul3A_75 = arith.muli %add3A_50, %mul3A_74 : i32
          %add3A_76 = arith.addi %mul3A_75, %add3A_73 : i32
          %broadcast_in_dim3A = vector.broadcast %add3A_73 : i32 to vector<16xi32>
          %lt3A = arith.constant 0 : i32
          %lt3A_77 = vector.broadcast %lt3A : i32 to vector<16xi32>
          %lt3A_78 = arith.cmpi slt, %broadcast_in_dim3A, %lt3A_77 : vector<16xi32>
          %add3A_79 = arith.constant 16 : i32
          %add3A_80 = vector.broadcast %add3A_79 : i32 to vector<16xi32>
          %add3A_81 = arith.addi %broadcast_in_dim3A, %add3A_80 : vector<16xi32>
          %select_n3A = arith.select %lt3A_78, %add3A_81, %broadcast_in_dim3A : vector<16xi1>, vector<16xi32>
          %broadcast_in_dim3A_82 = vector.shape_cast %select_n3A : vector<16xi32> to vector<16x1xi32>
          %gather3A = vector.shape_cast %broadcast_in_dim3A_82 : vector<16x1xi32> to vector<16xi32>
          %gather3A_83 = tpu.dynamic_gather %get3A_56[%gather3A] in [0] : vector<16xf32>, vector<16xi32> -> vector<16xf32>
          %lt3A_84 = arith.constant 0 : i32
          %lt3A_85 = vector.broadcast %lt3A_84 : i32 to vector<16xi32>
          %lt3A_86 = arith.cmpi slt, %broadcast_in_dim3A, %lt3A_85 : vector<16xi32>
          %add3A_87 = arith.constant 16 : i32
          %add3A_88 = vector.broadcast %add3A_87 : i32 to vector<16xi32>
          %add3A_89 = arith.addi %broadcast_in_dim3A, %add3A_88 : vector<16xi32>
          %select_n3A_90 = arith.select %lt3A_86, %add3A_89, %broadcast_in_dim3A : vector<16xi1>, vector<16xi32>
          %broadcast_in_dim3A_91 = vector.shape_cast %select_n3A_90 : vector<16xi32> to vector<16x1xi32>
          %gather3A_92 = vector.shape_cast %broadcast_in_dim3A_91 : vector<16x1xi32> to vector<16xi32>
          %gather3A_93 = tpu.dynamic_gather %get3A_63[%gather3A_92] in [0] : vector<16xf32>, vector<16xi32> -> vector<16xf32>
          %get3A_94 = arith.index_cast %add3A_76 : i32 to index
          %get3A_95 = arith.constant 0 : index
          %get3A_96 = tpu.vector_load %arg8[%get3A_94, %get3A_95] {strides = array<i32>} : memref<32x1024xf32, #tpu.memory_space<vmem>>, vector<1x16xf32>,
          %get3A_97 = vector.shape_cast %get3A_96 : vector<1x16xf32> to vector<16xf32>
          %get3A_98 = arith.index_cast %add3A_76 : i32 to index
          %get3A_99 = arith.constant 0 : index
          %get3A_100 = tpu.vector_load %arg9[%get3A_98, %get3A_99] {strides = array<i32>} : memref<32x1024xf32, #tpu.memory_space<vmem>>, vector<1x16xf32>,
          %get3A_101 = vector.shape_cast %get3A_100 : vector<1x16xf32> to vector<16xf32>
          %mul3A_102 = arith.mulf %get3A_97, %gather3A_83 : vector<16xf32>
          %mul3A_103 = arith.mulf %get3A_101, %gather3A_93 : vector<16xf32>
          %add3A_104 = arith.addf %mul3A_102, %mul3A_103 : vector<16xf32>
          %swap3A = arith.index_cast %add3A_76 : i32 to index
          %swap3A_105 = arith.constant 0 : index
          %swap3A_106 = tpu.vector_load %arg8[%swap3A, %swap3A_105] {strides = array<i32>} : memref<32x1024xf32, #tpu.memory_space<vmem>>, vector<1x16xf32>,
          %swap3A_107 = vector.shape_cast %swap3A_106 : vector<1x16xf32> to vector<16xf32>
          %swap3A_108 = vector.shape_cast %add3A_104 : vector<16xf32> to vector<1x16xf32>
          tpu.vector_store %arg8[%swap3A, %swap3A_105], %swap3A_108 {strides = array<i32>} : memref<32x1024xf32, #tpu.memory_space<vmem>>, vector<1x16xf32>,
          %get3A_109 = arith.index_cast %add3A_76 : i32 to index
          %get3A_110 = arith.constant 16 : index
          %get3A_111 = tpu.vector_load %arg8[%get3A_109, %get3A_110] {strides = array<i32>} : memref<32x1024xf32, #tpu.memory_space<vmem>>, vector<1x16xf32>,
          %get3A_112 = vector.shape_cast %get3A_111 : vector<1x16xf32> to vector<16xf32>
          %get3A_113 = arith.index_cast %add3A_76 : i32 to index
          %get3A_114 = arith.constant 16 : index
          %get3A_115 = tpu.vector_load %arg9[%get3A_113, %get3A_114] {strides = array<i32>} : memref<32x1024xf32, #tpu.memory_space<vmem>>, vector<1x16xf32>,
          %get3A_116 = vector.shape_cast %get3A_115 : vector<1x16xf32> to vector<16xf32>
          %mul3A_117 = arith.mulf %get3A_112, %gather3A_83 : vector<16xf32>
          %mul3A_118 = arith.mulf %get3A_116, %gather3A_93 : vector<16xf32>
          %add3A_119 = arith.addf %mul3A_117, %mul3A_118 : vector<16xf32>
          %swap3A_120 = arith.index_cast %add3A_76 : i32 to index
          %swap3A_121 = arith.constant 16 : index
          %swap3A_122 = tpu.vector_load %arg8[%swap3A_120, %swap3A_121] {strides = array<i32>} : memref<32x1024xf32, #tpu.memory_space<vmem>>, vector<1x16xf32>,
          %swap3A_123 = vector.shape_cast %swap3A_122 : vector<1x16xf32> to vector<16xf32>
          %swap3A_124 = vector.shape_cast %add3A_119 : vector<16xf32> to vector<1x16xf32>
          tpu.vector_store %arg8[%swap3A_120, %swap3A_121], %swap3A_124 {strides = array<i32>} : memref<32x1024xf32, #tpu.memory_space<vmem>>, vector<1x16xf32>,
          %get3A_125 = arith.index_cast %add3A_76 : i32 to index
          %get3A_126 = arith.constant 32 : index
          %get3A_127 = tpu.vector_load %arg8[%get3A_125, %get3A_126] {strides = array<i32>} : memref<32x1024xf32, #tpu.memory_space<vmem>>, vector<1x16xf32>,
          %get3A_128 = vector.shape_cast %get3A_127 : vector<1x16xf32> to vector<16xf32>
          %get3A_129 = arith.index_cast %add3A_76 : i32 to index
          %get3A_130 = arith.constant 32 : index
          %get3A_131 = tpu.vector_load %arg9[%get3A_129, %get3A_130] {strides = array<i32>} : memref<32x1024xf32, #tpu.memory_space<vmem>>, vector<1x16xf32>,
          %get3A_132 = vector.shape_cast %get3A_131 : vector<1x16xf32> to vector<16xf32>
          %mul3A_133 = arith.mulf %get3A_128, %gather3A_83 : vector<16xf32>
          %mul3A_134 = arith.mulf %get3A_132, %gather3A_93 : vector<16xf32>
          %add3A_135 = arith.addf %mul3A_133, %mul3A_134 : vector<16xf32>
          %swap3A_136 = arith.index_cast %add3A_76 : i32 to index
          %swap3A_137 = arith.constant 32 : index
          %swap3A_138 = tpu.vector_load %arg8[%swap3A_136, %swap3A_137] {strides = array<i32>} : memref<32x1024xf32, #tpu.memory_space<vmem>>, vector<1x16xf32>,
          %swap3A_139 = vector.shape_cast %swap3A_138 : vector<1x16xf32> to vector<16xf32>
          %swap3A_140 = vector.shape_cast %add3A_135 : vector<16xf32> to vector<1x16xf32>
          tpu.vector_store %arg8[%swap3A_136, %swap3A_137], %swap3A_140 {strides = array<i32>} : memref<32x1024xf32, #tpu.memory_space<vmem>>, vector<1x16xf32>,
          %get3A_141 = arith.index_cast %add3A_76 : i32 to index
          %get3A_142 = arith.constant 48 : index
          %get3A_143 = tpu.vector_load %arg8[%get3A_141, %get3A_142] {strides = array<i32>} : memref<32x1024xf32, #tpu.memory_space<vmem>>, vector<1x16xf32>,
          %get3A_144 = vector.shape_cast %get3A_143 : vector<1x16xf32> to vector<16xf32>
          %get3A_145 = arith.index_cast %add3A_76 : i32 to index
          %get3A_146 = arith.constant 48 : index
          %get3A_147 = tpu.vector_load %arg9[%get3A_145, %get3A_146] {strides = array<i32>} : memref<32x1024xf32, #tpu.memory_space<vmem>>, vector<1x16xf32>,
          %get3A_148 = vector.shape_cast %get3A_147 : vector<1x16xf32> to vector<16xf32>
          %mul3A_149 = arith.mulf %get3A_144, %gather3A_83 : vector<16xf32>
          %mul3A_150 = arith.mulf %get3A_148, %gather3A_93 : vector<16xf32>
          %add3A_151 = arith.addf %mul3A_149, %mul3A_150 : vector<16xf32>
          %swap3A_152 = arith.index_cast %add3A_76 : i32 to index
          %swap3A_153 = arith.constant 48 : index
          %swap3A_154 = tpu.vector_load %arg8[%swap3A_152, %swap3A_153] {strides = array<i32>} : memref<32x1024xf32, #tpu.memory_space<vmem>>, vector<1x16xf32>,
          %swap3A_155 = vector.shape_cast %swap3A_154 : vector<1x16xf32> to vector<16xf32>
          %swap3A_156 = vector.shape_cast %add3A_151 : vector<16xf32> to vector<1x16xf32>
          tpu.vector_store %arg8[%swap3A_152, %swap3A_153], %swap3A_156 {strides = array<i32>} : memref<32x1024xf32, #tpu.memory_space<vmem>>, vector<1x16xf32>,
          %get3A_157 = arith.index_cast %add3A_76 : i32 to index
          %get3A_158 = arith.constant 64 : index
          %get3A_159 = tpu.vector_load %arg8[%get3A_157, %get3A_158] {strides = array<i32>} : memref<32x1024xf32, #tpu.memory_space<vmem>>, vector<1x16xf32>,
          %get3A_160 = vector.shape_cast %get3A_159 : vector<1x16xf32> to vector<16xf32>
          %get3A_161 = arith.index_cast %add3A_76 : i32 to index
          %get3A_162 = arith.constant 64 : index
          %get3A_163 = tpu.vector_load %arg9[%get3A_161, %get3A_162] {strides = array<i32>} : memref<32x1024xf32, #tpu.memory_space<vmem>>, vector<1x16xf32>,
          %get3A_164 = vector.shape_cast %get3A_163 : vector<1x16xf32> to vector<16xf32>
          %mul3A_165 = arith.mulf %get3A_160, %gather3A_83 : vector<16xf32>
          %mul3A_166 = arith.mulf %get3A_164, %gather3A_93 : vector<16xf32>
          %add3A_167 = arith.addf %mul3A_165, %mul3A_166 : vector<16xf32>
          %swap3A_168 = arith.index_cast %add3A_76 : i32 to index
          %swap3A_169 = arith.constant 64 : index
          %swap3A_170 = tpu.vector_load %arg8[%swap3A_168, %swap3A_169] {strides = array<i32>} : memref<32x1024xf32, #tpu.memory_space<vmem>>, vector<1x16xf32>,
          %swap3A_171 = vector.shape_cast %swap3A_170 : vector<1x16xf32> to vector<16xf32>
          %swap3A_172 = vector.shape_cast %add3A_167 : vector<16xf32> to vector<1x16xf32>
          tpu.vector_store %arg8[%swap3A_168, %swap3A_169], %swap3A_172 {strides = array<i32>} : memref<32x1024xf32, #tpu.memory_space<vmem>>, vector<1x16xf32>,
          %get3A_173 = arith.index_cast %add3A_76 : i32 to index
          %get3A_174 = arith.constant 80 : index
          %get3A_175 = tpu.vector_load %arg8[%get3A_173, %get3A_174] {strides = array<i32>} : memref<32x1024xf32, #tpu.memory_space<vmem>>, vector<1x16xf32>,
          %get3A_176 = vector.shape_cast %get3A_175 : vector<1x16xf32> to vector<16xf32>
          %get3A_177 = arith.index_cast %add3A_76 : i32 to index
          %get3A_178 = arith.constant 80 : index
          %get3A_179 = tpu.vector_load %arg9[%get3A_177, %get3A_178] {strides = array<i32>} : memref<32x1024xf32, #tpu.memory_space<vmem>>, vector<1x16xf32>,
          %get3A_180 = vector.shape_cast %get3A_179 : vector<1x16xf32> to vector<16xf32>
          %mul3A_181 = arith.mulf %get3A_176, %gather3A_83 : vector<16xf32>
          %mul3A_182 = arith.mulf %get3A_180, %gather3A_93 : vector<16xf32>
          %add3A_183 = arith.addf %mul3A_181, %mul3A_182 : vector<16xf32>
          %swap3A_184 = arith.index_cast %add3A_76 : i32 to index
          %swap3A_185 = arith.constant 80 : index
          %swap3A_186 = tpu.vector_load %arg8[%swap3A_184, %swap3A_185] {strides = array<i32>} : memref<32x1024xf32, #tpu.memory_space<vmem>>, vector<1x16xf32>,
          %swap3A_187 = vector.shape_cast %swap3A_186 : vector<1x16xf32> to vector<16xf32>
          %swap3A_188 = vector.shape_cast %add3A_183 : vector<16xf32> to vector<1x16xf32>
          tpu.vector_store %arg8[%swap3A_184, %swap3A_185], %swap3A_188 {strides = array<i32>} : memref<32x1024xf32, #tpu.memory_space<vmem>>, vector<1x16xf32>,
          %get3A_189 = arith.index_cast %add3A_76 : i32 to index
          %get3A_190 = arith.constant 96 : index
          %get3A_191 = tpu.vector_load %arg8[%get3A_189, %get3A_190] {strides = array<i32>} : memref<32x1024xf32, #tpu.memory_space<vmem>>, vector<1x16xf32>,
          %get3A_192 = vector.shape_cast %get3A_191 : vector<1x16xf32> to vector<16xf32>
          %get3A_193 = arith.index_cast %add3A_76 : i32 to index
          %get3A_194 = arith.constant 96 : index
          %get3A_195 = tpu.vector_load %arg9[%get3A_193, %get3A_194] {strides = array<i32>} : memref<32x1024xf32, #tpu.memory_space<vmem>>, vector<1x16xf32>,
          %get3A_196 = vector.shape_cast %get3A_195 : vector<1x16xf32> to vector<16xf32>
          %mul3A_197 = arith.mulf %get3A_192, %gather3A_83 : vector<16xf32>
          %mul3A_198 = arith.mulf %get3A_196, %gather3A_93 : vector<16xf32>
          %add3A_199 = arith.addf %mul3A_197, %mul3A_198 : vector<16xf32>
          %swap3A_200 = arith.index_cast %add3A_76 : i32 to index
          %swap3A_201 = arith.constant 96 : index
          %swap3A_202 = tpu.vector_load %arg8[%swap3A_200, %swap3A_201] {strides = array<i32>} : memref<32x1024xf32, #tpu.memory_space<vmem>>, vector<1x16xf32>,
          %swap3A_203 = vector.shape_cast %swap3A_202 : vector<1x16xf32> to vector<16xf32>
          %swap3A_204 = vector.shape_cast %add3A_199 : vector<16xf32> to vector<1x16xf32>
          tpu.vector_store %arg8[%swap3A_200, %swap3A_201], %swap3A_204 {strides = array<i32>} : memref<32x1024xf32, #tpu.memory_space<vmem>>, vector<1x16xf32>,
          %get3A_205 = arith.index_cast %add3A_76 : i32 to index
          %get3A_206 = arith.constant 112 : index
          %get3A_207 = tpu.vector_load %arg8[%get3A_205, %get3A_206] {strides = array<i32>} : memref<32x1024xf32, #tpu.memory_space<vmem>>, vector<1x16xf32>,
          %get3A_208 = vector.shape_cast %get3A_207 : vector<1x16xf32> to vector<16xf32>
          %get3A_209 = arith.index_cast %add3A_76 : i32 to index
          %get3A_210 = arith.constant 112 : index
          %get3A_211 = tpu.vector_load %arg9[%get3A_209, %get3A_210] {strides = array<i32>} : memref<32x1024xf32, #tpu.memory_space<vmem>>, vector<1x16xf32>,
          %get3A_212 = vector.shape_cast %get3A_211 : vector<1x16xf32> to vector<16xf32>
          %mul3A_213 = arith.mulf %get3A_208, %gather3A_83 : vector<16xf32>
          %mul3A_214 = arith.mulf %get3A_212, %gather3A_93 : vector<16xf32>
          %add3A_215 = arith.addf %mul3A_213, %mul3A_214 : vector<16xf32>
          %swap3A_216 = arith.index_cast %add3A_76 : i32 to index
          %swap3A_217 = arith.constant 112 : index
          %swap3A_218 = tpu.vector_load %arg8[%swap3A_216, %swap3A_217] {strides = array<i32>} : memref<32x1024xf32, #tpu.memory_space<vmem>>, vector<1x16xf32>,
          %swap3A_219 = vector.shape_cast %swap3A_218 : vector<1x16xf32> to vector<16xf32>
          %swap3A_220 = vector.shape_cast %add3A_215 : vector<16xf32> to vector<1x16xf32>
          tpu.vector_store %arg8[%swap3A_216, %swap3A_217], %swap3A_220 {strides = array<i32>} : memref<32x1024xf32, #tpu.memory_space<vmem>>, vector<1x16xf32>,
          %get3A_221 = arith.index_cast %add3A_76 : i32 to index
          %get3A_222 = arith.constant 128 : index
          %get3A_223 = tpu.vector_load %arg8[%get3A_221, %get3A_222] {strides = array<i32>} : memref<32x1024xf32, #tpu.memory_space<vmem>>, vector<1x16xf32>,
          %get3A_224 = vector.shape_cast %get3A_223 : vector<1x16xf32> to vector<16xf32>
          %get3A_225 = arith.index_cast %add3A_76 : i32 to index
          %get3A_226 = arith.constant 128 : index
          %get3A_227 = tpu.vector_load %arg9[%get3A_225, %get3A_226] {strides = array<i32>} : memref<32x1024xf32, #tpu.memory_space<vmem>>, vector<1x16xf32>,
          %get3A_228 = vector.shape_cast %get3A_227 : vector<1x16xf32> to vector<16xf32>
          %mul3A_229 = arith.mulf %get3A_224, %gather3A_83 : vector<16xf32>
          %mul3A_230 = arith.mulf %get3A_228, %gather3A_93 : vector<16xf32>
          %add3A_231 = arith.addf %mul3A_229, %mul3A_230 : vector<16xf32>
          %swap3A_232 = arith.index_cast %add3A_76 : i32 to index
          %swap3A_233 = arith.constant 128 : index
          %swap3A_234 = tpu.vector_load %arg8[%swap3A_232, %swap3A_233] {strides = array<i32>} : memref<32x1024xf32, #tpu.memory_space<vmem>>, vector<1x16xf32>,
          %swap3A_235 = vector.shape_cast %swap3A_234 : vector<1x16xf32> to vector<16xf32>
          %swap3A_236 = vector.shape_cast %add3A_231 : vector<16xf32> to vector<1x16xf32>
          tpu.vector_store %arg8[%swap3A_232, %swap3A_233], %swap3A_236 {strides = array<i32>} : memref<32x1024xf32, #tpu.memory_space<vmem>>, vector<1x16xf32>,
          %get3A_237 = arith.index_cast %add3A_76 : i32 to index
          %get3A_238 = arith.constant 144 : index
          %get3A_239 = tpu.vector_load %arg8[%get3A_237, %get3A_238] {strides = array<i32>} : memref<32x1024xf32, #tpu.memory_space<vmem>>, vector<1x16xf32>,
          %get3A_240 = vector.shape_cast %get3A_239 : vector<1x16xf32> to vector<16xf32>
          %get3A_241 = arith.index_cast %add3A_76 : i32 to index
          %get3A_242 = arith.constant 144 : index
          %get3A_243 = tpu.vector_load %arg9[%get3A_241, %get3A_242] {strides = array<i32>} : memref<32x1024xf32, #tpu.memory_space<vmem>>, vector<1x16xf32>,
          %get3A_244 = vector.shape_cast %get3A_243 : vector<1x16xf32> to vector<16xf32>
          %mul3A_245 = arith.mulf %get3A_240, %gather3A_83 : vector<16xf32>
          %mul3A_246 = arith.mulf %get3A_244, %gather3A_93 : vector<16xf32>
          %add3A_247 = arith.addf %mul3A_245, %mul3A_246 : vector<16xf32>
          %swap3A_248 = arith.index_cast %add3A_76 : i32 to index
          %swap3A_249 = arith.constant 144 : index
          %swap3A_250 = tpu.vector_load %arg8[%swap3A_248, %swap3A_249] {strides = array<i32>} : memref<32x1024xf32, #tpu.memory_space<vmem>>, vector<1x16xf32>,
          %swap3A_251 = vector.shape_cast %swap3A_250 : vector<1x16xf32> to vector<16xf32>
          %swap3A_252 = vector.shape_cast %add3A_247 : vector<16xf32> to vector<1x16xf32>
          tpu.vector_store %arg8[%swap3A_248, %swap3A_249], %swap3A_252 {strides = array<i32>} : memref<32x1024xf32, #tpu.memory_space<vmem>>, vector<1x16xf32>,
          %get3A_253 = arith.index_cast %add3A_76 : i32 to index
          %get3A_254 = arith.constant 160 : index
          %get3A_255 = tpu.vector_load %arg8[%get3A_253, %get3A_254] {strides = array<i32>} : memref<32x1024xf32, #tpu.memory_space<vmem>>, vector<1x16xf32>,
          %get3A_256 = vector.shape_cast %get3A_255 : vector<1x16xf32> to vector<16xf32>
          %get3A_257 = arith.index_cast %add3A_76 : i32 to index
          %get3A_258 = arith.constant 160 : index
          %get3A_259 = tpu.vector_load %arg9[%get3A_257, %get3A_258] {strides = array<i32>} : memref<32x1024xf32, #tpu.memory_space<vmem>>, vector<1x16xf32>,
          %get3A_260 = vector.shape_cast %get3A_259 : vector<1x16xf32> to vector<16xf32>
          %mul3A_261 = arith.mulf %get3A_256, %gather3A_83 : vector<16xf32>
          %mul3A_262 = arith.mulf %get3A_260, %gather3A_93 : vector<16xf32>
          %add3A_263 = arith.addf %mul3A_261, %mul3A_262 : vector<16xf32>
          %swap3A_264 = arith.index_cast %add3A_76 : i32 to index
          %swap3A_265 = arith.constant 160 : index
          %swap3A_266 = tpu.vector_load %arg8[%swap3A_264, %swap3A_265] {strides = array<i32>} : memref<32x1024xf32, #tpu.memory_space<vmem>>, vector<1x16xf32>,
          %swap3A_267 = vector.shape_cast %swap3A_266 : vector<1x16xf32> to vector<16xf32>
          %swap3A_268 = vector.shape_cast %add3A_263 : vector<16xf32> to vector<1x16xf32>
          tpu.vector_store %arg8[%swap3A_264, %swap3A_265], %swap3A_268 {strides = array<i32>} : memref<32x1024xf32, #tpu.memory_space<vmem>>, vector<1x16xf32>,
          %get3A_269 = arith.index_cast %add3A_76 : i32 to index
          %get3A_270 = arith.constant 176 : index
          %get3A_271 = tpu.vector_load %arg8[%get3A_269, %get3A_270] {strides = array<i32>} : memref<32x1024xf32, #tpu.memory_space<vmem>>, vector<1x16xf32>,
          %get3A_272 = vector.shape_cast %get3A_271 : vector<1x16xf32> to vector<16xf32>
          %get3A_273 = arith.index_cast %add3A_76 : i32 to index
          %get3A_274 = arith.constant 176 : index
          %get3A_275 = tpu.vector_load %arg9[%get3A_273, %get3A_274] {strides = array<i32>} : memref<32x1024xf32, #tpu.memory_space<vmem>>, vector<1x16xf32>,
          %get3A_276 = vector.shape_cast %get3A_275 : vector<1x16xf32> to vector<16xf32>
          %mul3A_277 = arith.mulf %get3A_272, %gather3A_83 : vector<16xf32>
          %mul3A_278 = arith.mulf %get3A_276, %gather3A_93 : vector<16xf32>
          %add3A_279 = arith.addf %mul3A_277, %mul3A_278 : vector<16xf32>
          %swap3A_280 = arith.index_cast %add3A_76 : i32 to index
          %swap3A_281 = arith.constant 176 : index
          %swap3A_282 = tpu.vector_load %arg8[%swap3A_280, %swap3A_281] {strides = array<i32>} : memref<32x1024xf32, #tpu.memory_space<vmem>>, vector<1x16xf32>,
          %swap3A_283 = vector.shape_cast %swap3A_282 : vector<1x16xf32> to vector<16xf32>
          %swap3A_284 = vector.shape_cast %add3A_279 : vector<16xf32> to vector<1x16xf32>
          tpu.vector_store %arg8[%swap3A_280, %swap3A_281], %swap3A_284 {strides = array<i32>} : memref<32x1024xf32, #tpu.memory_space<vmem>>, vector<1x16xf32>,
          %get3A_285 = arith.index_cast %add3A_76 : i32 to index
          %get3A_286 = arith.constant 192 : index
          %get3A_287 = tpu.vector_load %arg8[%get3A_285, %get3A_286] {strides = array<i32>} : memref<32x1024xf32, #tpu.memory_space<vmem>>, vector<1x16xf32>,
          %get3A_288 = vector.shape_cast %get3A_287 : vector<1x16xf32> to vector<16xf32>
          %get3A_289 = arith.index_cast %add3A_76 : i32 to index
          %get3A_290 = arith.constant 192 : index
          %get3A_291 = tpu.vector_load %arg9[%get3A_289, %get3A_290] {strides = array<i32>} : memref<32x1024xf32, #tpu.memory_space<vmem>>, vector<1x16xf32>,
          %get3A_292 = vector.shape_cast %get3A_291 : vector<1x16xf32> to vector<16xf32>
          %mul3A_293 = arith.mulf %get3A_288, %gather3A_83 : vector<16xf32>
          %mul3A_294 = arith.mulf %get3A_292, %gather3A_93 : vector<16xf32>
          %add3A_295 = arith.addf %mul3A_293, %mul3A_294 : vector<16xf32>
          %swap3A_296 = arith.index_cast %add3A_76 : i32 to index
          %swap3A_297 = arith.constant 192 : index
          %swap3A_298 = tpu.vector_load %arg8[%swap3A_296, %swap3A_297] {strides = array<i32>} : memref<32x1024xf32, #tpu.memory_space<vmem>>, vector<1x16xf32>,
          %swap3A_299 = vector.shape_cast %swap3A_298 : vector<1x16xf32> to vector<16xf32>
          %swap3A_300 = vector.shape_cast %add3A_295 : vector<16xf32> to vector<1x16xf32>
          tpu.vector_store %arg8[%swap3A_296, %swap3A_297], %swap3A_300 {strides = array<i32>} : memref<32x1024xf32, #tpu.memory_space<vmem>>, vector<1x16xf32>,
          %get3A_301 = arith.index_cast %add3A_76 : i32 to index
          %get3A_302 = arith.constant 208 : index
          %get3A_303 = tpu.vector_load %arg8[%get3A_301, %get3A_302] {strides = array<i32>} : memref<32x1024xf32, #tpu.memory_space<vmem>>, vector<1x16xf32>,
          %get3A_304 = vector.shape_cast %get3A_303 : vector<1x16xf32> to vector<16xf32>
          %get3A_305 = arith.index_cast %add3A_76 : i32 to index
          %get3A_306 = arith.constant 208 : index
          %get3A_307 = tpu.vector_load %arg9[%get3A_305, %get3A_306] {strides = array<i32>} : memref<32x1024xf32, #tpu.memory_space<vmem>>, vector<1x16xf32>,
          %get3A_308 = vector.shape_cast %get3A_307 : vector<1x16xf32> to vector<16xf32>
          %mul3A_309 = arith.mulf %get3A_304, %gather3A_83 : vector<16xf32>
          %mul3A_310 = arith.mulf %get3A_308, %gather3A_93 : vector<16xf32>
          %add3A_311 = arith.addf %mul3A_309, %mul3A_310 : vector<16xf32>
          %swap3A_312 = arith.index_cast %add3A_76 : i32 to index
          %swap3A_313 = arith.constant 208 : index
          %swap3A_314 = tpu.vector_load %arg8[%swap3A_312, %swap3A_313] {strides = array<i32>} : memref<32x1024xf32, #tpu.memory_space<vmem>>, vector<1x16xf32>,
          %swap3A_315 = vector.shape_cast %swap3A_314 : vector<1x16xf32> to vector<16xf32>
          %swap3A_316 = vector.shape_cast %add3A_311 : vector<16xf32> to vector<1x16xf32>
          tpu.vector_store %arg8[%swap3A_312, %swap3A_313], %swap3A_316 {strides = array<i32>} : memref<32x1024xf32, #tpu.memory_space<vmem>>, vector<1x16xf32>,
          %get3A_317 = arith.index_cast %add3A_76 : i32 to index
          %get3A_318 = arith.constant 224 : index
          %get3A_319 = tpu.vector_load %arg8[%get3A_317, %get3A_318] {strides = array<i32>} : memref<32x1024xf32, #tpu.memory_space<vmem>>, vector<1x16xf32>,
          %get3A_320 = vector.shape_cast %get3A_319 : vector<1x16xf32> to vector<16xf32>
          %get3A_321 = arith.index_cast %add3A_76 : i32 to index
          %get3A_322 = arith.constant 224 : index
          %get3A_323 = tpu.vector_load %arg9[%get3A_321, %get3A_322] {strides = array<i32>} : memref<32x1024xf32, #tpu.memory_space<vmem>>, vector<1x16xf32>,
          %get3A_324 = vector.shape_cast %get3A_323 : vector<1x16xf32> to vector<16xf32>
          %mul3A_325 = arith.mulf %get3A_320, %gather3A_83 : vector<16xf32>
          %mul3A_326 = arith.mulf %get3A_324, %gather3A_93 : vector<16xf32>
          %add3A_327 = arith.addf %mul3A_325, %mul3A_326 : vector<16xf32>
          %swap3A_328 = arith.index_cast %add3A_76 : i32 to index
          %swap3A_329 = arith.constant 224 : index
          %swap3A_330 = tpu.vector_load %arg8[%swap3A_328, %swap3A_329] {strides = array<i32>} : memref<32x1024xf32, #tpu.memory_space<vmem>>, vector<1x16xf32>,
          %swap3A_331 = vector.shape_cast %swap3A_330 : vector<1x16xf32> to vector<16xf32>
          %swap3A_332 = vector.shape_cast %add3A_327 : vector<16xf32> to vector<1x16xf32>
          tpu.vector_store %arg8[%swap3A_328, %swap3A_329], %swap3A_332 {strides = array<i32>} : memref<32x1024xf32, #tpu.memory_space<vmem>>, vector<1x16xf32>,
          %get3A_333 = arith.index_cast %add3A_76 : i32 to index
          %get3A_334 = arith.constant 240 : index
          %get3A_335 = tpu.vector_load %arg8[%get3A_333, %get3A_334] {strides = array<i32>} : memref<32x1024xf32, #tpu.memory_space<vmem>>, vector<1x16xf32>,
          %get3A_336 = vector.shape_cast %get3A_335 : vector<1x16xf32> to vector<16xf32>
          %get3A_337 = arith.index_cast %add3A_76 : i32 to index
          %get3A_338 = arith.constant 240 : index
          %get3A_339 = tpu.vector_load %arg9[%get3A_337, %get3A_338] {strides = array<i32>} : memref<32x1024xf32, #tpu.memory_space<vmem>>, vector<1x16xf32>,
          %get3A_340 = vector.shape_cast %get3A_339 : vector<1x16xf32> to vector<16xf32>
          %mul3A_341 = arith.mulf %get3A_336, %gather3A_83 : vector<16xf32>
          %mul3A_342 = arith.mulf %get3A_340, %gather3A_93 : vector<16xf32>
          %add3A_343 = arith.addf %mul3A_341, %mul3A_342 : vector<16xf32>
          %swap3A_344 = arith.index_cast %add3A_76 : i32 to index
          %swap3A_345 = arith.constant 240 : index
          %swap3A_346 = tpu.vector_load %arg8[%swap3A_344, %swap3A_345] {strides = array<i32>} : memref<32x1024xf32, #tpu.memory_space<vmem>>, vector<1x16xf32>,
          %swap3A_347 = vector.shape_cast %swap3A_346 : vector<1x16xf32> to vector<16xf32>
          %swap3A_348 = vector.shape_cast %add3A_343 : vector<16xf32> to vector<1x16xf32>
          tpu.vector_store %arg8[%swap3A_344, %swap3A_345], %swap3A_348 {strides = array<i32>} : memref<32x1024xf32, #tpu.memory_space<vmem>>, vector<1x16xf32>,
          %get3A_349 = arith.index_cast %add3A_76 : i32 to index
          %get3A_350 = arith.constant 256 : index
          %get3A_351 = tpu.vector_load %arg8[%get3A_349, %get3A_350] {strides = array<i32>} : memref<32x1024xf32, #tpu.memory_space<vmem>>, vector<1x16xf32>,
          %get3A_352 = vector.shape_cast %get3A_351 : vector<1x16xf32> to vector<16xf32>
          %get3A_353 = arith.index_cast %add3A_76 : i32 to index
          %get3A_354 = arith.constant 256 : index
          %get3A_355 = tpu.vector_load %arg9[%get3A_353, %get3A_354] {strides = array<i32>} : memref<32x1024xf32, #tpu.memory_space<vmem>>, vector<1x16xf32>,
          %get3A_356 = vector.shape_cast %get3A_355 : vector<1x16xf32> to vector<16xf32>
          %mul3A_357 = arith.mulf %get3A_352, %gather3A_83 : vector<16xf32>
          %mul3A_358 = arith.mulf %get3A_356, %gather3A_93 : vector<16xf32>
          %add3A_359 = arith.addf %mul3A_357, %mul3A_358 : vector<16xf32>
          %swap3A_360 = arith.index_cast %add3A_76 : i32 to index
          %swap3A_361 = arith.constant 256 : index
          %swap3A_362 = tpu.vector_load %arg8[%swap3A_360, %swap3A_361] {strides = array<i32>} : memref<32x1024xf32, #tpu.memory_space<vmem>>, vector<1x16xf32>,
          %swap3A_363 = vector.shape_cast %swap3A_362 : vector<1x16xf32> to vector<16xf32>
          %swap3A_364 = vector.shape_cast %add3A_359 : vector<16xf32> to vector<1x16xf32>
          tpu.vector_store %arg8[%swap3A_360, %swap3A_361], %swap3A_364 {strides = array<i32>} : memref<32x1024xf32, #tpu.memory_space<vmem>>, vector<1x16xf32>,
          %get3A_365 = arith.index_cast %add3A_76 : i32 to index
          %get3A_366 = arith.constant 272 : index
          %get3A_367 = tpu.vector_load %arg8[%get3A_365, %get3A_366] {strides = array<i32>} : memref<32x1024xf32, #tpu.memory_space<vmem>>, vector<1x16xf32>,
          %get3A_368 = vector.shape_cast %get3A_367 : vector<1x16xf32> to vector<16xf32>
          %get3A_369 = arith.index_cast %add3A_76 : i32 to index
          %get3A_370 = arith.constant 272 : index
          %get3A_371 = tpu.vector_load %arg9[%get3A_369, %get3A_370] {strides = array<i32>} : memref<32x1024xf32, #tpu.memory_space<vmem>>, vector<1x16xf32>,
          %get3A_372 = vector.shape_cast %get3A_371 : vector<1x16xf32> to vector<16xf32>
          %mul3A_373 = arith.mulf %get3A_368, %gather3A_83 : vector<16xf32>
          %mul3A_374 = arith.mulf %get3A_372, %gather3A_93 : vector<16xf32>
          %add3A_375 = arith.addf %mul3A_373, %mul3A_374 : vector<16xf32>
          %swap3A_376 = arith.index_cast %add3A_76 : i32 to index
          %swap3A_377 = arith.constant 272 : index
          %swap3A_378 = tpu.vector_load %arg8[%swap3A_376, %swap3A_377] {strides = array<i32>} : memref<32x1024xf32, #tpu.memory_space<vmem>>, vector<1x16xf32>,
          %swap3A_379 = vector.shape_cast %swap3A_378 : vector<1x16xf32> to vector<16xf32>
          %swap3A_380 = vector.shape_cast %add3A_375 : vector<16xf32> to vector<1x16xf32>
          tpu.vector_store %arg8[%swap3A_376, %swap3A_377], %swap3A_380 {strides = array<i32>} : memref<32x1024xf32, #tpu.memory_space<vmem>>, vector<1x16xf32>,
          %get3A_381 = arith.index_cast %add3A_76 : i32 to index
          %get3A_382 = arith.constant 288 : index
          %get3A_383 = tpu.vector_load %arg8[%get3A_381, %get3A_382] {strides = array<i32>} : memref<32x1024xf32, #tpu.memory_space<vmem>>, vector<1x16xf32>,
          %get3A_384 = vector.shape_cast %get3A_383 : vector<1x16xf32> to vector<16xf32>
          %get3A_385 = arith.index_cast %add3A_76 : i32 to index
          %get3A_386 = arith.constant 288 : index
          %get3A_387 = tpu.vector_load %arg9[%get3A_385, %get3A_386] {strides = array<i32>} : memref<32x1024xf32, #tpu.memory_space<vmem>>, vector<1x16xf32>,
          %get3A_388 = vector.shape_cast %get3A_387 : vector<1x16xf32> to vector<16xf32>
          %mul3A_389 = arith.mulf %get3A_384, %gather3A_83 : vector<16xf32>
          %mul3A_390 = arith.mulf %get3A_388, %gather3A_93 : vector<16xf32>
          %add3A_391 = arith.addf %mul3A_389, %mul3A_390 : vector<16xf32>
          %swap3A_392 = arith.index_cast %add3A_76 : i32 to index
          %swap3A_393 = arith.constant 288 : index
          %swap3A_394 = tpu.vector_load %arg8[%swap3A_392, %swap3A_393] {strides = array<i32>} : memref<32x1024xf32, #tpu.memory_space<vmem>>, vector<1x16xf32>,
          %swap3A_395 = vector.shape_cast %swap3A_394 : vector<1x16xf32> to vector<16xf32>
          %swap3A_396 = vector.shape_cast %add3A_391 : vector<16xf32> to vector<1x16xf32>
          tpu.vector_store %arg8[%swap3A_392, %swap3A_393], %swap3A_396 {strides = array<i32>} : memref<32x1024xf32, #tpu.memory_space<vmem>>, vector<1x16xf32>,
          %get3A_397 = arith.index_cast %add3A_76 : i32 to index
          %get3A_398 = arith.constant 304 : index
          %get3A_399 = tpu.vector_load %arg8[%get3A_397, %get3A_398] {strides = array<i32>} : memref<32x1024xf32, #tpu.memory_space<vmem>>, vector<1x16xf32>,
          %get3A_400 = vector.shape_cast %get3A_399 : vector<1x16xf32> to vector<16xf32>
          %get3A_401 = arith.index_cast %add3A_76 : i32 to index
          %get3A_402 = arith.constant 304 : index
          %get3A_403 = tpu.vector_load %arg9[%get3A_401, %get3A_402] {strides = array<i32>} : memref<32x1024xf32, #tpu.memory_space<vmem>>, vector<1x16xf32>,
          %get3A_404 = vector.shape_cast %get3A_403 : vector<1x16xf32> to vector<16xf32>
          %mul3A_405 = arith.mulf %get3A_400, %gather3A_83 : vector<16xf32>
          %mul3A_406 = arith.mulf %get3A_404, %gather3A_93 : vector<16xf32>
          %add3A_407 = arith.addf %mul3A_405, %mul3A_406 : vector<16xf32>
          %swap3A_408 = arith.index_cast %add3A_76 : i32 to index
          %swap3A_409 = arith.constant 304 : index
          %swap3A_410 = tpu.vector_load %arg8[%swap3A_408, %swap3A_409] {strides = array<i32>} : memref<32x1024xf32, #tpu.memory_space<vmem>>, vector<1x16xf32>,
          %swap3A_411 = vector.shape_cast %swap3A_410 : vector<1x16xf32> to vector<16xf32>
          %swap3A_412 = vector.shape_cast %add3A_407 : vector<16xf32> to vector<1x16xf32>
          tpu.vector_store %arg8[%swap3A_408, %swap3A_409], %swap3A_412 {strides = array<i32>} : memref<32x1024xf32, #tpu.memory_space<vmem>>, vector<1x16xf32>,
          %get3A_413 = arith.index_cast %add3A_76 : i32 to index
          %get3A_414 = arith.constant 320 : index
          %get3A_415 = tpu.vector_load %arg8[%get3A_413, %get3A_414] {strides = array<i32>} : memref<32x1024xf32, #tpu.memory_space<vmem>>, vector<1x16xf32>,
          %get3A_416 = vector.shape_cast %get3A_415 : vector<1x16xf32> to vector<16xf32>
          %get3A_417 = arith.index_cast %add3A_76 : i32 to index
          %get3A_418 = arith.constant 320 : index
          %get3A_419 = tpu.vector_load %arg9[%get3A_417, %get3A_418] {strides = array<i32>} : memref<32x1024xf32, #tpu.memory_space<vmem>>, vector<1x16xf32>,
          %get3A_420 = vector.shape_cast %get3A_419 : vector<1x16xf32> to vector<16xf32>
          %mul3A_421 = arith.mulf %get3A_416, %gather3A_83 : vector<16xf32>
          %mul3A_422 = arith.mulf %get3A_420, %gather3A_93 : vector<16xf32>
          %add3A_423 = arith.addf %mul3A_421, %mul3A_422 : vector<16xf32>
          %swap3A_424 = arith.index_cast %add3A_76 : i32 to index
          %swap3A_425 = arith.constant 320 : index
          %swap3A_426 = tpu.vector_load %arg8[%swap3A_424, %swap3A_425] {strides = array<i32>} : memref<32x1024xf32, #tpu.memory_space<vmem>>, vector<1x16xf32>,
          %swap3A_427 = vector.shape_cast %swap3A_426 : vector<1x16xf32> to vector<16xf32>
          %swap3A_428 = vector.shape_cast %add3A_423 : vector<16xf32> to vector<1x16xf32>
          tpu.vector_store %arg8[%swap3A_424, %swap3A_425], %swap3A_428 {strides = array<i32>} : memref<32x1024xf32, #tpu.memory_space<vmem>>, vector<1x16xf32>,
          %get3A_429 = arith.index_cast %add3A_76 : i32 to index
          %get3A_430 = arith.constant 336 : index
          %get3A_431 = tpu.vector_load %arg8[%get3A_429, %get3A_430] {strides = array<i32>} : memref<32x1024xf32, #tpu.memory_space<vmem>>, vector<1x16xf32>,
          %get3A_432 = vector.shape_cast %get3A_431 : vector<1x16xf32> to vector<16xf32>
          %get3A_433 = arith.index_cast %add3A_76 : i32 to index
          %get3A_434 = arith.constant 336 : index
          %get3A_435 = tpu.vector_load %arg9[%get3A_433, %get3A_434] {strides = array<i32>} : memref<32x1024xf32, #tpu.memory_space<vmem>>, vector<1x16xf32>,
          %get3A_436 = vector.shape_cast %get3A_435 : vector<1x16xf32> to vector<16xf32>
          %mul3A_437 = arith.mulf %get3A_432, %gather3A_83 : vector<16xf32>
          %mul3A_438 = arith.mulf %get3A_436, %gather3A_93 : vector<16xf32>
          %add3A_439 = arith.addf %mul3A_437, %mul3A_438 : vector<16xf32>
          %swap3A_440 = arith.index_cast %add3A_76 : i32 to index
          %swap3A_441 = arith.constant 336 : index
          %swap3A_442 = tpu.vector_load %arg8[%swap3A_440, %swap3A_441] {strides = array<i32>} : memref<32x1024xf32, #tpu.memory_space<vmem>>, vector<1x16xf32>,
          %swap3A_443 = vector.shape_cast %swap3A_442 : vector<1x16xf32> to vector<16xf32>
          %swap3A_444 = vector.shape_cast %add3A_439 : vector<16xf32> to vector<1x16xf32>
          tpu.vector_store %arg8[%swap3A_440, %swap3A_441], %swap3A_444 {strides = array<i32>} : memref<32x1024xf32, #tpu.memory_space<vmem>>, vector<1x16xf32>,
          %get3A_445 = arith.index_cast %add3A_76 : i32 to index
          %get3A_446 = arith.constant 352 : index
          %get3A_447 = tpu.vector_load %arg8[%get3A_445, %get3A_446] {strides = array<i32>} : memref<32x1024xf32, #tpu.memory_space<vmem>>, vector<1x16xf32>,
          %get3A_448 = vector.shape_cast %get3A_447 : vector<1x16xf32> to vector<16xf32>
          %get3A_449 = arith.index_cast %add3A_76 : i32 to index
          %get3A_450 = arith.constant 352 : index
          %get3A_451 = tpu.vector_load %arg9[%get3A_449, %get3A_450] {strides = array<i32>} : memref<32x1024xf32, #tpu.memory_space<vmem>>, vector<1x16xf32>,
          %get3A_452 = vector.shape_cast %get3A_451 : vector<1x16xf32> to vector<16xf32>
          %mul3A_453 = arith.mulf %get3A_448, %gather3A_83 : vector<16xf32>
          %mul3A_454 = arith.mulf %get3A_452, %gather3A_93 : vector<16xf32>
          %add3A_455 = arith.addf %mul3A_453, %mul3A_454 : vector<16xf32>
          %swap3A_456 = arith.index_cast %add3A_76 : i32 to index
          %swap3A_457 = arith.constant 352 : index
          %swap3A_458 = tpu.vector_load %arg8[%swap3A_456, %swap3A_457] {strides = array<i32>} : memref<32x1024xf32, #tpu.memory_space<vmem>>, vector<1x16xf32>,
          %swap3A_459 = vector.shape_cast %swap3A_458 : vector<1x16xf32> to vector<16xf32>
          %swap3A_460 = vector.shape_cast %add3A_455 : vector<16xf32> to vector<1x16xf32>
          tpu.vector_store %arg8[%swap3A_456, %swap3A_457], %swap3A_460 {strides = array<i32>} : memref<32x1024xf32, #tpu.memory_space<vmem>>, vector<1x16xf32>,
          %get3A_461 = arith.index_cast %add3A_76 : i32 to index
          %get3A_462 = arith.constant 368 : index
          %get3A_463 = tpu.vector_load %arg8[%get3A_461, %get3A_462] {strides = array<i32>} : memref<32x1024xf32, #tpu.memory_space<vmem>>, vector<1x16xf32>,
          %get3A_464 = vector.shape_cast %get3A_463 : vector<1x16xf32> to vector<16xf32>
          %get3A_465 = arith.index_cast %add3A_76 : i32 to index
          %get3A_466 = arith.constant 368 : index
          %get3A_467 = tpu.vector_load %arg9[%get3A_465, %get3A_466] {strides = array<i32>} : memref<32x1024xf32, #tpu.memory_space<vmem>>, vector<1x16xf32>,
          %get3A_468 = vector.shape_cast %get3A_467 : vector<1x16xf32> to vector<16xf32>
          %mul3A_469 = arith.mulf %get3A_464, %gather3A_83 : vector<16xf32>
          %mul3A_470 = arith.mulf %get3A_468, %gather3A_93 : vector<16xf32>
          %add3A_471 = arith.addf %mul3A_469, %mul3A_470 : vector<16xf32>
          %swap3A_472 = arith.index_cast %add3A_76 : i32 to index
          %swap3A_473 = arith.constant 368 : index
          %swap3A_474 = tpu.vector_load %arg8[%swap3A_472, %swap3A_473] {strides = array<i32>} : memref<32x1024xf32, #tpu.memory_space<vmem>>, vector<1x16xf32>,
          %swap3A_475 = vector.shape_cast %swap3A_474 : vector<1x16xf32> to vector<16xf32>
          %swap3A_476 = vector.shape_cast %add3A_471 : vector<16xf32> to vector<1x16xf32>
          tpu.vector_store %arg8[%swap3A_472, %swap3A_473], %swap3A_476 {strides = array<i32>} : memref<32x1024xf32, #tpu.memory_space<vmem>>, vector<1x16xf32>,
          %get3A_477 = arith.index_cast %add3A_76 : i32 to index
          %get3A_478 = arith.constant 384 : index
          %get3A_479 = tpu.vector_load %arg8[%get3A_477, %get3A_478] {strides = array<i32>} : memref<32x1024xf32, #tpu.memory_space<vmem>>, vector<1x16xf32>,
          %get3A_480 = vector.shape_cast %get3A_479 : vector<1x16xf32> to vector<16xf32>
          %get3A_481 = arith.index_cast %add3A_76 : i32 to index
          %get3A_482 = arith.constant 384 : index
          %get3A_483 = tpu.vector_load %arg9[%get3A_481, %get3A_482] {strides = array<i32>} : memref<32x1024xf32, #tpu.memory_space<vmem>>, vector<1x16xf32>,
          %get3A_484 = vector.shape_cast %get3A_483 : vector<1x16xf32> to vector<16xf32>
          %mul3A_485 = arith.mulf %get3A_480, %gather3A_83 : vector<16xf32>
          %mul3A_486 = arith.mulf %get3A_484, %gather3A_93 : vector<16xf32>
          %add3A_487 = arith.addf %mul3A_485, %mul3A_486 : vector<16xf32>
          %swap3A_488 = arith.index_cast %add3A_76 : i32 to index
          %swap3A_489 = arith.constant 384 : index
          %swap3A_490 = tpu.vector_load %arg8[%swap3A_488, %swap3A_489] {strides = array<i32>} : memref<32x1024xf32, #tpu.memory_space<vmem>>, vector<1x16xf32>,
          %swap3A_491 = vector.shape_cast %swap3A_490 : vector<1x16xf32> to vector<16xf32>
          %swap3A_492 = vector.shape_cast %add3A_487 : vector<16xf32> to vector<1x16xf32>
          tpu.vector_store %arg8[%swap3A_488, %swap3A_489], %swap3A_492 {strides = array<i32>} : memref<32x1024xf32, #tpu.memory_space<vmem>>, vector<1x16xf32>,
          %get3A_493 = arith.index_cast %add3A_76 : i32 to index
          %get3A_494 = arith.constant 400 : index
          %get3A_495 = tpu.vector_load %arg8[%get3A_493, %get3A_494] {strides = array<i32>} : memref<32x1024xf32, #tpu.memory_space<vmem>>, vector<1x16xf32>,
          %get3A_496 = vector.shape_cast %get3A_495 : vector<1x16xf32> to vector<16xf32>
          %get3A_497 = arith.index_cast %add3A_76 : i32 to index
          %get3A_498 = arith.constant 400 : index
          %get3A_499 = tpu.vector_load %arg9[%get3A_497, %get3A_498] {strides = array<i32>} : memref<32x1024xf32, #tpu.memory_space<vmem>>, vector<1x16xf32>,
          %get3A_500 = vector.shape_cast %get3A_499 : vector<1x16xf32> to vector<16xf32>
          %mul3A_501 = arith.mulf %get3A_496, %gather3A_83 : vector<16xf32>
          %mul3A_502 = arith.mulf %get3A_500, %gather3A_93 : vector<16xf32>
          %add3A_503 = arith.addf %mul3A_501, %mul3A_502 : vector<16xf32>
          %swap3A_504 = arith.index_cast %add3A_76 : i32 to index
          %swap3A_505 = arith.constant 400 : index
          %swap3A_506 = tpu.vector_load %arg8[%swap3A_504, %swap3A_505] {strides = array<i32>} : memref<32x1024xf32, #tpu.memory_space<vmem>>, vector<1x16xf32>,
          %swap3A_507 = vector.shape_cast %swap3A_506 : vector<1x16xf32> to vector<16xf32>
          %swap3A_508 = vector.shape_cast %add3A_503 : vector<16xf32> to vector<1x16xf32>
          tpu.vector_store %arg8[%swap3A_504, %swap3A_505], %swap3A_508 {strides = array<i32>} : memref<32x1024xf32, #tpu.memory_space<vmem>>, vector<1x16xf32>,
          %get3A_509 = arith.index_cast %add3A_76 : i32 to index
          %get3A_510 = arith.constant 416 : index
          %get3A_511 = tpu.vector_load %arg8[%get3A_509, %get3A_510] {strides = array<i32>} : memref<32x1024xf32, #tpu.memory_space<vmem>>, vector<1x16xf32>,
          %get3A_512 = vector.shape_cast %get3A_511 : vector<1x16xf32> to vector<16xf32>
          %get3A_513 = arith.index_cast %add3A_76 : i32 to index
          %get3A_514 = arith.constant 416 : index
          %get3A_515 = tpu.vector_load %arg9[%get3A_513, %get3A_514] {strides = array<i32>} : memref<32x1024xf32, #tpu.memory_space<vmem>>, vector<1x16xf32>,
          %get3A_516 = vector.shape_cast %get3A_515 : vector<1x16xf32> to vector<16xf32>
          %mul3A_517 = arith.mulf %get3A_512, %gather3A_83 : vector<16xf32>
          %mul3A_518 = arith.mulf %get3A_516, %gather3A_93 : vector<16xf32>
          %add3A_519 = arith.addf %mul3A_517, %mul3A_518 : vector<16xf32>
          %swap3A_520 = arith.index_cast %add3A_76 : i32 to index
          %swap3A_521 = arith.constant 416 : index
          %swap3A_522 = tpu.vector_load %arg8[%swap3A_520, %swap3A_521] {strides = array<i32>} : memref<32x1024xf32, #tpu.memory_space<vmem>>, vector<1x16xf32>,
          %swap3A_523 = vector.shape_cast %swap3A_522 : vector<1x16xf32> to vector<16xf32>
          %swap3A_524 = vector.shape_cast %add3A_519 : vector<16xf32> to vector<1x16xf32>
          tpu.vector_store %arg8[%swap3A_520, %swap3A_521], %swap3A_524 {strides = array<i32>} : memref<32x1024xf32, #tpu.memory_space<vmem>>, vector<1x16xf32>,
          %get3A_525 = arith.index_cast %add3A_76 : i32 to index
          %get3A_526 = arith.constant 432 : index
          %get3A_527 = tpu.vector_load %arg8[%get3A_525, %get3A_526] {strides = array<i32>} : memref<32x1024xf32, #tpu.memory_space<vmem>>, vector<1x16xf32>,
          %get3A_528 = vector.shape_cast %get3A_527 : vector<1x16xf32> to vector<16xf32>
          %get3A_529 = arith.index_cast %add3A_76 : i32 to index
          %get3A_530 = arith.constant 432 : index
          %get3A_531 = tpu.vector_load %arg9[%get3A_529, %get3A_530] {strides = array<i32>} : memref<32x1024xf32, #tpu.memory_space<vmem>>, vector<1x16xf32>,
          %get3A_532 = vector.shape_cast %get3A_531 : vector<1x16xf32> to vector<16xf32>
          %mul3A_533 = arith.mulf %get3A_528, %gather3A_83 : vector<16xf32>
          %mul3A_534 = arith.mulf %get3A_532, %gather3A_93 : vector<16xf32>
          %add3A_535 = arith.addf %mul3A_533, %mul3A_534 : vector<16xf32>
          %swap3A_536 = arith.index_cast %add3A_76 : i32 to index
          %swap3A_537 = arith.constant 432 : index
          %swap3A_538 = tpu.vector_load %arg8[%swap3A_536, %swap3A_537] {strides = array<i32>} : memref<32x1024xf32, #tpu.memory_space<vmem>>, vector<1x16xf32>,
          %swap3A_539 = vector.shape_cast %swap3A_538 : vector<1x16xf32> to vector<16xf32>
          %swap3A_540 = vector.shape_cast %add3A_535 : vector<16xf32> to vector<1x16xf32>
          tpu.vector_store %arg8[%swap3A_536, %swap3A_537], %swap3A_540 {strides = array<i32>} : memref<32x1024xf32, #tpu.memory_space<vmem>>, vector<1x16xf32>,
          %get3A_541 = arith.index_cast %add3A_76 : i32 to index
          %get3A_542 = arith.constant 448 : index
          %get3A_543 = tpu.vector_load %arg8[%get3A_541, %get3A_542] {strides = array<i32>} : memref<32x1024xf32, #tpu.memory_space<vmem>>, vector<1x16xf32>,
          %get3A_544 = vector.shape_cast %get3A_543 : vector<1x16xf32> to vector<16xf32>
          %get3A_545 = arith.index_cast %add3A_76 : i32 to index
          %get3A_546 = arith.constant 448 : index
          %get3A_547 = tpu.vector_load %arg9[%get3A_545, %get3A_546] {strides = array<i32>} : memref<32x1024xf32, #tpu.memory_space<vmem>>, vector<1x16xf32>,
          %get3A_548 = vector.shape_cast %get3A_547 : vector<1x16xf32> to vector<16xf32>
          %mul3A_549 = arith.mulf %get3A_544, %gather3A_83 : vector<16xf32>
          %mul3A_550 = arith.mulf %get3A_548, %gather3A_93 : vector<16xf32>
          %add3A_551 = arith.addf %mul3A_549, %mul3A_550 : vector<16xf32>
          %swap3A_552 = arith.index_cast %add3A_76 : i32 to index
          %swap3A_553 = arith.constant 448 : index
          %swap3A_554 = tpu.vector_load %arg8[%swap3A_552, %swap3A_553] {strides = array<i32>} : memref<32x1024xf32, #tpu.memory_space<vmem>>, vector<1x16xf32>,
          %swap3A_555 = vector.shape_cast %swap3A_554 : vector<1x16xf32> to vector<16xf32>
          %swap3A_556 = vector.shape_cast %add3A_551 : vector<16xf32> to vector<1x16xf32>
          tpu.vector_store %arg8[%swap3A_552, %swap3A_553], %swap3A_556 {strides = array<i32>} : memref<32x1024xf32, #tpu.memory_space<vmem>>, vector<1x16xf32>,
          %get3A_557 = arith.index_cast %add3A_76 : i32 to index
          %get3A_558 = arith.constant 464 : index
          %get3A_559 = tpu.vector_load %arg8[%get3A_557, %get3A_558] {strides = array<i32>} : memref<32x1024xf32, #tpu.memory_space<vmem>>, vector<1x16xf32>,
          %get3A_560 = vector.shape_cast %get3A_559 : vector<1x16xf32> to vector<16xf32>
          %get3A_561 = arith.index_cast %add3A_76 : i32 to index
          %get3A_562 = arith.constant 464 : index
          %get3A_563 = tpu.vector_load %arg9[%get3A_561, %get3A_562] {strides = array<i32>} : memref<32x1024xf32, #tpu.memory_space<vmem>>, vector<1x16xf32>,
          %get3A_564 = vector.shape_cast %get3A_563 : vector<1x16xf32> to vector<16xf32>
          %mul3A_565 = arith.mulf %get3A_560, %gather3A_83 : vector<16xf32>
          %mul3A_566 = arith.mulf %get3A_564, %gather3A_93 : vector<16xf32>
          %add3A_567 = arith.addf %mul3A_565, %mul3A_566 : vector<16xf32>
          %swap3A_568 = arith.index_cast %add3A_76 : i32 to index
          %swap3A_569 = arith.constant 464 : index
          %swap3A_570 = tpu.vector_load %arg8[%swap3A_568, %swap3A_569] {strides = array<i32>} : memref<32x1024xf32, #tpu.memory_space<vmem>>, vector<1x16xf32>,
          %swap3A_571 = vector.shape_cast %swap3A_570 : vector<1x16xf32> to vector<16xf32>
          %swap3A_572 = vector.shape_cast %add3A_567 : vector<16xf32> to vector<1x16xf32>
          tpu.vector_store %arg8[%swap3A_568, %swap3A_569], %swap3A_572 {strides = array<i32>} : memref<32x1024xf32, #tpu.memory_space<vmem>>, vector<1x16xf32>,
          %get3A_573 = arith.index_cast %add3A_76 : i32 to index
          %get3A_574 = arith.constant 480 : index
          %get3A_575 = tpu.vector_load %arg8[%get3A_573, %get3A_574] {strides = array<i32>} : memref<32x1024xf32, #tpu.memory_space<vmem>>, vector<1x16xf32>,
          %get3A_576 = vector.shape_cast %get3A_575 : vector<1x16xf32> to vector<16xf32>
          %get3A_577 = arith.index_cast %add3A_76 : i32 to index
          %get3A_578 = arith.constant 480 : index
          %get3A_579 = tpu.vector_load %arg9[%get3A_577, %get3A_578] {strides = array<i32>} : memref<32x1024xf32, #tpu.memory_space<vmem>>, vector<1x16xf32>,
          %get3A_580 = vector.shape_cast %get3A_579 : vector<1x16xf32> to vector<16xf32>
          %mul3A_581 = arith.mulf %get3A_576, %gather3A_83 : vector<16xf32>
          %mul3A_582 = arith.mulf %get3A_580, %gather3A_93 : vector<16xf32>
          %add3A_583 = arith.addf %mul3A_581, %mul3A_582 : vector<16xf32>
          %swap3A_584 = arith.index_cast %add3A_76 : i32 to index
          %swap3A_585 = arith.constant 480 : index
          %swap3A_586 = tpu.vector_load %arg8[%swap3A_584, %swap3A_585] {strides = array<i32>} : memref<32x1024xf32, #tpu.memory_space<vmem>>, vector<1x16xf32>,
          %swap3A_587 = vector.shape_cast %swap3A_586 : vector<1x16xf32> to vector<16xf32>
          %swap3A_588 = vector.shape_cast %add3A_583 : vector<16xf32> to vector<1x16xf32>
          tpu.vector_store %arg8[%swap3A_584, %swap3A_585], %swap3A_588 {strides = array<i32>} : memref<32x1024xf32, #tpu.memory_space<vmem>>, vector<1x16xf32>,
          %get3A_589 = arith.index_cast %add3A_76 : i32 to index
          %get3A_590 = arith.constant 496 : index
          %get3A_591 = tpu.vector_load %arg8[%get3A_589, %get3A_590] {strides = array<i32>} : memref<32x1024xf32, #tpu.memory_space<vmem>>, vector<1x16xf32>,
          %get3A_592 = vector.shape_cast %get3A_591 : vector<1x16xf32> to vector<16xf32>
          %get3A_593 = arith.index_cast %add3A_76 : i32 to index
          %get3A_594 = arith.constant 496 : index
          %get3A_595 = tpu.vector_load %arg9[%get3A_593, %get3A_594] {strides = array<i32>} : memref<32x1024xf32, #tpu.memory_space<vmem>>, vector<1x16xf32>,
          %get3A_596 = vector.shape_cast %get3A_595 : vector<1x16xf32> to vector<16xf32>
          %mul3A_597 = arith.mulf %get3A_592, %gather3A_83 : vector<16xf32>
          %mul3A_598 = arith.mulf %get3A_596, %gather3A_93 : vector<16xf32>
          %add3A_599 = arith.addf %mul3A_597, %mul3A_598 : vector<16xf32>
          %swap3A_600 = arith.index_cast %add3A_76 : i32 to index
          %swap3A_601 = arith.constant 496 : index
          %swap3A_602 = tpu.vector_load %arg8[%swap3A_600, %swap3A_601] {strides = array<i32>} : memref<32x1024xf32, #tpu.memory_space<vmem>>, vector<1x16xf32>,
          %swap3A_603 = vector.shape_cast %swap3A_602 : vector<1x16xf32> to vector<16xf32>
          %swap3A_604 = vector.shape_cast %add3A_599 : vector<16xf32> to vector<1x16xf32>
          tpu.vector_store %arg8[%swap3A_600, %swap3A_601], %swap3A_604 {strides = array<i32>} : memref<32x1024xf32, #tpu.memory_space<vmem>>, vector<1x16xf32>,
          %get3A_605 = arith.index_cast %add3A_76 : i32 to index
          %get3A_606 = arith.constant 512 : index
          %get3A_607 = tpu.vector_load %arg8[%get3A_605, %get3A_606] {strides = array<i32>} : memref<32x1024xf32, #tpu.memory_space<vmem>>, vector<1x16xf32>,
          %get3A_608 = vector.shape_cast %get3A_607 : vector<1x16xf32> to vector<16xf32>
          %get3A_609 = arith.index_cast %add3A_76 : i32 to index
          %get3A_610 = arith.constant 512 : index
          %get3A_611 = tpu.vector_load %arg9[%get3A_609, %get3A_610] {strides = array<i32>} : memref<32x1024xf32, #tpu.memory_space<vmem>>, vector<1x16xf32>,
          %get3A_612 = vector.shape_cast %get3A_611 : vector<1x16xf32> to vector<16xf32>
          %mul3A_613 = arith.mulf %get3A_608, %gather3A_83 : vector<16xf32>
          %mul3A_614 = arith.mulf %get3A_612, %gather3A_93 : vector<16xf32>
          %add3A_615 = arith.addf %mul3A_613, %mul3A_614 : vector<16xf32>
          %swap3A_616 = arith.index_cast %add3A_76 : i32 to index
          %swap3A_617 = arith.constant 512 : index
          %swap3A_618 = tpu.vector_load %arg8[%swap3A_616, %swap3A_617] {strides = array<i32>} : memref<32x1024xf32, #tpu.memory_space<vmem>>, vector<1x16xf32>,
          %swap3A_619 = vector.shape_cast %swap3A_618 : vector<1x16xf32> to vector<16xf32>
          %swap3A_620 = vector.shape_cast %add3A_615 : vector<16xf32> to vector<1x16xf32>
          tpu.vector_store %arg8[%swap3A_616, %swap3A_617], %swap3A_620 {strides = array<i32>} : memref<32x1024xf32, #tpu.memory_space<vmem>>, vector<1x16xf32>,
          %get3A_621 = arith.index_cast %add3A_76 : i32 to index
          %get3A_622 = arith.constant 528 : index
          %get3A_623 = tpu.vector_load %arg8[%get3A_621, %get3A_622] {strides = array<i32>} : memref<32x1024xf32, #tpu.memory_space<vmem>>, vector<1x16xf32>,
          %get3A_624 = vector.shape_cast %get3A_623 : vector<1x16xf32> to vector<16xf32>
          %get3A_625 = arith.index_cast %add3A_76 : i32 to index
          %get3A_626 = arith.constant 528 : index
          %get3A_627 = tpu.vector_load %arg9[%get3A_625, %get3A_626] {strides = array<i32>} : memref<32x1024xf32, #tpu.memory_space<vmem>>, vector<1x16xf32>,
          %get3A_628 = vector.shape_cast %get3A_627 : vector<1x16xf32> to vector<16xf32>
          %mul3A_629 = arith.mulf %get3A_624, %gather3A_83 : vector<16xf32>
          %mul3A_630 = arith.mulf %get3A_628, %gather3A_93 : vector<16xf32>
          %add3A_631 = arith.addf %mul3A_629, %mul3A_630 : vector<16xf32>
          %swap3A_632 = arith.index_cast %add3A_76 : i32 to index
          %swap3A_633 = arith.constant 528 : index
          %swap3A_634 = tpu.vector_load %arg8[%swap3A_632, %swap3A_633] {strides = array<i32>} : memref<32x1024xf32, #tpu.memory_space<vmem>>, vector<1x16xf32>,
          %swap3A_635 = vector.shape_cast %swap3A_634 : vector<1x16xf32> to vector<16xf32>
          %swap3A_636 = vector.shape_cast %add3A_631 : vector<16xf32> to vector<1x16xf32>
          tpu.vector_store %arg8[%swap3A_632, %swap3A_633], %swap3A_636 {strides = array<i32>} : memref<32x1024xf32, #tpu.memory_space<vmem>>, vector<1x16xf32>,
          %get3A_637 = arith.index_cast %add3A_76 : i32 to index
          %get3A_638 = arith.constant 544 : index
          %get3A_639 = tpu.vector_load %arg8[%get3A_637, %get3A_638] {strides = array<i32>} : memref<32x1024xf32, #tpu.memory_space<vmem>>, vector<1x16xf32>,
          %get3A_640 = vector.shape_cast %get3A_639 : vector<1x16xf32> to vector<16xf32>
          %get3A_641 = arith.index_cast %add3A_76 : i32 to index
          %get3A_642 = arith.constant 544 : index
          %get3A_643 = tpu.vector_load %arg9[%get3A_641, %get3A_642] {strides = array<i32>} : memref<32x1024xf32, #tpu.memory_space<vmem>>, vector<1x16xf32>,
          %get3A_644 = vector.shape_cast %get3A_643 : vector<1x16xf32> to vector<16xf32>
          %mul3A_645 = arith.mulf %get3A_640, %gather3A_83 : vector<16xf32>
          %mul3A_646 = arith.mulf %get3A_644, %gather3A_93 : vector<16xf32>
          %add3A_647 = arith.addf %mul3A_645, %mul3A_646 : vector<16xf32>
          %swap3A_648 = arith.index_cast %add3A_76 : i32 to index
          %swap3A_649 = arith.constant 544 : index
          %swap3A_650 = tpu.vector_load %arg8[%swap3A_648, %swap3A_649] {strides = array<i32>} : memref<32x1024xf32, #tpu.memory_space<vmem>>, vector<1x16xf32>,
          %swap3A_651 = vector.shape_cast %swap3A_650 : vector<1x16xf32> to vector<16xf32>
          %swap3A_652 = vector.shape_cast %add3A_647 : vector<16xf32> to vector<1x16xf32>
          tpu.vector_store %arg8[%swap3A_648, %swap3A_649], %swap3A_652 {strides = array<i32>} : memref<32x1024xf32, #tpu.memory_space<vmem>>, vector<1x16xf32>,
          %get3A_653 = arith.index_cast %add3A_76 : i32 to index
          %get3A_654 = arith.constant 560 : index
          %get3A_655 = tpu.vector_load %arg8[%get3A_653, %get3A_654] {strides = array<i32>} : memref<32x1024xf32, #tpu.memory_space<vmem>>, vector<1x16xf32>,
          %get3A_656 = vector.shape_cast %get3A_655 : vector<1x16xf32> to vector<16xf32>
          %get3A_657 = arith.index_cast %add3A_76 : i32 to index
          %get3A_658 = arith.constant 560 : index
          %get3A_659 = tpu.vector_load %arg9[%get3A_657, %get3A_658] {strides = array<i32>} : memref<32x1024xf32, #tpu.memory_space<vmem>>, vector<1x16xf32>,
          %get3A_660 = vector.shape_cast %get3A_659 : vector<1x16xf32> to vector<16xf32>
          %mul3A_661 = arith.mulf %get3A_656, %gather3A_83 : vector<16xf32>
          %mul3A_662 = arith.mulf %get3A_660, %gather3A_93 : vector<16xf32>
          %add3A_663 = arith.addf %mul3A_661, %mul3A_662 : vector<16xf32>
          %swap3A_664 = arith.index_cast %add3A_76 : i32 to index
          %swap3A_665 = arith.constant 560 : index
          %swap3A_666 = tpu.vector_load %arg8[%swap3A_664, %swap3A_665] {strides = array<i32>} : memref<32x1024xf32, #tpu.memory_space<vmem>>, vector<1x16xf32>,
          %swap3A_667 = vector.shape_cast %swap3A_666 : vector<1x16xf32> to vector<16xf32>
          %swap3A_668 = vector.shape_cast %add3A_663 : vector<16xf32> to vector<1x16xf32>
          tpu.vector_store %arg8[%swap3A_664, %swap3A_665], %swap3A_668 {strides = array<i32>} : memref<32x1024xf32, #tpu.memory_space<vmem>>, vector<1x16xf32>,
          %get3A_669 = arith.index_cast %add3A_76 : i32 to index
          %get3A_670 = arith.constant 576 : index
          %get3A_671 = tpu.vector_load %arg8[%get3A_669, %get3A_670] {strides = array<i32>} : memref<32x1024xf32, #tpu.memory_space<vmem>>, vector<1x16xf32>,
          %get3A_672 = vector.shape_cast %get3A_671 : vector<1x16xf32> to vector<16xf32>
          %get3A_673 = arith.index_cast %add3A_76 : i32 to index
          %get3A_674 = arith.constant 576 : index
          %get3A_675 = tpu.vector_load %arg9[%get3A_673, %get3A_674] {strides = array<i32>} : memref<32x1024xf32, #tpu.memory_space<vmem>>, vector<1x16xf32>,
          %get3A_676 = vector.shape_cast %get3A_675 : vector<1x16xf32> to vector<16xf32>
          %mul3A_677 = arith.mulf %get3A_672, %gather3A_83 : vector<16xf32>
          %mul3A_678 = arith.mulf %get3A_676, %gather3A_93 : vector<16xf32>
          %add3A_679 = arith.addf %mul3A_677, %mul3A_678 : vector<16xf32>
          %swap3A_680 = arith.index_cast %add3A_76 : i32 to index
          %swap3A_681 = arith.constant 576 : index
          %swap3A_682 = tpu.vector_load %arg8[%swap3A_680, %swap3A_681] {strides = array<i32>} : memref<32x1024xf32, #tpu.memory_space<vmem>>, vector<1x16xf32>,
          %swap3A_683 = vector.shape_cast %swap3A_682 : vector<1x16xf32> to vector<16xf32>
          %swap3A_684 = vector.shape_cast %add3A_679 : vector<16xf32> to vector<1x16xf32>
          tpu.vector_store %arg8[%swap3A_680, %swap3A_681], %swap3A_684 {strides = array<i32>} : memref<32x1024xf32, #tpu.memory_space<vmem>>, vector<1x16xf32>,
          %get3A_685 = arith.index_cast %add3A_76 : i32 to index
          %get3A_686 = arith.constant 592 : index
          %get3A_687 = tpu.vector_load %arg8[%get3A_685, %get3A_686] {strides = array<i32>} : memref<32x1024xf32, #tpu.memory_space<vmem>>, vector<1x16xf32>,
          %get3A_688 = vector.shape_cast %get3A_687 : vector<1x16xf32> to vector<16xf32>
          %get3A_689 = arith.index_cast %add3A_76 : i32 to index
          %get3A_690 = arith.constant 592 : index
          %get3A_691 = tpu.vector_load %arg9[%get3A_689, %get3A_690] {strides = array<i32>} : memref<32x1024xf32, #tpu.memory_space<vmem>>, vector<1x16xf32>,
          %get3A_692 = vector.shape_cast %get3A_691 : vector<1x16xf32> to vector<16xf32>
          %mul3A_693 = arith.mulf %get3A_688, %gather3A_83 : vector<16xf32>
          %mul3A_694 = arith.mulf %get3A_692, %gather3A_93 : vector<16xf32>
          %add3A_695 = arith.addf %mul3A_693, %mul3A_694 : vector<16xf32>
          %swap3A_696 = arith.index_cast %add3A_76 : i32 to index
          %swap3A_697 = arith.constant 592 : index
          %swap3A_698 = tpu.vector_load %arg8[%swap3A_696, %swap3A_697] {strides = array<i32>} : memref<32x1024xf32, #tpu.memory_space<vmem>>, vector<1x16xf32>,
          %swap3A_699 = vector.shape_cast %swap3A_698 : vector<1x16xf32> to vector<16xf32>
          %swap3A_700 = vector.shape_cast %add3A_695 : vector<16xf32> to vector<1x16xf32>
          tpu.vector_store %arg8[%swap3A_696, %swap3A_697], %swap3A_700 {strides = array<i32>} : memref<32x1024xf32, #tpu.memory_space<vmem>>, vector<1x16xf32>,
          %get3A_701 = arith.index_cast %add3A_76 : i32 to index
          %get3A_702 = arith.constant 608 : index
          %get3A_703 = tpu.vector_load %arg8[%get3A_701, %get3A_702] {strides = array<i32>} : memref<32x1024xf32, #tpu.memory_space<vmem>>, vector<1x16xf32>,
          %get3A_704 = vector.shape_cast %get3A_703 : vector<1x16xf32> to vector<16xf32>
          %get3A_705 = arith.index_cast %add3A_76 : i32 to index
          %get3A_706 = arith.constant 608 : index
          %get3A_707 = tpu.vector_load %arg9[%get3A_705, %get3A_706] {strides = array<i32>} : memref<32x1024xf32, #tpu.memory_space<vmem>>, vector<1x16xf32>,
          %get3A_708 = vector.shape_cast %get3A_707 : vector<1x16xf32> to vector<16xf32>
          %mul3A_709 = arith.mulf %get3A_704, %gather3A_83 : vector<16xf32>
          %mul3A_710 = arith.mulf %get3A_708, %gather3A_93 : vector<16xf32>
          %add3A_711 = arith.addf %mul3A_709, %mul3A_710 : vector<16xf32>
          %swap3A_712 = arith.index_cast %add3A_76 : i32 to index
          %swap3A_713 = arith.constant 608 : index
          %swap3A_714 = tpu.vector_load %arg8[%swap3A_712, %swap3A_713] {strides = array<i32>} : memref<32x1024xf32, #tpu.memory_space<vmem>>, vector<1x16xf32>,
          %swap3A_715 = vector.shape_cast %swap3A_714 : vector<1x16xf32> to vector<16xf32>
          %swap3A_716 = vector.shape_cast %add3A_711 : vector<16xf32> to vector<1x16xf32>
          tpu.vector_store %arg8[%swap3A_712, %swap3A_713], %swap3A_716 {strides = array<i32>} : memref<32x1024xf32, #tpu.memory_space<vmem>>, vector<1x16xf32>,
          %get3A_717 = arith.index_cast %add3A_76 : i32 to index
          %get3A_718 = arith.constant 624 : index
          %get3A_719 = tpu.vector_load %arg8[%get3A_717, %get3A_718] {strides = array<i32>} : memref<32x1024xf32, #tpu.memory_space<vmem>>, vector<1x16xf32>,
          %get3A_720 = vector.shape_cast %get3A_719 : vector<1x16xf32> to vector<16xf32>
          %get3A_721 = arith.index_cast %add3A_76 : i32 to index
          %get3A_722 = arith.constant 624 : index
          %get3A_723 = tpu.vector_load %arg9[%get3A_721, %get3A_722] {strides = array<i32>} : memref<32x1024xf32, #tpu.memory_space<vmem>>, vector<1x16xf32>,
          %get3A_724 = vector.shape_cast %get3A_723 : vector<1x16xf32> to vector<16xf32>
          %mul3A_725 = arith.mulf %get3A_720, %gather3A_83 : vector<16xf32>
          %mul3A_726 = arith.mulf %get3A_724, %gather3A_93 : vector<16xf32>
          %add3A_727 = arith.addf %mul3A_725, %mul3A_726 : vector<16xf32>
          %swap3A_728 = arith.index_cast %add3A_76 : i32 to index
          %swap3A_729 = arith.constant 624 : index
          %swap3A_730 = tpu.vector_load %arg8[%swap3A_728, %swap3A_729] {strides = array<i32>} : memref<32x1024xf32, #tpu.memory_space<vmem>>, vector<1x16xf32>,
          %swap3A_731 = vector.shape_cast %swap3A_730 : vector<1x16xf32> to vector<16xf32>
          %swap3A_732 = vector.shape_cast %add3A_727 : vector<16xf32> to vector<1x16xf32>
          tpu.vector_store %arg8[%swap3A_728, %swap3A_729], %swap3A_732 {strides = array<i32>} : memref<32x1024xf32, #tpu.memory_space<vmem>>, vector<1x16xf32>,
          %get3A_733 = arith.index_cast %add3A_76 : i32 to index
          %get3A_734 = arith.constant 640 : index
          %get3A_735 = tpu.vector_load %arg8[%get3A_733, %get3A_734] {strides = array<i32>} : memref<32x1024xf32, #tpu.memory_space<vmem>>, vector<1x16xf32>,
          %get3A_736 = vector.shape_cast %get3A_735 : vector<1x16xf32> to vector<16xf32>
          %get3A_737 = arith.index_cast %add3A_76 : i32 to index
          %get3A_738 = arith.constant 640 : index
          %get3A_739 = tpu.vector_load %arg9[%get3A_737, %get3A_738] {strides = array<i32>} : memref<32x1024xf32, #tpu.memory_space<vmem>>, vector<1x16xf32>,
          %get3A_740 = vector.shape_cast %get3A_739 : vector<1x16xf32> to vector<16xf32>
          %mul3A_741 = arith.mulf %get3A_736, %gather3A_83 : vector<16xf32>
          %mul3A_742 = arith.mulf %get3A_740, %gather3A_93 : vector<16xf32>
          %add3A_743 = arith.addf %mul3A_741, %mul3A_742 : vector<16xf32>
          %swap3A_744 = arith.index_cast %add3A_76 : i32 to index
          %swap3A_745 = arith.constant 640 : index
          %swap3A_746 = tpu.vector_load %arg8[%swap3A_744, %swap3A_745] {strides = array<i32>} : memref<32x1024xf32, #tpu.memory_space<vmem>>, vector<1x16xf32>,
          %swap3A_747 = vector.shape_cast %swap3A_746 : vector<1x16xf32> to vector<16xf32>
          %swap3A_748 = vector.shape_cast %add3A_743 : vector<16xf32> to vector<1x16xf32>
          tpu.vector_store %arg8[%swap3A_744, %swap3A_745], %swap3A_748 {strides = array<i32>} : memref<32x1024xf32, #tpu.memory_space<vmem>>, vector<1x16xf32>,
          %get3A_749 = arith.index_cast %add3A_76 : i32 to index
          %get3A_750 = arith.constant 656 : index
          %get3A_751 = tpu.vector_load %arg8[%get3A_749, %get3A_750] {strides = array<i32>} : memref<32x1024xf32, #tpu.memory_space<vmem>>, vector<1x16xf32>,
          %get3A_752 = vector.shape_cast %get3A_751 : vector<1x16xf32> to vector<16xf32>
          %get3A_753 = arith.index_cast %add3A_76 : i32 to index
          %get3A_754 = arith.constant 656 : index
          %get3A_755 = tpu.vector_load %arg9[%get3A_753, %get3A_754] {strides = array<i32>} : memref<32x1024xf32, #tpu.memory_space<vmem>>, vector<1x16xf32>,
          %get3A_756 = vector.shape_cast %get3A_755 : vector<1x16xf32> to vector<16xf32>
          %mul3A_757 = arith.mulf %get3A_752, %gather3A_83 : vector<16xf32>
          %mul3A_758 = arith.mulf %get3A_756, %gather3A_93 : vector<16xf32>
          %add3A_759 = arith.addf %mul3A_757, %mul3A_758 : vector<16xf32>
          %swap3A_760 = arith.index_cast %add3A_76 : i32 to index
          %swap3A_761 = arith.constant 656 : index
          %swap3A_762 = tpu.vector_load %arg8[%swap3A_760, %swap3A_761] {strides = array<i32>} : memref<32x1024xf32, #tpu.memory_space<vmem>>, vector<1x16xf32>,
          %swap3A_763 = vector.shape_cast %swap3A_762 : vector<1x16xf32> to vector<16xf32>
          %swap3A_764 = vector.shape_cast %add3A_759 : vector<16xf32> to vector<1x16xf32>
          tpu.vector_store %arg8[%swap3A_760, %swap3A_761], %swap3A_764 {strides = array<i32>} : memref<32x1024xf32, #tpu.memory_space<vmem>>, vector<1x16xf32>,
          %get3A_765 = arith.index_cast %add3A_76 : i32 to index
          %get3A_766 = arith.constant 672 : index
          %get3A_767 = tpu.vector_load %arg8[%get3A_765, %get3A_766] {strides = array<i32>} : memref<32x1024xf32, #tpu.memory_space<vmem>>, vector<1x16xf32>,
          %get3A_768 = vector.shape_cast %get3A_767 : vector<1x16xf32> to vector<16xf32>
          %get3A_769 = arith.index_cast %add3A_76 : i32 to index
          %get3A_770 = arith.constant 672 : index
          %get3A_771 = tpu.vector_load %arg9[%get3A_769, %get3A_770] {strides = array<i32>} : memref<32x1024xf32, #tpu.memory_space<vmem>>, vector<1x16xf32>,
          %get3A_772 = vector.shape_cast %get3A_771 : vector<1x16xf32> to vector<16xf32>
          %mul3A_773 = arith.mulf %get3A_768, %gather3A_83 : vector<16xf32>
          %mul3A_774 = arith.mulf %get3A_772, %gather3A_93 : vector<16xf32>
          %add3A_775 = arith.addf %mul3A_773, %mul3A_774 : vector<16xf32>
          %swap3A_776 = arith.index_cast %add3A_76 : i32 to index
          %swap3A_777 = arith.constant 672 : index
          %swap3A_778 = tpu.vector_load %arg8[%swap3A_776, %swap3A_777] {strides = array<i32>} : memref<32x1024xf32, #tpu.memory_space<vmem>>, vector<1x16xf32>,
          %swap3A_779 = vector.shape_cast %swap3A_778 : vector<1x16xf32> to vector<16xf32>
          %swap3A_780 = vector.shape_cast %add3A_775 : vector<16xf32> to vector<1x16xf32>
          tpu.vector_store %arg8[%swap3A_776, %swap3A_777], %swap3A_780 {strides = array<i32>} : memref<32x1024xf32, #tpu.memory_space<vmem>>, vector<1x16xf32>,
          %get3A_781 = arith.index_cast %add3A_76 : i32 to index
          %get3A_782 = arith.constant 688 : index
          %get3A_783 = tpu.vector_load %arg8[%get3A_781, %get3A_782] {strides = array<i32>} : memref<32x1024xf32, #tpu.memory_space<vmem>>, vector<1x16xf32>,
          %get3A_784 = vector.shape_cast %get3A_783 : vector<1x16xf32> to vector<16xf32>
          %get3A_785 = arith.index_cast %add3A_76 : i32 to index
          %get3A_786 = arith.constant 688 : index
          %get3A_787 = tpu.vector_load %arg9[%get3A_785, %get3A_786] {strides = array<i32>} : memref<32x1024xf32, #tpu.memory_space<vmem>>, vector<1x16xf32>,
          %get3A_788 = vector.shape_cast %get3A_787 : vector<1x16xf32> to vector<16xf32>
          %mul3A_789 = arith.mulf %get3A_784, %gather3A_83 : vector<16xf32>
          %mul3A_790 = arith.mulf %get3A_788, %gather3A_93 : vector<16xf32>
          %add3A_791 = arith.addf %mul3A_789, %mul3A_790 : vector<16xf32>
          %swap3A_792 = arith.index_cast %add3A_76 : i32 to index
          %swap3A_793 = arith.constant 688 : index
          %swap3A_794 = tpu.vector_load %arg8[%swap3A_792, %swap3A_793] {strides = array<i32>} : memref<32x1024xf32, #tpu.memory_space<vmem>>, vector<1x16xf32>,
          %swap3A_795 = vector.shape_cast %swap3A_794 : vector<1x16xf32> to vector<16xf32>
          %swap3A_796 = vector.shape_cast %add3A_791 : vector<16xf32> to vector<1x16xf32>
          tpu.vector_store %arg8[%swap3A_792, %swap3A_793], %swap3A_796 {strides = array<i32>} : memref<32x1024xf32, #tpu.memory_space<vmem>>, vector<1x16xf32>,
          %get3A_797 = arith.index_cast %add3A_76 : i32 to index
          %get3A_798 = arith.constant 704 : index
          %get3A_799 = tpu.vector_load %arg8[%get3A_797, %get3A_798] {strides = array<i32>} : memref<32x1024xf32, #tpu.memory_space<vmem>>, vector<1x16xf32>,
          %get3A_800 = vector.shape_cast %get3A_799 : vector<1x16xf32> to vector<16xf32>
          %get3A_801 = arith.index_cast %add3A_76 : i32 to index
          %get3A_802 = arith.constant 704 : index
          %get3A_803 = tpu.vector_load %arg9[%get3A_801, %get3A_802] {strides = array<i32>} : memref<32x1024xf32, #tpu.memory_space<vmem>>, vector<1x16xf32>,
          %get3A_804 = vector.shape_cast %get3A_803 : vector<1x16xf32> to vector<16xf32>
          %mul3A_805 = arith.mulf %get3A_800, %gather3A_83 : vector<16xf32>
          %mul3A_806 = arith.mulf %get3A_804, %gather3A_93 : vector<16xf32>
          %add3A_807 = arith.addf %mul3A_805, %mul3A_806 : vector<16xf32>
          %swap3A_808 = arith.index_cast %add3A_76 : i32 to index
          %swap3A_809 = arith.constant 704 : index
          %swap3A_810 = tpu.vector_load %arg8[%swap3A_808, %swap3A_809] {strides = array<i32>} : memref<32x1024xf32, #tpu.memory_space<vmem>>, vector<1x16xf32>,
          %swap3A_811 = vector.shape_cast %swap3A_810 : vector<1x16xf32> to vector<16xf32>
          %swap3A_812 = vector.shape_cast %add3A_807 : vector<16xf32> to vector<1x16xf32>
          tpu.vector_store %arg8[%swap3A_808, %swap3A_809], %swap3A_812 {strides = array<i32>} : memref<32x1024xf32, #tpu.memory_space<vmem>>, vector<1x16xf32>,
          %get3A_813 = arith.index_cast %add3A_76 : i32 to index
          %get3A_814 = arith.constant 720 : index
          %get3A_815 = tpu.vector_load %arg8[%get3A_813, %get3A_814] {strides = array<i32>} : memref<32x1024xf32, #tpu.memory_space<vmem>>, vector<1x16xf32>,
          %get3A_816 = vector.shape_cast %get3A_815 : vector<1x16xf32> to vector<16xf32>
          %get3A_817 = arith.index_cast %add3A_76 : i32 to index
          %get3A_818 = arith.constant 720 : index
          %get3A_819 = tpu.vector_load %arg9[%get3A_817, %get3A_818] {strides = array<i32>} : memref<32x1024xf32, #tpu.memory_space<vmem>>, vector<1x16xf32>,
          %get3A_820 = vector.shape_cast %get3A_819 : vector<1x16xf32> to vector<16xf32>
          %mul3A_821 = arith.mulf %get3A_816, %gather3A_83 : vector<16xf32>
          %mul3A_822 = arith.mulf %get3A_820, %gather3A_93 : vector<16xf32>
          %add3A_823 = arith.addf %mul3A_821, %mul3A_822 : vector<16xf32>
          %swap3A_824 = arith.index_cast %add3A_76 : i32 to index
          %swap3A_825 = arith.constant 720 : index
          %swap3A_826 = tpu.vector_load %arg8[%swap3A_824, %swap3A_825] {strides = array<i32>} : memref<32x1024xf32, #tpu.memory_space<vmem>>, vector<1x16xf32>,
          %swap3A_827 = vector.shape_cast %swap3A_826 : vector<1x16xf32> to vector<16xf32>
          %swap3A_828 = vector.shape_cast %add3A_823 : vector<16xf32> to vector<1x16xf32>
          tpu.vector_store %arg8[%swap3A_824, %swap3A_825], %swap3A_828 {strides = array<i32>} : memref<32x1024xf32, #tpu.memory_space<vmem>>, vector<1x16xf32>,
          %get3A_829 = arith.index_cast %add3A_76 : i32 to index
          %get3A_830 = arith.constant 736 : index
          %get3A_831 = tpu.vector_load %arg8[%get3A_829, %get3A_830] {strides = array<i32>} : memref<32x1024xf32, #tpu.memory_space<vmem>>, vector<1x16xf32>,
          %get3A_832 = vector.shape_cast %get3A_831 : vector<1x16xf32> to vector<16xf32>
          %get3A_833 = arith.index_cast %add3A_76 : i32 to index
          %get3A_834 = arith.constant 736 : index
          %get3A_835 = tpu.vector_load %arg9[%get3A_833, %get3A_834] {strides = array<i32>} : memref<32x1024xf32, #tpu.memory_space<vmem>>, vector<1x16xf32>,
          %get3A_836 = vector.shape_cast %get3A_835 : vector<1x16xf32> to vector<16xf32>
          %mul3A_837 = arith.mulf %get3A_832, %gather3A_83 : vector<16xf32>
          %mul3A_838 = arith.mulf %get3A_836, %gather3A_93 : vector<16xf32>
          %add3A_839 = arith.addf %mul3A_837, %mul3A_838 : vector<16xf32>
          %swap3A_840 = arith.index_cast %add3A_76 : i32 to index
          %swap3A_841 = arith.constant 736 : index
          %swap3A_842 = tpu.vector_load %arg8[%swap3A_840, %swap3A_841] {strides = array<i32>} : memref<32x1024xf32, #tpu.memory_space<vmem>>, vector<1x16xf32>,
          %swap3A_843 = vector.shape_cast %swap3A_842 : vector<1x16xf32> to vector<16xf32>
          %swap3A_844 = vector.shape_cast %add3A_839 : vector<16xf32> to vector<1x16xf32>
          tpu.vector_store %arg8[%swap3A_840, %swap3A_841], %swap3A_844 {strides = array<i32>} : memref<32x1024xf32, #tpu.memory_space<vmem>>, vector<1x16xf32>,
          %get3A_845 = arith.index_cast %add3A_76 : i32 to index
          %get3A_846 = arith.constant 752 : index
          %get3A_847 = tpu.vector_load %arg8[%get3A_845, %get3A_846] {strides = array<i32>} : memref<32x1024xf32, #tpu.memory_space<vmem>>, vector<1x16xf32>,
          %get3A_848 = vector.shape_cast %get3A_847 : vector<1x16xf32> to vector<16xf32>
          %get3A_849 = arith.index_cast %add3A_76 : i32 to index
          %get3A_850 = arith.constant 752 : index
          %get3A_851 = tpu.vector_load %arg9[%get3A_849, %get3A_850] {strides = array<i32>} : memref<32x1024xf32, #tpu.memory_space<vmem>>, vector<1x16xf32>,
          %get3A_852 = vector.shape_cast %get3A_851 : vector<1x16xf32> to vector<16xf32>
          %mul3A_853 = arith.mulf %get3A_848, %gather3A_83 : vector<16xf32>
          %mul3A_854 = arith.mulf %get3A_852, %gather3A_93 : vector<16xf32>
          %add3A_855 = arith.addf %mul3A_853, %mul3A_854 : vector<16xf32>
          %swap3A_856 = arith.index_cast %add3A_76 : i32 to index
          %swap3A_857 = arith.constant 752 : index
          %swap3A_858 = tpu.vector_load %arg8[%swap3A_856, %swap3A_857] {strides = array<i32>} : memref<32x1024xf32, #tpu.memory_space<vmem>>, vector<1x16xf32>,
          %swap3A_859 = vector.shape_cast %swap3A_858 : vector<1x16xf32> to vector<16xf32>
          %swap3A_860 = vector.shape_cast %add3A_855 : vector<16xf32> to vector<1x16xf32>
          tpu.vector_store %arg8[%swap3A_856, %swap3A_857], %swap3A_860 {strides = array<i32>} : memref<32x1024xf32, #tpu.memory_space<vmem>>, vector<1x16xf32>,
          %get3A_861 = arith.index_cast %add3A_76 : i32 to index
          %get3A_862 = arith.constant 768 : index
          %get3A_863 = tpu.vector_load %arg8[%get3A_861, %get3A_862] {strides = array<i32>} : memref<32x1024xf32, #tpu.memory_space<vmem>>, vector<1x16xf32>,
          %get3A_864 = vector.shape_cast %get3A_863 : vector<1x16xf32> to vector<16xf32>
          %get3A_865 = arith.index_cast %add3A_76 : i32 to index
          %get3A_866 = arith.constant 768 : index
          %get3A_867 = tpu.vector_load %arg9[%get3A_865, %get3A_866] {strides = array<i32>} : memref<32x1024xf32, #tpu.memory_space<vmem>>, vector<1x16xf32>,
          %get3A_868 = vector.shape_cast %get3A_867 : vector<1x16xf32> to vector<16xf32>
          %mul3A_869 = arith.mulf %get3A_864, %gather3A_83 : vector<16xf32>
          %mul3A_870 = arith.mulf %get3A_868, %gather3A_93 : vector<16xf32>
          %add3A_871 = arith.addf %mul3A_869, %mul3A_870 : vector<16xf32>
          %swap3A_872 = arith.index_cast %add3A_76 : i32 to index
          %swap3A_873 = arith.constant 768 : index
          %swap3A_874 = tpu.vector_load %arg8[%swap3A_872, %swap3A_873] {strides = array<i32>} : memref<32x1024xf32, #tpu.memory_space<vmem>>, vector<1x16xf32>,
          %swap3A_875 = vector.shape_cast %swap3A_874 : vector<1x16xf32> to vector<16xf32>
          %swap3A_876 = vector.shape_cast %add3A_871 : vector<16xf32> to vector<1x16xf32>
          tpu.vector_store %arg8[%swap3A_872, %swap3A_873], %swap3A_876 {strides = array<i32>} : memref<32x1024xf32, #tpu.memory_space<vmem>>, vector<1x16xf32>,
          %get3A_877 = arith.index_cast %add3A_76 : i32 to index
          %get3A_878 = arith.constant 784 : index
          %get3A_879 = tpu.vector_load %arg8[%get3A_877, %get3A_878] {strides = array<i32>} : memref<32x1024xf32, #tpu.memory_space<vmem>>, vector<1x16xf32>,
          %get3A_880 = vector.shape_cast %get3A_879 : vector<1x16xf32> to vector<16xf32>
          %get3A_881 = arith.index_cast %add3A_76 : i32 to index
          %get3A_882 = arith.constant 784 : index
          %get3A_883 = tpu.vector_load %arg9[%get3A_881, %get3A_882] {strides = array<i32>} : memref<32x1024xf32, #tpu.memory_space<vmem>>, vector<1x16xf32>,
          %get3A_884 = vector.shape_cast %get3A_883 : vector<1x16xf32> to vector<16xf32>
          %mul3A_885 = arith.mulf %get3A_880, %gather3A_83 : vector<16xf32>
          %mul3A_886 = arith.mulf %get3A_884, %gather3A_93 : vector<16xf32>
          %add3A_887 = arith.addf %mul3A_885, %mul3A_886 : vector<16xf32>
          %swap3A_888 = arith.index_cast %add3A_76 : i32 to index
          %swap3A_889 = arith.constant 784 : index
          %swap3A_890 = tpu.vector_load %arg8[%swap3A_888, %swap3A_889] {strides = array<i32>} : memref<32x1024xf32, #tpu.memory_space<vmem>>, vector<1x16xf32>,
          %swap3A_891 = vector.shape_cast %swap3A_890 : vector<1x16xf32> to vector<16xf32>
          %swap3A_892 = vector.shape_cast %add3A_887 : vector<16xf32> to vector<1x16xf32>
          tpu.vector_store %arg8[%swap3A_888, %swap3A_889], %swap3A_892 {strides = array<i32>} : memref<32x1024xf32, #tpu.memory_space<vmem>>, vector<1x16xf32>,
          %get3A_893 = arith.index_cast %add3A_76 : i32 to index
          %get3A_894 = arith.constant 800 : index
          %get3A_895 = tpu.vector_load %arg8[%get3A_893, %get3A_894] {strides = array<i32>} : memref<32x1024xf32, #tpu.memory_space<vmem>>, vector<1x16xf32>,
          %get3A_896 = vector.shape_cast %get3A_895 : vector<1x16xf32> to vector<16xf32>
          %get3A_897 = arith.index_cast %add3A_76 : i32 to index
          %get3A_898 = arith.constant 800 : index
          %get3A_899 = tpu.vector_load %arg9[%get3A_897, %get3A_898] {strides = array<i32>} : memref<32x1024xf32, #tpu.memory_space<vmem>>, vector<1x16xf32>,
          %get3A_900 = vector.shape_cast %get3A_899 : vector<1x16xf32> to vector<16xf32>
          %mul3A_901 = arith.mulf %get3A_896, %gather3A_83 : vector<16xf32>
          %mul3A_902 = arith.mulf %get3A_900, %gather3A_93 : vector<16xf32>
          %add3A_903 = arith.addf %mul3A_901, %mul3A_902 : vector<16xf32>
          %swap3A_904 = arith.index_cast %add3A_76 : i32 to index
          %swap3A_905 = arith.constant 800 : index
          %swap3A_906 = tpu.vector_load %arg8[%swap3A_904, %swap3A_905] {strides = array<i32>} : memref<32x1024xf32, #tpu.memory_space<vmem>>, vector<1x16xf32>,
          %swap3A_907 = vector.shape_cast %swap3A_906 : vector<1x16xf32> to vector<16xf32>
          %swap3A_908 = vector.shape_cast %add3A_903 : vector<16xf32> to vector<1x16xf32>
          tpu.vector_store %arg8[%swap3A_904, %swap3A_905], %swap3A_908 {strides = array<i32>} : memref<32x1024xf32, #tpu.memory_space<vmem>>, vector<1x16xf32>,
          %get3A_909 = arith.index_cast %add3A_76 : i32 to index
          %get3A_910 = arith.constant 816 : index
          %get3A_911 = tpu.vector_load %arg8[%get3A_909, %get3A_910] {strides = array<i32>} : memref<32x1024xf32, #tpu.memory_space<vmem>>, vector<1x16xf32>,
          %get3A_912 = vector.shape_cast %get3A_911 : vector<1x16xf32> to vector<16xf32>
          %get3A_913 = arith.index_cast %add3A_76 : i32 to index
          %get3A_914 = arith.constant 816 : index
          %get3A_915 = tpu.vector_load %arg9[%get3A_913, %get3A_914] {strides = array<i32>} : memref<32x1024xf32, #tpu.memory_space<vmem>>, vector<1x16xf32>,
          %get3A_916 = vector.shape_cast %get3A_915 : vector<1x16xf32> to vector<16xf32>
          %mul3A_917 = arith.mulf %get3A_912, %gather3A_83 : vector<16xf32>
          %mul3A_918 = arith.mulf %get3A_916, %gather3A_93 : vector<16xf32>
          %add3A_919 = arith.addf %mul3A_917, %mul3A_918 : vector<16xf32>
          %swap3A_920 = arith.index_cast %add3A_76 : i32 to index
          %swap3A_921 = arith.constant 816 : index
          %swap3A_922 = tpu.vector_load %arg8[%swap3A_920, %swap3A_921] {strides = array<i32>} : memref<32x1024xf32, #tpu.memory_space<vmem>>, vector<1x16xf32>,
          %swap3A_923 = vector.shape_cast %swap3A_922 : vector<1x16xf32> to vector<16xf32>
          %swap3A_924 = vector.shape_cast %add3A_919 : vector<16xf32> to vector<1x16xf32>
          tpu.vector_store %arg8[%swap3A_920, %swap3A_921], %swap3A_924 {strides = array<i32>} : memref<32x1024xf32, #tpu.memory_space<vmem>>, vector<1x16xf32>,
          %get3A_925 = arith.index_cast %add3A_76 : i32 to index
          %get3A_926 = arith.constant 832 : index
          %get3A_927 = tpu.vector_load %arg8[%get3A_925, %get3A_926] {strides = array<i32>} : memref<32x1024xf32, #tpu.memory_space<vmem>>, vector<1x16xf32>,
          %get3A_928 = vector.shape_cast %get3A_927 : vector<1x16xf32> to vector<16xf32>
          %get3A_929 = arith.index_cast %add3A_76 : i32 to index
          %get3A_930 = arith.constant 832 : index
          %get3A_931 = tpu.vector_load %arg9[%get3A_929, %get3A_930] {strides = array<i32>} : memref<32x1024xf32, #tpu.memory_space<vmem>>, vector<1x16xf32>,
          %get3A_932 = vector.shape_cast %get3A_931 : vector<1x16xf32> to vector<16xf32>
          %mul3A_933 = arith.mulf %get3A_928, %gather3A_83 : vector<16xf32>
          %mul3A_934 = arith.mulf %get3A_932, %gather3A_93 : vector<16xf32>
          %add3A_935 = arith.addf %mul3A_933, %mul3A_934 : vector<16xf32>
          %swap3A_936 = arith.index_cast %add3A_76 : i32 to index
          %swap3A_937 = arith.constant 832 : index
          %swap3A_938 = tpu.vector_load %arg8[%swap3A_936, %swap3A_937] {strides = array<i32>} : memref<32x1024xf32, #tpu.memory_space<vmem>>, vector<1x16xf32>,
          %swap3A_939 = vector.shape_cast %swap3A_938 : vector<1x16xf32> to vector<16xf32>
          %swap3A_940 = vector.shape_cast %add3A_935 : vector<16xf32> to vector<1x16xf32>
          tpu.vector_store %arg8[%swap3A_936, %swap3A_937], %swap3A_940 {strides = array<i32>} : memref<32x1024xf32, #tpu.memory_space<vmem>>, vector<1x16xf32>,
          %get3A_941 = arith.index_cast %add3A_76 : i32 to index
          %get3A_942 = arith.constant 848 : index
          %get3A_943 = tpu.vector_load %arg8[%get3A_941, %get3A_942] {strides = array<i32>} : memref<32x1024xf32, #tpu.memory_space<vmem>>, vector<1x16xf32>,
          %get3A_944 = vector.shape_cast %get3A_943 : vector<1x16xf32> to vector<16xf32>
          %get3A_945 = arith.index_cast %add3A_76 : i32 to index
          %get3A_946 = arith.constant 848 : index
          %get3A_947 = tpu.vector_load %arg9[%get3A_945, %get3A_946] {strides = array<i32>} : memref<32x1024xf32, #tpu.memory_space<vmem>>, vector<1x16xf32>,
          %get3A_948 = vector.shape_cast %get3A_947 : vector<1x16xf32> to vector<16xf32>
          %mul3A_949 = arith.mulf %get3A_944, %gather3A_83 : vector<16xf32>
          %mul3A_950 = arith.mulf %get3A_948, %gather3A_93 : vector<16xf32>
          %add3A_951 = arith.addf %mul3A_949, %mul3A_950 : vector<16xf32>
          %swap3A_952 = arith.index_cast %add3A_76 : i32 to index
          %swap3A_953 = arith.constant 848 : index
          %swap3A_954 = tpu.vector_load %arg8[%swap3A_952, %swap3A_953] {strides = array<i32>} : memref<32x1024xf32, #tpu.memory_space<vmem>>, vector<1x16xf32>,
          %swap3A_955 = vector.shape_cast %swap3A_954 : vector<1x16xf32> to vector<16xf32>
          %swap3A_956 = vector.shape_cast %add3A_951 : vector<16xf32> to vector<1x16xf32>
          tpu.vector_store %arg8[%swap3A_952, %swap3A_953], %swap3A_956 {strides = array<i32>} : memref<32x1024xf32, #tpu.memory_space<vmem>>, vector<1x16xf32>,
          %get3A_957 = arith.index_cast %add3A_76 : i32 to index
          %get3A_958 = arith.constant 864 : index
          %get3A_959 = tpu.vector_load %arg8[%get3A_957, %get3A_958] {strides = array<i32>} : memref<32x1024xf32, #tpu.memory_space<vmem>>, vector<1x16xf32>,
          %get3A_960 = vector.shape_cast %get3A_959 : vector<1x16xf32> to vector<16xf32>
          %get3A_961 = arith.index_cast %add3A_76 : i32 to index
          %get3A_962 = arith.constant 864 : index
          %get3A_963 = tpu.vector_load %arg9[%get3A_961, %get3A_962] {strides = array<i32>} : memref<32x1024xf32, #tpu.memory_space<vmem>>, vector<1x16xf32>,
          %get3A_964 = vector.shape_cast %get3A_963 : vector<1x16xf32> to vector<16xf32>
          %mul3A_965 = arith.mulf %get3A_960, %gather3A_83 : vector<16xf32>
          %mul3A_966 = arith.mulf %get3A_964, %gather3A_93 : vector<16xf32>
          %add3A_967 = arith.addf %mul3A_965, %mul3A_966 : vector<16xf32>
          %swap3A_968 = arith.index_cast %add3A_76 : i32 to index
          %swap3A_969 = arith.constant 864 : index
          %swap3A_970 = tpu.vector_load %arg8[%swap3A_968, %swap3A_969] {strides = array<i32>} : memref<32x1024xf32, #tpu.memory_space<vmem>>, vector<1x16xf32>,
          %swap3A_971 = vector.shape_cast %swap3A_970 : vector<1x16xf32> to vector<16xf32>
          %swap3A_972 = vector.shape_cast %add3A_967 : vector<16xf32> to vector<1x16xf32>
          tpu.vector_store %arg8[%swap3A_968, %swap3A_969], %swap3A_972 {strides = array<i32>} : memref<32x1024xf32, #tpu.memory_space<vmem>>, vector<1x16xf32>,
          %get3A_973 = arith.index_cast %add3A_76 : i32 to index
          %get3A_974 = arith.constant 880 : index
          %get3A_975 = tpu.vector_load %arg8[%get3A_973, %get3A_974] {strides = array<i32>} : memref<32x1024xf32, #tpu.memory_space<vmem>>, vector<1x16xf32>,
          %get3A_976 = vector.shape_cast %get3A_975 : vector<1x16xf32> to vector<16xf32>
          %get3A_977 = arith.index_cast %add3A_76 : i32 to index
          %get3A_978 = arith.constant 880 : index
          %get3A_979 = tpu.vector_load %arg9[%get3A_977, %get3A_978] {strides = array<i32>} : memref<32x1024xf32, #tpu.memory_space<vmem>>, vector<1x16xf32>,
          %get3A_980 = vector.shape_cast %get3A_979 : vector<1x16xf32> to vector<16xf32>
          %mul3A_981 = arith.mulf %get3A_976, %gather3A_83 : vector<16xf32>
          %mul3A_982 = arith.mulf %get3A_980, %gather3A_93 : vector<16xf32>
          %add3A_983 = arith.addf %mul3A_981, %mul3A_982 : vector<16xf32>
          %swap3A_984 = arith.index_cast %add3A_76 : i32 to index
          %swap3A_985 = arith.constant 880 : index
          %swap3A_986 = tpu.vector_load %arg8[%swap3A_984, %swap3A_985] {strides = array<i32>} : memref<32x1024xf32, #tpu.memory_space<vmem>>, vector<1x16xf32>,
          %swap3A_987 = vector.shape_cast %swap3A_986 : vector<1x16xf32> to vector<16xf32>
          %swap3A_988 = vector.shape_cast %add3A_983 : vector<16xf32> to vector<1x16xf32>
          tpu.vector_store %arg8[%swap3A_984, %swap3A_985], %swap3A_988 {strides = array<i32>} : memref<32x1024xf32, #tpu.memory_space<vmem>>, vector<1x16xf32>,
          %get3A_989 = arith.index_cast %add3A_76 : i32 to index
          %get3A_990 = arith.constant 896 : index
          %get3A_991 = tpu.vector_load %arg8[%get3A_989, %get3A_990] {strides = array<i32>} : memref<32x1024xf32, #tpu.memory_space<vmem>>, vector<1x16xf32>,
          %get3A_992 = vector.shape_cast %get3A_991 : vector<1x16xf32> to vector<16xf32>
          %get3A_993 = arith.index_cast %add3A_76 : i32 to index
          %get3A_994 = arith.constant 896 : index
          %get3A_995 = tpu.vector_load %arg9[%get3A_993, %get3A_994] {strides = array<i32>} : memref<32x1024xf32, #tpu.memory_space<vmem>>, vector<1x16xf32>,
          %get3A_996 = vector.shape_cast %get3A_995 : vector<1x16xf32> to vector<16xf32>
          %mul3A_997 = arith.mulf %get3A_992, %gather3A_83 : vector<16xf32>
          %mul3A_998 = arith.mulf %get3A_996, %gather3A_93 : vector<16xf32>
          %add3A_999 = arith.addf %mul3A_997, %mul3A_998 : vector<16xf32>
          %swap3A_1000 = arith.index_cast %add3A_76 : i32 to index
          %swap3A_1001 = arith.constant 896 : index
          %swap3A_1002 = tpu.vector_load %arg8[%swap3A_1000, %swap3A_1001] {strides = array<i32>} : memref<32x1024xf32, #tpu.memory_space<vmem>>, vector<1x16xf32>,
          %swap3A_1003 = vector.shape_cast %swap3A_1002 : vector<1x16xf32> to vector<16xf32>
          %swap3A_1004 = vector.shape_cast %add3A_999 : vector<16xf32> to vector<1x16xf32>
          tpu.vector_store %arg8[%swap3A_1000, %swap3A_1001], %swap3A_1004 {strides = array<i32>} : memref<32x1024xf32, #tpu.memory_space<vmem>>, vector<1x16xf32>,
          %get3A_1005 = arith.index_cast %add3A_76 : i32 to index
          %get3A_1006 = arith.constant 912 : index
          %get3A_1007 = tpu.vector_load %arg8[%get3A_1005, %get3A_1006] {strides = array<i32>} : memref<32x1024xf32, #tpu.memory_space<vmem>>, vector<1x16xf32>,
          %get3A_1008 = vector.shape_cast %get3A_1007 : vector<1x16xf32> to vector<16xf32>
          %get3A_1009 = arith.index_cast %add3A_76 : i32 to index
          %get3A_1010 = arith.constant 912 : index
          %get3A_1011 = tpu.vector_load %arg9[%get3A_1009, %get3A_1010] {strides = array<i32>} : memref<32x1024xf32, #tpu.memory_space<vmem>>, vector<1x16xf32>,
          %get3A_1012 = vector.shape_cast %get3A_1011 : vector<1x16xf32> to vector<16xf32>
          %mul3A_1013 = arith.mulf %get3A_1008, %gather3A_83 : vector<16xf32>
          %mul3A_1014 = arith.mulf %get3A_1012, %gather3A_93 : vector<16xf32>
          %add3A_1015 = arith.addf %mul3A_1013, %mul3A_1014 : vector<16xf32>
          %swap3A_1016 = arith.index_cast %add3A_76 : i32 to index
          %swap3A_1017 = arith.constant 912 : index
          %swap3A_1018 = tpu.vector_load %arg8[%swap3A_1016, %swap3A_1017] {strides = array<i32>} : memref<32x1024xf32, #tpu.memory_space<vmem>>, vector<1x16xf32>,
          %swap3A_1019 = vector.shape_cast %swap3A_1018 : vector<1x16xf32> to vector<16xf32>
          %swap3A_1020 = vector.shape_cast %add3A_1015 : vector<16xf32> to vector<1x16xf32>
          tpu.vector_store %arg8[%swap3A_1016, %swap3A_1017], %swap3A_1020 {strides = array<i32>} : memref<32x1024xf32, #tpu.memory_space<vmem>>, vector<1x16xf32>,
          %get3A_1021 = arith.index_cast %add3A_76 : i32 to index
          %get3A_1022 = arith.constant 928 : index
          %get3A_1023 = tpu.vector_load %arg8[%get3A_1021, %get3A_1022] {strides = array<i32>} : memref<32x1024xf32, #tpu.memory_space<vmem>>, vector<1x16xf32>,
          %get3A_1024 = vector.shape_cast %get3A_1023 : vector<1x16xf32> to vector<16xf32>
          %get3A_1025 = arith.index_cast %add3A_76 : i32 to index
          %get3A_1026 = arith.constant 928 : index
          %get3A_1027 = tpu.vector_load %arg9[%get3A_1025, %get3A_1026] {strides = array<i32>} : memref<32x1024xf32, #tpu.memory_space<vmem>>, vector<1x16xf32>,
          %get3A_1028 = vector.shape_cast %get3A_1027 : vector<1x16xf32> to vector<16xf32>
          %mul3A_1029 = arith.mulf %get3A_1024, %gather3A_83 : vector<16xf32>
          %mul3A_1030 = arith.mulf %get3A_1028, %gather3A_93 : vector<16xf32>
          %add3A_1031 = arith.addf %mul3A_1029, %mul3A_1030 : vector<16xf32>
          %swap3A_1032 = arith.index_cast %add3A_76 : i32 to index
          %swap3A_1033 = arith.constant 928 : index
          %swap3A_1034 = tpu.vector_load %arg8[%swap3A_1032, %swap3A_1033] {strides = array<i32>} : memref<32x1024xf32, #tpu.memory_space<vmem>>, vector<1x16xf32>,
          %swap3A_1035 = vector.shape_cast %swap3A_1034 : vector<1x16xf32> to vector<16xf32>
          %swap3A_1036 = vector.shape_cast %add3A_1031 : vector<16xf32> to vector<1x16xf32>
          tpu.vector_store %arg8[%swap3A_1032, %swap3A_1033], %swap3A_1036 {strides = array<i32>} : memref<32x1024xf32, #tpu.memory_space<vmem>>, vector<1x16xf32>,
          %get3A_1037 = arith.index_cast %add3A_76 : i32 to index
          %get3A_1038 = arith.constant 944 : index
          %get3A_1039 = tpu.vector_load %arg8[%get3A_1037, %get3A_1038] {strides = array<i32>} : memref<32x1024xf32, #tpu.memory_space<vmem>>, vector<1x16xf32>,
          %get3A_1040 = vector.shape_cast %get3A_1039 : vector<1x16xf32> to vector<16xf32>
          %get3A_1041 = arith.index_cast %add3A_76 : i32 to index
          %get3A_1042 = arith.constant 944 : index
          %get3A_1043 = tpu.vector_load %arg9[%get3A_1041, %get3A_1042] {strides = array<i32>} : memref<32x1024xf32, #tpu.memory_space<vmem>>, vector<1x16xf32>,
          %get3A_1044 = vector.shape_cast %get3A_1043 : vector<1x16xf32> to vector<16xf32>
          %mul3A_1045 = arith.mulf %get3A_1040, %gather3A_83 : vector<16xf32>
          %mul3A_1046 = arith.mulf %get3A_1044, %gather3A_93 : vector<16xf32>
          %add3A_1047 = arith.addf %mul3A_1045, %mul3A_1046 : vector<16xf32>
          %swap3A_1048 = arith.index_cast %add3A_76 : i32 to index
          %swap3A_1049 = arith.constant 944 : index
          %swap3A_1050 = tpu.vector_load %arg8[%swap3A_1048, %swap3A_1049] {strides = array<i32>} : memref<32x1024xf32, #tpu.memory_space<vmem>>, vector<1x16xf32>,
          %swap3A_1051 = vector.shape_cast %swap3A_1050 : vector<1x16xf32> to vector<16xf32>
          %swap3A_1052 = vector.shape_cast %add3A_1047 : vector<16xf32> to vector<1x16xf32>
          tpu.vector_store %arg8[%swap3A_1048, %swap3A_1049], %swap3A_1052 {strides = array<i32>} : memref<32x1024xf32, #tpu.memory_space<vmem>>, vector<1x16xf32>,
          %get3A_1053 = arith.index_cast %add3A_76 : i32 to index
          %get3A_1054 = arith.constant 960 : index
          %get3A_1055 = tpu.vector_load %arg8[%get3A_1053, %get3A_1054] {strides = array<i32>} : memref<32x1024xf32, #tpu.memory_space<vmem>>, vector<1x16xf32>,
          %get3A_1056 = vector.shape_cast %get3A_1055 : vector<1x16xf32> to vector<16xf32>
          %get3A_1057 = arith.index_cast %add3A_76 : i32 to index
          %get3A_1058 = arith.constant 960 : index
          %get3A_1059 = tpu.vector_load %arg9[%get3A_1057, %get3A_1058] {strides = array<i32>} : memref<32x1024xf32, #tpu.memory_space<vmem>>, vector<1x16xf32>,
          %get3A_1060 = vector.shape_cast %get3A_1059 : vector<1x16xf32> to vector<16xf32>
          %mul3A_1061 = arith.mulf %get3A_1056, %gather3A_83 : vector<16xf32>
          %mul3A_1062 = arith.mulf %get3A_1060, %gather3A_93 : vector<16xf32>
          %add3A_1063 = arith.addf %mul3A_1061, %mul3A_1062 : vector<16xf32>
          %swap3A_1064 = arith.index_cast %add3A_76 : i32 to index
          %swap3A_1065 = arith.constant 960 : index
          %swap3A_1066 = tpu.vector_load %arg8[%swap3A_1064, %swap3A_1065] {strides = array<i32>} : memref<32x1024xf32, #tpu.memory_space<vmem>>, vector<1x16xf32>,
          %swap3A_1067 = vector.shape_cast %swap3A_1066 : vector<1x16xf32> to vector<16xf32>
          %swap3A_1068 = vector.shape_cast %add3A_1063 : vector<16xf32> to vector<1x16xf32>
          tpu.vector_store %arg8[%swap3A_1064, %swap3A_1065], %swap3A_1068 {strides = array<i32>} : memref<32x1024xf32, #tpu.memory_space<vmem>>, vector<1x16xf32>,
          %get3A_1069 = arith.index_cast %add3A_76 : i32 to index
          %get3A_1070 = arith.constant 976 : index
          %get3A_1071 = tpu.vector_load %arg8[%get3A_1069, %get3A_1070] {strides = array<i32>} : memref<32x1024xf32, #tpu.memory_space<vmem>>, vector<1x16xf32>,
          %get3A_1072 = vector.shape_cast %get3A_1071 : vector<1x16xf32> to vector<16xf32>
          %get3A_1073 = arith.index_cast %add3A_76 : i32 to index
          %get3A_1074 = arith.constant 976 : index
          %get3A_1075 = tpu.vector_load %arg9[%get3A_1073, %get3A_1074] {strides = array<i32>} : memref<32x1024xf32, #tpu.memory_space<vmem>>, vector<1x16xf32>,
          %get3A_1076 = vector.shape_cast %get3A_1075 : vector<1x16xf32> to vector<16xf32>
          %mul3A_1077 = arith.mulf %get3A_1072, %gather3A_83 : vector<16xf32>
          %mul3A_1078 = arith.mulf %get3A_1076, %gather3A_93 : vector<16xf32>
          %add3A_1079 = arith.addf %mul3A_1077, %mul3A_1078 : vector<16xf32>
          %swap3A_1080 = arith.index_cast %add3A_76 : i32 to index
          %swap3A_1081 = arith.constant 976 : index
          %swap3A_1082 = tpu.vector_load %arg8[%swap3A_1080, %swap3A_1081] {strides = array<i32>} : memref<32x1024xf32, #tpu.memory_space<vmem>>, vector<1x16xf32>,
          %swap3A_1083 = vector.shape_cast %swap3A_1082 : vector<1x16xf32> to vector<16xf32>
          %swap3A_1084 = vector.shape_cast %add3A_1079 : vector<16xf32> to vector<1x16xf32>
          tpu.vector_store %arg8[%swap3A_1080, %swap3A_1081], %swap3A_1084 {strides = array<i32>} : memref<32x1024xf32, #tpu.memory_space<vmem>>, vector<1x16xf32>,
          %get3A_1085 = arith.index_cast %add3A_76 : i32 to index
          %get3A_1086 = arith.constant 992 : index
          %get3A_1087 = tpu.vector_load %arg8[%get3A_1085, %get3A_1086] {strides = array<i32>} : memref<32x1024xf32, #tpu.memory_space<vmem>>, vector<1x16xf32>,
          %get3A_1088 = vector.shape_cast %get3A_1087 : vector<1x16xf32> to vector<16xf32>
          %get3A_1089 = arith.index_cast %add3A_76 : i32 to index
          %get3A_1090 = arith.constant 992 : index
          %get3A_1091 = tpu.vector_load %arg9[%get3A_1089, %get3A_1090] {strides = array<i32>} : memref<32x1024xf32, #tpu.memory_space<vmem>>, vector<1x16xf32>,
          %get3A_1092 = vector.shape_cast %get3A_1091 : vector<1x16xf32> to vector<16xf32>
          %mul3A_1093 = arith.mulf %get3A_1088, %gather3A_83 : vector<16xf32>
          %mul3A_1094 = arith.mulf %get3A_1092, %gather3A_93 : vector<16xf32>
          %add3A_1095 = arith.addf %mul3A_1093, %mul3A_1094 : vector<16xf32>
          %swap3A_1096 = arith.index_cast %add3A_76 : i32 to index
          %swap3A_1097 = arith.constant 992 : index
          %swap3A_1098 = tpu.vector_load %arg8[%swap3A_1096, %swap3A_1097] {strides = array<i32>} : memref<32x1024xf32, #tpu.memory_space<vmem>>, vector<1x16xf32>,
          %swap3A_1099 = vector.shape_cast %swap3A_1098 : vector<1x16xf32> to vector<16xf32>
          %swap3A_1100 = vector.shape_cast %add3A_1095 : vector<16xf32> to vector<1x16xf32>
          tpu.vector_store %arg8[%swap3A_1096, %swap3A_1097], %swap3A_1100 {strides = array<i32>} : memref<32x1024xf32, #tpu.memory_space<vmem>>, vector<1x16xf32>,
          %get3A_1101 = arith.index_cast %add3A_76 : i32 to index
          %get3A_1102 = arith.constant 1008 : index
          %get3A_1103 = tpu.vector_load %arg8[%get3A_1101, %get3A_1102] {strides = array<i32>} : memref<32x1024xf32, #tpu.memory_space<vmem>>, vector<1x16xf32>,
          %get3A_1104 = vector.shape_cast %get3A_1103 : vector<1x16xf32> to vector<16xf32>
          %get3A_1105 = arith.index_cast %add3A_76 : i32 to index
          %get3A_1106 = arith.constant 1008 : index
          %get3A_1107 = tpu.vector_load %arg9[%get3A_1105, %get3A_1106] {strides = array<i32>} : memref<32x1024xf32, #tpu.memory_space<vmem>>, vector<1x16xf32>,
          %get3A_1108 = vector.shape_cast %get3A_1107 : vector<1x16xf32> to vector<16xf32>
          %mul3A_1109 = arith.mulf %get3A_1104, %gather3A_83 : vector<16xf32>
          %mul3A_1110 = arith.mulf %get3A_1108, %gather3A_93 : vector<16xf32>
          %add3A_1111 = arith.addf %mul3A_1109, %mul3A_1110 : vector<16xf32>
          %swap3A_1112 = arith.index_cast %add3A_76 : i32 to index
          %swap3A_1113 = arith.constant 1008 : index
          %swap3A_1114 = tpu.vector_load %arg8[%swap3A_1112, %swap3A_1113] {strides = array<i32>} : memref<32x1024xf32, #tpu.memory_space<vmem>>, vector<1x16xf32>,
          %swap3A_1115 = vector.shape_cast %swap3A_1114 : vector<1x16xf32> to vector<16xf32>
          %swap3A_1116 = vector.shape_cast %add3A_1111 : vector<16xf32> to vector<1x16xf32>
          tpu.vector_store %arg8[%swap3A_1112, %swap3A_1113], %swap3A_1116 {strides = array<i32>} : memref<32x1024xf32, #tpu.memory_space<vmem>>, vector<1x16xf32>,
        }
        %scan3A_68 = arith.constant 16 : i32
      }
      %scan3A_45 = arith.constant 2 : i32
      "tpu.region"() ({
        %run_scoped3A = tpu.sem_alloc : memref<!tpu.dma_semaphore, #tpu.memory_space<semaphore_mem>>
        %dma_start3A_46 = arith.constant 0 : i32
        %dma_start3A_47 = tpu.memref_slice %arg7[%mul3A_14, %dma_start3A_46] : memref<2048x1024xf32, #tpu.memory_space<hbm>> -> memref<32x1024xf32, #tpu.memory_space<hbm>>
        %dma_start3A_48 = arith.constant 0 : i32
        %dma_start3A_49 = tpu.memref_slice %arg7[%mul3A_14, %dma_start3A_48] : memref<2048x1024xf32, #tpu.memory_space<hbm>> -> memref<32x1024xf32, #tpu.memory_space<hbm>>
        tpu.enqueue_dma source(%arg8 : memref<32x1024xf32, #tpu.memory_space<vmem>>) target(%dma_start3A_49 : memref<32x1024xf32, #tpu.memory_space<hbm>>) target_semaphore(%run_scoped3A : memref<!tpu.dma_semaphore, #tpu.memory_space<semaphore_mem>>)
        %dma_wait3A_50 = arith.constant 0 : i32
        %dma_wait3A_51 = tpu.memref_slice %arg7[%mul3A_14, %dma_wait3A_50] : memref<2048x1024xf32, #tpu.memory_space<hbm>> -> memref<32x1024xf32, #tpu.memory_space<hbm>>
        %dma_wait3A_52 = arith.constant 0 : i32
        %dma_wait3A_53 = tpu.memref_slice %arg7[%mul3A_14, %dma_wait3A_52] : memref<2048x1024xf32, #tpu.memory_space<hbm>> -> memref<32x1024xf32, #tpu.memory_space<hbm>>
        tpu.wait_dma2 semaphore(%run_scoped3A : memref<!tpu.dma_semaphore, #tpu.memory_space<semaphore_mem>>) src(%arg8 : memref<32x1024xf32, #tpu.memory_space<vmem>>) dst(%dma_wait3A_53 : memref<32x1024xf32, #tpu.memory_space<hbm>>)
        tpu.yield
      }) : () -> ()
    }
    %scan3A_4 = arith.constant 2 : i32
    return
  }
}

#map = affine_map<(d0, d1) -> (0, 0)>
module attributes {stable_mosaic.version = 14 : i64} {
  func.func @k(%arg0: i32, %arg1: i32, %arg2: memref<2048x1024xf32, #tpu.memory_space<hbm>>, %arg3: memref<32x64xi32, #tpu.memory_space<hbm>>, %arg4: memref<32x64xi32, #tpu.memory_space<hbm>>, %arg5: memref<8192x1024xf32, #tpu.memory_space<hbm>>, %arg6: memref<64x1024xf32, #tpu.memory_space<vmem>>, %arg7: memref<1x64xi32, #tpu.memory_space<vmem>>, %arg8: memref<1x64xi32, #tpu.memory_space<vmem>>, %arg9: memref<!tpu.dma_semaphore, #tpu.memory_space<semaphore_mem>>, %arg10: memref<!tpu.dma_semaphore, #tpu.memory_space<semaphore_mem>>) attributes {dimension_semantics = [#tpu.dimension_semantics<core_parallel>, #tpu.dimension_semantics<subcore_parallel>], iteration_bounds = array<i64: 2, 16>, scalar_prefetch = 0 : i64, scratch_operands = 5 : i64, tpu.core_type = #tpu.core_type<sc_vector_subcore>, window_params = [{transform_indices = #map}, {transform_indices = #map}, {transform_indices = #map}, {transform_indices = #map}]} {
    %mul3A = arith.constant 2 : i32
    %mul3A_0 = arith.muli %arg1, %mul3A : i32
    %add3A = arith.addi %mul3A_0, %arg0 : i32
    %mul3A_1 = arith.constant 64 : i32
    %mul3A_2 = arith.muli %add3A, %mul3A_1 : i32
    "tpu.region"() ({
      %run_scoped3A = tpu.sem_alloc : memref<!tpu.dma_semaphore, #tpu.memory_space<semaphore_mem>>
      %dma_start3A_29 = arith.constant 0 : i32
      %dma_start3A_30 = tpu.memref_slice %arg3[%add3A, %dma_start3A_29] : memref<32x64xi32, #tpu.memory_space<hbm>> -> memref<1x64xi32, #tpu.memory_space<hbm>>
      %dma_start3A_31 = arith.constant 0 : i32
      %dma_start3A_32 = tpu.memref_slice %arg3[%add3A, %dma_start3A_31] : memref<32x64xi32, #tpu.memory_space<hbm>> -> memref<1x64xi32, #tpu.memory_space<hbm>>
      tpu.enqueue_dma source(%dma_start3A_32 : memref<1x64xi32, #tpu.memory_space<hbm>>) target(%arg7 : memref<1x64xi32, #tpu.memory_space<vmem>>) target_semaphore(%run_scoped3A : memref<!tpu.dma_semaphore, #tpu.memory_space<semaphore_mem>>)
      %dma_wait3A_33 = arith.constant 0 : i32
      %dma_wait3A_34 = tpu.memref_slice %arg3[%add3A, %dma_wait3A_33] : memref<32x64xi32, #tpu.memory_space<hbm>> -> memref<1x64xi32, #tpu.memory_space<hbm>>
      %dma_wait3A_35 = arith.constant 0 : i32
      %dma_wait3A_36 = tpu.memref_slice %arg3[%add3A, %dma_wait3A_35] : memref<32x64xi32, #tpu.memory_space<hbm>> -> memref<1x64xi32, #tpu.memory_space<hbm>>
      tpu.wait_dma2 semaphore(%run_scoped3A : memref<!tpu.dma_semaphore, #tpu.memory_space<semaphore_mem>>) src(%dma_wait3A_36 : memref<1x64xi32, #tpu.memory_space<hbm>>) dst(%arg7 : memref<1x64xi32, #tpu.memory_space<vmem>>)
      tpu.yield
    }) : () -> ()
    "tpu.region"() ({
      %run_scoped3A = tpu.sem_alloc : memref<!tpu.dma_semaphore, #tpu.memory_space<semaphore_mem>>
      %dma_start3A_29 = arith.constant 0 : i32
      %dma_start3A_30 = tpu.memref_slice %arg4[%add3A, %dma_start3A_29] : memref<32x64xi32, #tpu.memory_space<hbm>> -> memref<1x64xi32, #tpu.memory_space<hbm>>
      %dma_start3A_31 = arith.constant 0 : i32
      %dma_start3A_32 = tpu.memref_slice %arg4[%add3A, %dma_start3A_31] : memref<32x64xi32, #tpu.memory_space<hbm>> -> memref<1x64xi32, #tpu.memory_space<hbm>>
      tpu.enqueue_dma source(%dma_start3A_32 : memref<1x64xi32, #tpu.memory_space<hbm>>) target(%arg8 : memref<1x64xi32, #tpu.memory_space<vmem>>) target_semaphore(%run_scoped3A : memref<!tpu.dma_semaphore, #tpu.memory_space<semaphore_mem>>)
      %dma_wait3A_33 = arith.constant 0 : i32
      %dma_wait3A_34 = tpu.memref_slice %arg4[%add3A, %dma_wait3A_33] : memref<32x64xi32, #tpu.memory_space<hbm>> -> memref<1x64xi32, #tpu.memory_space<hbm>>
      %dma_wait3A_35 = arith.constant 0 : i32
      %dma_wait3A_36 = tpu.memref_slice %arg4[%add3A, %dma_wait3A_35] : memref<32x64xi32, #tpu.memory_space<hbm>> -> memref<1x64xi32, #tpu.memory_space<hbm>>
      tpu.wait_dma2 semaphore(%run_scoped3A : memref<!tpu.dma_semaphore, #tpu.memory_space<semaphore_mem>>) src(%dma_wait3A_36 : memref<1x64xi32, #tpu.memory_space<hbm>>) dst(%arg8 : memref<1x64xi32, #tpu.memory_space<vmem>>)
      tpu.yield
    }) : () -> ()
    "tpu.region"() ({
      %run_scoped3A = tpu.sem_alloc : memref<!tpu.dma_semaphore, #tpu.memory_space<semaphore_mem>>
      %dma_start3A_29 = arith.constant 0 : i32
      %dma_start3A_30 = tpu.memref_slice %arg2[%mul3A_2, %dma_start3A_29] : memref<2048x1024xf32, #tpu.memory_space<hbm>> -> memref<64x1024xf32, #tpu.memory_space<hbm>>
      %dma_start3A_31 = arith.constant 0 : i32
      %dma_start3A_32 = tpu.memref_slice %arg2[%mul3A_2, %dma_start3A_31] : memref<2048x1024xf32, #tpu.memory_space<hbm>> -> memref<64x1024xf32, #tpu.memory_space<hbm>>
      tpu.enqueue_dma source(%dma_start3A_32 : memref<64x1024xf32, #tpu.memory_space<hbm>>) target(%arg6 : memref<64x1024xf32, #tpu.memory_space<vmem>>) target_semaphore(%run_scoped3A : memref<!tpu.dma_semaphore, #tpu.memory_space<semaphore_mem>>)
      %dma_wait3A_33 = arith.constant 0 : i32
      %dma_wait3A_34 = tpu.memref_slice %arg2[%mul3A_2, %dma_wait3A_33] : memref<2048x1024xf32, #tpu.memory_space<hbm>> -> memref<64x1024xf32, #tpu.memory_space<hbm>>
      %dma_wait3A_35 = arith.constant 0 : i32
      %dma_wait3A_36 = tpu.memref_slice %arg2[%mul3A_2, %dma_wait3A_35] : memref<2048x1024xf32, #tpu.memory_space<hbm>> -> memref<64x1024xf32, #tpu.memory_space<hbm>>
      tpu.wait_dma2 semaphore(%run_scoped3A : memref<!tpu.dma_semaphore, #tpu.memory_space<semaphore_mem>>) src(%dma_wait3A_36 : memref<64x1024xf32, #tpu.memory_space<hbm>>) dst(%arg6 : memref<64x1024xf32, #tpu.memory_space<vmem>>)
      tpu.yield
    }) : () -> ()
    %dma_start3A = arith.constant 0 : i32
    %dma_start3A_3 = arith.constant 0 : i32
    %dma_start3A_4 = tpu.memref_slice %arg7[%dma_start3A, %dma_start3A_3] : memref<1x64xi32, #tpu.memory_space<vmem>> -> memref<1x64xi32, #tpu.memory_space<vmem>>
    %dma_start3A_5 = tpu.memref_squeeze %dma_start3A_4 : memref<1x64xi32, #tpu.memory_space<vmem>> -> memref<64xi32, #tpu.memory_space<vmem>>
    %dma_start3A_6 = arith.constant 0 : i32
    %dma_start3A_7 = arith.constant 0 : i32
    %dma_start3A_8 = tpu.memref_slice %arg5[%dma_start3A_6, %dma_start3A_7] : memref<8192x1024xf32, #tpu.memory_space<hbm>> -> memref<8192x1024xf32, #tpu.memory_space<hbm>>
    tpu.enqueue_indirect_dma source(%arg6 : memref<64x1024xf32, #tpu.memory_space<vmem>>) target(%dma_start3A_8 : memref<8192x1024xf32, #tpu.memory_space<hbm>>) offsets(%dma_start3A_5 : memref<64xi32, #tpu.memory_space<vmem>>) semaphore(%arg9 : memref<!tpu.dma_semaphore, #tpu.memory_space<semaphore_mem>>)
    %dma_start3A_9 = arith.constant 0 : i32
    %dma_start3A_10 = arith.constant 0 : i32
    %dma_start3A_11 = tpu.memref_slice %arg8[%dma_start3A_9, %dma_start3A_10] : memref<1x64xi32, #tpu.memory_space<vmem>> -> memref<1x64xi32, #tpu.memory_space<vmem>>
    %dma_start3A_12 = tpu.memref_squeeze %dma_start3A_11 : memref<1x64xi32, #tpu.memory_space<vmem>> -> memref<64xi32, #tpu.memory_space<vmem>>
    %dma_start3A_13 = arith.constant 0 : i32
    %dma_start3A_14 = arith.constant 0 : i32
    %dma_start3A_15 = tpu.memref_slice %arg5[%dma_start3A_13, %dma_start3A_14] : memref<8192x1024xf32, #tpu.memory_space<hbm>> -> memref<8192x1024xf32, #tpu.memory_space<hbm>>
    tpu.enqueue_indirect_dma source(%arg6 : memref<64x1024xf32, #tpu.memory_space<vmem>>) target(%dma_start3A_15 : memref<8192x1024xf32, #tpu.memory_space<hbm>>) offsets(%dma_start3A_12 : memref<64xi32, #tpu.memory_space<vmem>>) semaphore(%arg10 : memref<!tpu.dma_semaphore, #tpu.memory_space<semaphore_mem>>)
    %dma_wait3A = arith.constant 0 : i32
    %dma_wait3A_16 = arith.constant 0 : i32
    %dma_wait3A_17 = tpu.memref_slice %arg7[%dma_wait3A, %dma_wait3A_16] : memref<1x64xi32, #tpu.memory_space<vmem>> -> memref<1x64xi32, #tpu.memory_space<vmem>>
    %dma_wait3A_18 = tpu.memref_squeeze %dma_wait3A_17 : memref<1x64xi32, #tpu.memory_space<vmem>> -> memref<64xi32, #tpu.memory_space<vmem>>
    %dma_wait3A_19 = arith.constant 0 : i32
    %dma_wait3A_20 = arith.constant 0 : i32
    %dma_wait3A_21 = tpu.memref_slice %arg5[%dma_wait3A_19, %dma_wait3A_20] : memref<8192x1024xf32, #tpu.memory_space<hbm>> -> memref<8192x1024xf32, #tpu.memory_space<hbm>>
    tpu.wait_indirect_dma semaphore(%arg9 : memref<!tpu.dma_semaphore, #tpu.memory_space<semaphore_mem>>) src(%arg6 : memref<64x1024xf32, #tpu.memory_space<vmem>>) dst(%dma_wait3A_21 : memref<8192x1024xf32, #tpu.memory_space<hbm>>)
    %dma_wait3A_22 = arith.constant 0 : i32
    %dma_wait3A_23 = arith.constant 0 : i32
    %dma_wait3A_24 = tpu.memref_slice %arg8[%dma_wait3A_22, %dma_wait3A_23] : memref<1x64xi32, #tpu.memory_space<vmem>> -> memref<1x64xi32, #tpu.memory_space<vmem>>
    %dma_wait3A_25 = tpu.memref_squeeze %dma_wait3A_24 : memref<1x64xi32, #tpu.memory_space<vmem>> -> memref<64xi32, #tpu.memory_space<vmem>>
    %dma_wait3A_26 = arith.constant 0 : i32
    %dma_wait3A_27 = arith.constant 0 : i32
    %dma_wait3A_28 = tpu.memref_slice %arg5[%dma_wait3A_26, %dma_wait3A_27] : memref<8192x1024xf32, #tpu.memory_space<hbm>> -> memref<8192x1024xf32, #tpu.memory_space<hbm>>
    tpu.wait_indirect_dma semaphore(%arg10 : memref<!tpu.dma_semaphore, #tpu.memory_space<semaphore_mem>>) src(%arg6 : memref<64x1024xf32, #tpu.memory_space<vmem>>) dst(%dma_wait3A_28 : memref<8192x1024xf32, #tpu.memory_space<hbm>>)
    return
  }
}

module attributes {stable_mosaic.version = 14 : i64} {
  func.func @_routing_body(%arg0: memref<8x2048xf32, #tpu.memory_space<vmem>>, %arg1: memref<8x2048xi32, #tpu.memory_space<vmem>>, %arg2: memref<8x2048xf32, #tpu.memory_space<vmem>>, %arg3: memref<8x128xi32, #tpu.memory_space<vmem>>) attributes {dimension_semantics = [], scalar_prefetch = 0 : i64, scratch_operands = 0 : i64, tpu.core_type = #tpu.core_type<tc>} {
    %get3A = arith.constant 0 : index
    %get3A_0 = arith.constant 0 : index
    %get3A_1 = vector.load %arg0[%get3A, %get3A_0] : memref<8x2048xf32, #tpu.memory_space<vmem>>, vector<8x2048xf32>
    %reduce_max3A = arith.constant dense<0xFF800000> : vector<2048xf32>
    %reduce_max3A_2 = vector.multi_reduction <maximumf>, %get3A_1, %reduce_max3A [0] : vector<8x2048xf32> to vector<2048xf32>
    %broadcast_in_dim3A = vector.shape_cast %reduce_max3A_2 : vector<2048xf32> to vector<1x2048xf32>
    %sub3A = vector.broadcast %broadcast_in_dim3A : vector<1x2048xf32> to vector<8x2048xf32>
    %sub3A_3 = arith.subf %get3A_1, %sub3A : vector<8x2048xf32>
    %exp3A = math.exp %sub3A_3 : vector<8x2048xf32>
    %reduce_sum3A = arith.constant dense<0.000000e+00> : vector<2048xf32>
    %reduce_sum3A_4 = vector.multi_reduction <add>, %exp3A, %reduce_sum3A [0] : vector<8x2048xf32> to vector<2048xf32>
    %broadcast_in_dim3A_5 = vector.shape_cast %reduce_sum3A_4 : vector<2048xf32> to vector<1x2048xf32>
    %div3A = vector.broadcast %broadcast_in_dim3A_5 : vector<1x2048xf32> to vector<8x2048xf32>
    %div3A_6 = arith.divf %exp3A, %div3A : vector<8x2048xf32>
    %reduce_max3A_7 = arith.constant dense<0xFF800000> : vector<2048xf32>
    %reduce_max3A_8 = vector.multi_reduction <maximumf>, %div3A_6, %reduce_max3A_7 [0] : vector<8x2048xf32> to vector<2048xf32>
    %broadcast_in_dim3A_9 = vector.shape_cast %reduce_max3A_8 : vector<2048xf32> to vector<1x2048xf32>
    %eq3A = vector.broadcast %broadcast_in_dim3A_9 : vector<1x2048xf32> to vector<8x2048xf32>
    %eq3A_10 = arith.cmpf oeq, %div3A_6, %eq3A : vector<8x2048xf32>
    %convert_element_type3A = arith.extui %eq3A_10 : vector<8x2048xi1> to vector<8x2048xi32>
    %convert_element_type3A_11 = arith.sitofp %convert_element_type3A : vector<8x2048xi32> to vector<8x2048xf32>
    %slice3A = vector.extract_strided_slice %convert_element_type3A_11 {offsets = [0, 0], sizes = [1, 2048], strides = [1, 1]} : vector<8x2048xf32> to vector<1x2048xf32>
    %slice3A_12 = vector.extract_strided_slice %convert_element_type3A_11 {offsets = [1, 0], sizes = [1, 2048], strides = [1, 1]} : vector<8x2048xf32> to vector<1x2048xf32>
    %add3A = arith.addf %slice3A, %slice3A_12 : vector<1x2048xf32>
    %slice3A_13 = vector.extract_strided_slice %convert_element_type3A_11 {offsets = [2, 0], sizes = [1, 2048], strides = [1, 1]} : vector<8x2048xf32> to vector<1x2048xf32>
    %add3A_14 = arith.addf %add3A, %slice3A_13 : vector<1x2048xf32>
    %slice3A_15 = vector.extract_strided_slice %convert_element_type3A_11 {offsets = [3, 0], sizes = [1, 2048], strides = [1, 1]} : vector<8x2048xf32> to vector<1x2048xf32>
    %add3A_16 = arith.addf %add3A_14, %slice3A_15 : vector<1x2048xf32>
    %slice3A_17 = vector.extract_strided_slice %convert_element_type3A_11 {offsets = [4, 0], sizes = [1, 2048], strides = [1, 1]} : vector<8x2048xf32> to vector<1x2048xf32>
    %add3A_18 = arith.addf %add3A_16, %slice3A_17 : vector<1x2048xf32>
    %slice3A_19 = vector.extract_strided_slice %convert_element_type3A_11 {offsets = [5, 0], sizes = [1, 2048], strides = [1, 1]} : vector<8x2048xf32> to vector<1x2048xf32>
    %add3A_20 = arith.addf %add3A_18, %slice3A_19 : vector<1x2048xf32>
    %slice3A_21 = vector.extract_strided_slice %convert_element_type3A_11 {offsets = [6, 0], sizes = [1, 2048], strides = [1, 1]} : vector<8x2048xf32> to vector<1x2048xf32>
    %add3A_22 = arith.addf %add3A_20, %slice3A_21 : vector<1x2048xf32>
    %slice3A_23 = vector.extract_strided_slice %convert_element_type3A_11 {offsets = [7, 0], sizes = [1, 2048], strides = [1, 1]} : vector<8x2048xf32> to vector<1x2048xf32>
    %add3A_24 = arith.addf %add3A_22, %slice3A_23 : vector<1x2048xf32>
    %concatenate3A = tpu.concatenate %slice3A, %add3A, %add3A_14, %add3A_16, %add3A_18, %add3A_20, %add3A_22, %add3A_24 in 0 : vector<1x2048xf32>, vector<1x2048xf32>, vector<1x2048xf32>, vector<1x2048xf32>, vector<1x2048xf32>, vector<1x2048xf32>, vector<1x2048xf32>, vector<1x2048xf32> -> vector<8x2048xf32>
    %eq3A_25 = arith.constant 1.000000e+00 : f32
    %eq3A_26 = vector.broadcast %eq3A_25 : f32 to vector<8x2048xf32>
    %eq3A_27 = arith.cmpf oeq, %concatenate3A, %eq3A_26 : vector<8x2048xf32>
    %convert_element_type3A_28 = arith.extui %eq3A_27 : vector<8x2048xi1> to vector<8x2048xi32>
    %convert_element_type3A_29 = arith.sitofp %convert_element_type3A_28 : vector<8x2048xi32> to vector<8x2048xf32>
    %mul3A = arith.mulf %convert_element_type3A_11, %convert_element_type3A_29 : vector<8x2048xf32>
    %mul3A_30 = arith.mulf %div3A_6, %mul3A : vector<8x2048xf32>
    %reduce_sum3A_31 = arith.constant dense<0.000000e+00> : vector<2048xf32>
    %reduce_sum3A_32 = vector.multi_reduction <add>, %mul3A_30, %reduce_sum3A_31 [0] : vector<8x2048xf32> to vector<2048xf32>
    %broadcast_in_dim3A_33 = vector.shape_cast %reduce_sum3A_32 : vector<2048xf32> to vector<1x2048xf32>
    %gt3A = arith.constant 0.000000e+00 : f32
    %gt3A_34 = vector.broadcast %gt3A : f32 to vector<8x2048xf32>
    %gt3A_35 = arith.cmpf ogt, %mul3A, %gt3A_34 : vector<8x2048xf32>
    %jit3A = arith.constant -1.000000e+00 : f32
    %broadcast_in_dim3A_36 = vector.broadcast %jit3A : f32 to vector<8x2048xf32>
    %select_n3A = arith.select %gt3A_35, %broadcast_in_dim3A_36, %div3A_6 : vector<8x2048xi1>, vector<8x2048xf32>
    %reduce_max3A_37 = arith.constant dense<0xFF800000> : vector<2048xf32>
    %reduce_max3A_38 = vector.multi_reduction <maximumf>, %select_n3A, %reduce_max3A_37 [0] : vector<8x2048xf32> to vector<2048xf32>
    %broadcast_in_dim3A_39 = vector.shape_cast %reduce_max3A_38 : vector<2048xf32> to vector<1x2048xf32>
    %eq3A_40 = vector.broadcast %broadcast_in_dim3A_39 : vector<1x2048xf32> to vector<8x2048xf32>
    %eq3A_41 = arith.cmpf oeq, %select_n3A, %eq3A_40 : vector<8x2048xf32>
    %convert_element_type3A_42 = arith.extui %eq3A_41 : vector<8x2048xi1> to vector<8x2048xi32>
    %convert_element_type3A_43 = arith.sitofp %convert_element_type3A_42 : vector<8x2048xi32> to vector<8x2048xf32>
    %slice3A_44 = vector.extract_strided_slice %convert_element_type3A_43 {offsets = [0, 0], sizes = [1, 2048], strides = [1, 1]} : vector<8x2048xf32> to vector<1x2048xf32>
    %slice3A_45 = vector.extract_strided_slice %convert_element_type3A_43 {offsets = [1, 0], sizes = [1, 2048], strides = [1, 1]} : vector<8x2048xf32> to vector<1x2048xf32>
    %add3A_46 = arith.addf %slice3A_44, %slice3A_45 : vector<1x2048xf32>
    %slice3A_47 = vector.extract_strided_slice %convert_element_type3A_43 {offsets = [2, 0], sizes = [1, 2048], strides = [1, 1]} : vector<8x2048xf32> to vector<1x2048xf32>
    %add3A_48 = arith.addf %add3A_46, %slice3A_47 : vector<1x2048xf32>
    %slice3A_49 = vector.extract_strided_slice %convert_element_type3A_43 {offsets = [3, 0], sizes = [1, 2048], strides = [1, 1]} : vector<8x2048xf32> to vector<1x2048xf32>
    %add3A_50 = arith.addf %add3A_48, %slice3A_49 : vector<1x2048xf32>
    %slice3A_51 = vector.extract_strided_slice %convert_element_type3A_43 {offsets = [4, 0], sizes = [1, 2048], strides = [1, 1]} : vector<8x2048xf32> to vector<1x2048xf32>
    %add3A_52 = arith.addf %add3A_50, %slice3A_51 : vector<1x2048xf32>
    %slice3A_53 = vector.extract_strided_slice %convert_element_type3A_43 {offsets = [5, 0], sizes = [1, 2048], strides = [1, 1]} : vector<8x2048xf32> to vector<1x2048xf32>
    %add3A_54 = arith.addf %add3A_52, %slice3A_53 : vector<1x2048xf32>
    %slice3A_55 = vector.extract_strided_slice %convert_element_type3A_43 {offsets = [6, 0], sizes = [1, 2048], strides = [1, 1]} : vector<8x2048xf32> to vector<1x2048xf32>
    %add3A_56 = arith.addf %add3A_54, %slice3A_55 : vector<1x2048xf32>
    %slice3A_57 = vector.extract_strided_slice %convert_element_type3A_43 {offsets = [7, 0], sizes = [1, 2048], strides = [1, 1]} : vector<8x2048xf32> to vector<1x2048xf32>
    %add3A_58 = arith.addf %add3A_56, %slice3A_57 : vector<1x2048xf32>
    %concatenate3A_59 = tpu.concatenate %slice3A_44, %add3A_46, %add3A_48, %add3A_50, %add3A_52, %add3A_54, %add3A_56, %add3A_58 in 0 : vector<1x2048xf32>, vector<1x2048xf32>, vector<1x2048xf32>, vector<1x2048xf32>, vector<1x2048xf32>, vector<1x2048xf32>, vector<1x2048xf32>, vector<1x2048xf32> -> vector<8x2048xf32>
    %eq3A_60 = arith.constant 1.000000e+00 : f32
    %eq3A_61 = vector.broadcast %eq3A_60 : f32 to vector<8x2048xf32>
    %eq3A_62 = arith.cmpf oeq, %concatenate3A_59, %eq3A_61 : vector<8x2048xf32>
    %convert_element_type3A_63 = arith.extui %eq3A_62 : vector<8x2048xi1> to vector<8x2048xi32>
    %convert_element_type3A_64 = arith.sitofp %convert_element_type3A_63 : vector<8x2048xi32> to vector<8x2048xf32>
    %mul3A_65 = arith.mulf %convert_element_type3A_43, %convert_element_type3A_64 : vector<8x2048xf32>
    %mul3A_66 = arith.mulf %select_n3A, %mul3A_65 : vector<8x2048xf32>
    %reduce_sum3A_67 = arith.constant dense<0.000000e+00> : vector<2048xf32>
    %reduce_sum3A_68 = vector.multi_reduction <add>, %mul3A_66, %reduce_sum3A_67 [0] : vector<8x2048xf32> to vector<2048xf32>
    %broadcast_in_dim3A_69 = vector.shape_cast %reduce_sum3A_68 : vector<2048xf32> to vector<1x2048xf32>
    %add3A_70 = arith.addf %broadcast_in_dim3A_33, %broadcast_in_dim3A_69 : vector<1x2048xf32>
    %div3A_71 = arith.divf %broadcast_in_dim3A_33, %add3A_70 : vector<1x2048xf32>
    %div3A_72 = arith.divf %broadcast_in_dim3A_69, %add3A_70 : vector<1x2048xf32>
    %broadcast_in_dim3A_73 = arith.constant 0.000000e+00 : f32
    %broadcast_in_dim3A_74 = vector.broadcast %broadcast_in_dim3A_73 : f32 to vector<8x1xf32>
    %slice3A_75 = vector.extract_strided_slice %mul3A {offsets = [0, 0], sizes = [8, 2047], strides = [1, 1]} : vector<8x2048xf32> to vector<8x2047xf32>
    %concatenate3A_76 = tpu.concatenate %broadcast_in_dim3A_74, %slice3A_75 in 1 : vector<8x1xf32>, vector<8x2047xf32> -> vector<8x2048xf32>
    %add3A_77 = arith.addf %mul3A, %concatenate3A_76 : vector<8x2048xf32>
    %broadcast_in_dim3A_78 = arith.constant 0.000000e+00 : f32
    %broadcast_in_dim3A_79 = vector.broadcast %broadcast_in_dim3A_78 : f32 to vector<8x2xf32>
    %slice3A_80 = vector.extract_strided_slice %add3A_77 {offsets = [0, 0], sizes = [8, 2046], strides = [1, 1]} : vector<8x2048xf32> to vector<8x2046xf32>
    %concatenate3A_81 = tpu.concatenate %broadcast_in_dim3A_79, %slice3A_80 in 1 : vector<8x2xf32>, vector<8x2046xf32> -> vector<8x2048xf32>
    %add3A_82 = arith.addf %add3A_77, %concatenate3A_81 : vector<8x2048xf32>
    %broadcast_in_dim3A_83 = arith.constant 0.000000e+00 : f32
    %broadcast_in_dim3A_84 = vector.broadcast %broadcast_in_dim3A_83 : f32 to vector<8x4xf32>
    %slice3A_85 = vector.extract_strided_slice %add3A_82 {offsets = [0, 0], sizes = [8, 2044], strides = [1, 1]} : vector<8x2048xf32> to vector<8x2044xf32>
    %concatenate3A_86 = tpu.concatenate %broadcast_in_dim3A_84, %slice3A_85 in 1 : vector<8x4xf32>, vector<8x2044xf32> -> vector<8x2048xf32>
    %add3A_87 = arith.addf %add3A_82, %concatenate3A_86 : vector<8x2048xf32>
    %broadcast_in_dim3A_88 = arith.constant 0.000000e+00 : f32
    %broadcast_in_dim3A_89 = vector.broadcast %broadcast_in_dim3A_88 : f32 to vector<8x8xf32>
    %slice3A_90 = vector.extract_strided_slice %add3A_87 {offsets = [0, 0], sizes = [8, 2040], strides = [1, 1]} : vector<8x2048xf32> to vector<8x2040xf32>
    %concatenate3A_91 = tpu.concatenate %broadcast_in_dim3A_89, %slice3A_90 in 1 : vector<8x8xf32>, vector<8x2040xf32> -> vector<8x2048xf32>
    %add3A_92 = arith.addf %add3A_87, %concatenate3A_91 : vector<8x2048xf32>
    %broadcast_in_dim3A_93 = arith.constant 0.000000e+00 : f32
    %broadcast_in_dim3A_94 = vector.broadcast %broadcast_in_dim3A_93 : f32 to vector<8x16xf32>
    %slice3A_95 = vector.extract_strided_slice %add3A_92 {offsets = [0, 0], sizes = [8, 2032], strides = [1, 1]} : vector<8x2048xf32> to vector<8x2032xf32>
    %concatenate3A_96 = tpu.concatenate %broadcast_in_dim3A_94, %slice3A_95 in 1 : vector<8x16xf32>, vector<8x2032xf32> -> vector<8x2048xf32>
    %add3A_97 = arith.addf %add3A_92, %concatenate3A_96 : vector<8x2048xf32>
    %broadcast_in_dim3A_98 = arith.constant 0.000000e+00 : f32
    %broadcast_in_dim3A_99 = vector.broadcast %broadcast_in_dim3A_98 : f32 to vector<8x32xf32>
    %slice3A_100 = vector.extract_strided_slice %add3A_97 {offsets = [0, 0], sizes = [8, 2016], strides = [1, 1]} : vector<8x2048xf32> to vector<8x2016xf32>
    %concatenate3A_101 = tpu.concatenate %broadcast_in_dim3A_99, %slice3A_100 in 1 : vector<8x32xf32>, vector<8x2016xf32> -> vector<8x2048xf32>
    %add3A_102 = arith.addf %add3A_97, %concatenate3A_101 : vector<8x2048xf32>
    %broadcast_in_dim3A_103 = arith.constant 0.000000e+00 : f32
    %broadcast_in_dim3A_104 = vector.broadcast %broadcast_in_dim3A_103 : f32 to vector<8x64xf32>
    %slice3A_105 = vector.extract_strided_slice %add3A_102 {offsets = [0, 0], sizes = [8, 1984], strides = [1, 1]} : vector<8x2048xf32> to vector<8x1984xf32>
    %concatenate3A_106 = tpu.concatenate %broadcast_in_dim3A_104, %slice3A_105 in 1 : vector<8x64xf32>, vector<8x1984xf32> -> vector<8x2048xf32>
    %add3A_107 = arith.addf %add3A_102, %concatenate3A_106 : vector<8x2048xf32>
    %broadcast_in_dim3A_108 = arith.constant 0.000000e+00 : f32
    %broadcast_in_dim3A_109 = vector.broadcast %broadcast_in_dim3A_108 : f32 to vector<8x128xf32>
    %slice3A_110 = vector.extract_strided_slice %add3A_107 {offsets = [0, 0], sizes = [8, 1920], strides = [1, 1]} : vector<8x2048xf32> to vector<8x1920xf32>
    %concatenate3A_111 = tpu.concatenate %broadcast_in_dim3A_109, %slice3A_110 in 1 : vector<8x128xf32>, vector<8x1920xf32> -> vector<8x2048xf32>
    %add3A_112 = arith.addf %add3A_107, %concatenate3A_111 : vector<8x2048xf32>
    %broadcast_in_dim3A_113 = arith.constant 0.000000e+00 : f32
    %broadcast_in_dim3A_114 = vector.broadcast %broadcast_in_dim3A_113 : f32 to vector<8x256xf32>
    %slice3A_115 = vector.extract_strided_slice %add3A_112 {offsets = [0, 0], sizes = [8, 1792], strides = [1, 1]} : vector<8x2048xf32> to vector<8x1792xf32>
    %concatenate3A_116 = tpu.concatenate %broadcast_in_dim3A_114, %slice3A_115 in 1 : vector<8x256xf32>, vector<8x1792xf32> -> vector<8x2048xf32>
    %add3A_117 = arith.addf %add3A_112, %concatenate3A_116 : vector<8x2048xf32>
    %broadcast_in_dim3A_118 = arith.constant 0.000000e+00 : f32
    %broadcast_in_dim3A_119 = vector.broadcast %broadcast_in_dim3A_118 : f32 to vector<8x512xf32>
    %slice3A_120 = vector.extract_strided_slice %add3A_117 {offsets = [0, 0], sizes = [8, 1536], strides = [1, 1]} : vector<8x2048xf32> to vector<8x1536xf32>
    %concatenate3A_121 = tpu.concatenate %broadcast_in_dim3A_119, %slice3A_120 in 1 : vector<8x512xf32>, vector<8x1536xf32> -> vector<8x2048xf32>
    %add3A_122 = arith.addf %add3A_117, %concatenate3A_121 : vector<8x2048xf32>
    %broadcast_in_dim3A_123 = arith.constant 0.000000e+00 : f32
    %broadcast_in_dim3A_124 = vector.broadcast %broadcast_in_dim3A_123 : f32 to vector<8x1024xf32>
    %slice3A_125 = vector.extract_strided_slice %add3A_122 {offsets = [0, 0], sizes = [8, 1024], strides = [1, 1]} : vector<8x2048xf32> to vector<8x1024xf32>
    %concatenate3A_126 = tpu.concatenate %broadcast_in_dim3A_124, %slice3A_125 in 1 : vector<8x1024xf32>, vector<8x1024xf32> -> vector<8x2048xf32>
    %add3A_127 = arith.addf %add3A_122, %concatenate3A_126 : vector<8x2048xf32>
    %broadcast_in_dim3A_128 = arith.constant 0.000000e+00 : f32
    %broadcast_in_dim3A_129 = vector.broadcast %broadcast_in_dim3A_128 : f32 to vector<8x1xf32>
    %slice3A_130 = vector.extract_strided_slice %mul3A_65 {offsets = [0, 0], sizes = [8, 2047], strides = [1, 1]} : vector<8x2048xf32> to vector<8x2047xf32>
    %concatenate3A_131 = tpu.concatenate %broadcast_in_dim3A_129, %slice3A_130 in 1 : vector<8x1xf32>, vector<8x2047xf32> -> vector<8x2048xf32>
    %add3A_132 = arith.addf %mul3A_65, %concatenate3A_131 : vector<8x2048xf32>
    %broadcast_in_dim3A_133 = arith.constant 0.000000e+00 : f32
    %broadcast_in_dim3A_134 = vector.broadcast %broadcast_in_dim3A_133 : f32 to vector<8x2xf32>
    %slice3A_135 = vector.extract_strided_slice %add3A_132 {offsets = [0, 0], sizes = [8, 2046], strides = [1, 1]} : vector<8x2048xf32> to vector<8x2046xf32>
    %concatenate3A_136 = tpu.concatenate %broadcast_in_dim3A_134, %slice3A_135 in 1 : vector<8x2xf32>, vector<8x2046xf32> -> vector<8x2048xf32>
    %add3A_137 = arith.addf %add3A_132, %concatenate3A_136 : vector<8x2048xf32>
    %broadcast_in_dim3A_138 = arith.constant 0.000000e+00 : f32
    %broadcast_in_dim3A_139 = vector.broadcast %broadcast_in_dim3A_138 : f32 to vector<8x4xf32>
    %slice3A_140 = vector.extract_strided_slice %add3A_137 {offsets = [0, 0], sizes = [8, 2044], strides = [1, 1]} : vector<8x2048xf32> to vector<8x2044xf32>
    %concatenate3A_141 = tpu.concatenate %broadcast_in_dim3A_139, %slice3A_140 in 1 : vector<8x4xf32>, vector<8x2044xf32> -> vector<8x2048xf32>
    %add3A_142 = arith.addf %add3A_137, %concatenate3A_141 : vector<8x2048xf32>
    %broadcast_in_dim3A_143 = arith.constant 0.000000e+00 : f32
    %broadcast_in_dim3A_144 = vector.broadcast %broadcast_in_dim3A_143 : f32 to vector<8x8xf32>
    %slice3A_145 = vector.extract_strided_slice %add3A_142 {offsets = [0, 0], sizes = [8, 2040], strides = [1, 1]} : vector<8x2048xf32> to vector<8x2040xf32>
    %concatenate3A_146 = tpu.concatenate %broadcast_in_dim3A_144, %slice3A_145 in 1 : vector<8x8xf32>, vector<8x2040xf32> -> vector<8x2048xf32>
    %add3A_147 = arith.addf %add3A_142, %concatenate3A_146 : vector<8x2048xf32>
    %broadcast_in_dim3A_148 = arith.constant 0.000000e+00 : f32
    %broadcast_in_dim3A_149 = vector.broadcast %broadcast_in_dim3A_148 : f32 to vector<8x16xf32>
    %slice3A_150 = vector.extract_strided_slice %add3A_147 {offsets = [0, 0], sizes = [8, 2032], strides = [1, 1]} : vector<8x2048xf32> to vector<8x2032xf32>
    %concatenate3A_151 = tpu.concatenate %broadcast_in_dim3A_149, %slice3A_150 in 1 : vector<8x16xf32>, vector<8x2032xf32> -> vector<8x2048xf32>
    %add3A_152 = arith.addf %add3A_147, %concatenate3A_151 : vector<8x2048xf32>
    %broadcast_in_dim3A_153 = arith.constant 0.000000e+00 : f32
    %broadcast_in_dim3A_154 = vector.broadcast %broadcast_in_dim3A_153 : f32 to vector<8x32xf32>
    %slice3A_155 = vector.extract_strided_slice %add3A_152 {offsets = [0, 0], sizes = [8, 2016], strides = [1, 1]} : vector<8x2048xf32> to vector<8x2016xf32>
    %concatenate3A_156 = tpu.concatenate %broadcast_in_dim3A_154, %slice3A_155 in 1 : vector<8x32xf32>, vector<8x2016xf32> -> vector<8x2048xf32>
    %add3A_157 = arith.addf %add3A_152, %concatenate3A_156 : vector<8x2048xf32>
    %broadcast_in_dim3A_158 = arith.constant 0.000000e+00 : f32
    %broadcast_in_dim3A_159 = vector.broadcast %broadcast_in_dim3A_158 : f32 to vector<8x64xf32>
    %slice3A_160 = vector.extract_strided_slice %add3A_157 {offsets = [0, 0], sizes = [8, 1984], strides = [1, 1]} : vector<8x2048xf32> to vector<8x1984xf32>
    %concatenate3A_161 = tpu.concatenate %broadcast_in_dim3A_159, %slice3A_160 in 1 : vector<8x64xf32>, vector<8x1984xf32> -> vector<8x2048xf32>
    %add3A_162 = arith.addf %add3A_157, %concatenate3A_161 : vector<8x2048xf32>
    %broadcast_in_dim3A_163 = arith.constant 0.000000e+00 : f32
    %broadcast_in_dim3A_164 = vector.broadcast %broadcast_in_dim3A_163 : f32 to vector<8x128xf32>
    %slice3A_165 = vector.extract_strided_slice %add3A_162 {offsets = [0, 0], sizes = [8, 1920], strides = [1, 1]} : vector<8x2048xf32> to vector<8x1920xf32>
    %concatenate3A_166 = tpu.concatenate %broadcast_in_dim3A_164, %slice3A_165 in 1 : vector<8x128xf32>, vector<8x1920xf32> -> vector<8x2048xf32>
    %add3A_167 = arith.addf %add3A_162, %concatenate3A_166 : vector<8x2048xf32>
    %broadcast_in_dim3A_168 = arith.constant 0.000000e+00 : f32
    %broadcast_in_dim3A_169 = vector.broadcast %broadcast_in_dim3A_168 : f32 to vector<8x256xf32>
    %slice3A_170 = vector.extract_strided_slice %add3A_167 {offsets = [0, 0], sizes = [8, 1792], strides = [1, 1]} : vector<8x2048xf32> to vector<8x1792xf32>
    %concatenate3A_171 = tpu.concatenate %broadcast_in_dim3A_169, %slice3A_170 in 1 : vector<8x256xf32>, vector<8x1792xf32> -> vector<8x2048xf32>
    %add3A_172 = arith.addf %add3A_167, %concatenate3A_171 : vector<8x2048xf32>
    %broadcast_in_dim3A_173 = arith.constant 0.000000e+00 : f32
    %broadcast_in_dim3A_174 = vector.broadcast %broadcast_in_dim3A_173 : f32 to vector<8x512xf32>
    %slice3A_175 = vector.extract_strided_slice %add3A_172 {offsets = [0, 0], sizes = [8, 1536], strides = [1, 1]} : vector<8x2048xf32> to vector<8x1536xf32>
    %concatenate3A_176 = tpu.concatenate %broadcast_in_dim3A_174, %slice3A_175 in 1 : vector<8x512xf32>, vector<8x1536xf32> -> vector<8x2048xf32>
    %add3A_177 = arith.addf %add3A_172, %concatenate3A_176 : vector<8x2048xf32>
    %broadcast_in_dim3A_178 = arith.constant 0.000000e+00 : f32
    %broadcast_in_dim3A_179 = vector.broadcast %broadcast_in_dim3A_178 : f32 to vector<8x1024xf32>
    %slice3A_180 = vector.extract_strided_slice %add3A_177 {offsets = [0, 0], sizes = [8, 1024], strides = [1, 1]} : vector<8x2048xf32> to vector<8x1024xf32>
    %concatenate3A_181 = tpu.concatenate %broadcast_in_dim3A_179, %slice3A_180 in 1 : vector<8x1024xf32>, vector<8x1024xf32> -> vector<8x2048xf32>
    %add3A_182 = arith.addf %add3A_177, %concatenate3A_181 : vector<8x2048xf32>
    %slice3A_183 = vector.extract_strided_slice %add3A_127 {offsets = [0, 2047], sizes = [8, 1], strides = [1, 1]} : vector<8x2048xf32> to vector<8x1xf32>
    %slice3A_184 = vector.extract_strided_slice %add3A_182 {offsets = [0, 2047], sizes = [8, 1], strides = [1, 1]} : vector<8x2048xf32> to vector<8x1xf32>
    %sub3A_185 = arith.subf %add3A_127, %mul3A : vector<8x2048xf32>
    %sub3A_186 = arith.subf %add3A_182, %mul3A_65 : vector<8x2048xf32>
    %add3A_187 = arith.addf %slice3A_183, %slice3A_184 : vector<8x1xf32>
    %convert_element_type3A_188 = arith.fptosi %add3A_187 : vector<8x1xf32> to vector<8x1xi32>
    %add3A_189 = arith.constant 511 : i32
    %add3A_190 = vector.broadcast %add3A_189 : i32 to vector<8x1xi32>
    %add3A_191 = arith.addi %convert_element_type3A_188, %add3A_190 : vector<8x1xi32>
    %jit3A_192 = arith.constant 512 : i32
    %div3A_193 = vector.broadcast %jit3A_192 : i32 to vector<8x1xi32>
    %div3A_194 = arith.divsi %add3A_191, %div3A_193 : vector<8x1xi32>
    %sign3A = arith.constant 0 : i32
    %sign3A_195 = vector.broadcast %sign3A : i32 to vector<8x1xi32>
    %sign3A_196 = arith.cmpi sgt, %add3A_191, %sign3A_195 : vector<8x1xi32>
    %sign3A_197 = arith.extui %sign3A_196 : vector<8x1xi1> to vector<8x1xi32>
    %sign3A_198 = arith.constant 0 : i32
    %sign3A_199 = vector.broadcast %sign3A_198 : i32 to vector<8x1xi32>
    %sign3A_200 = arith.cmpi slt, %add3A_191, %sign3A_199 : vector<8x1xi32>
    %sign3A_201 = arith.extui %sign3A_200 : vector<8x1xi1> to vector<8x1xi32>
    %sign3A_202 = arith.subi %sign3A_197, %sign3A_201 : vector<8x1xi32>
    %sign3A_203 = arith.constant 0 : i32
    %sign3A_204 = arith.cmpi sgt, %jit3A_192, %sign3A_203 : i32
    %sign3A_205 = arith.extui %sign3A_204 : i1 to i32
    %sign3A_206 = arith.constant 0 : i32
    %sign3A_207 = arith.cmpi slt, %jit3A_192, %sign3A_206 : i32
    %sign3A_208 = arith.extui %sign3A_207 : i1 to i32
    %sign3A_209 = arith.subi %sign3A_205, %sign3A_208 : i32
    %ne3A = vector.broadcast %sign3A_209 : i32 to vector<8x1xi32>
    %ne3A_210 = arith.cmpi ne, %sign3A_202, %ne3A : vector<8x1xi32>
    %rem3A = vector.broadcast %jit3A_192 : i32 to vector<8x1xi32>
    %rem3A_211 = arith.remsi %add3A_191, %rem3A : vector<8x1xi32>
    %ne3A_212 = arith.constant 0 : i32
    %ne3A_213 = vector.broadcast %ne3A_212 : i32 to vector<8x1xi32>
    %ne3A_214 = arith.cmpi ne, %rem3A_211, %ne3A_213 : vector<8x1xi32>
    %and3A = arith.andi %ne3A_210, %ne3A_214 : vector<8x1xi1>
    %sub3A_215 = arith.constant 1 : i32
    %sub3A_216 = vector.broadcast %sub3A_215 : i32 to vector<8x1xi32>
    %sub3A_217 = arith.subi %div3A_194, %sub3A_216 : vector<8x1xi32>
    %select_n3A_218 = arith.select %and3A, %sub3A_217, %div3A_194 : vector<8x1xi1>, vector<8x1xi32>
    %slice3A_219 = vector.extract_strided_slice %select_n3A_218 {offsets = [0, 0], sizes = [1, 1], strides = [1, 1]} : vector<8x1xi32> to vector<1x1xi32>
    %slice3A_220 = vector.extract_strided_slice %select_n3A_218 {offsets = [1, 0], sizes = [1, 1], strides = [1, 1]} : vector<8x1xi32> to vector<1x1xi32>
    %add3A_221 = arith.addi %slice3A_219, %slice3A_220 : vector<1x1xi32>
    %slice3A_222 = vector.extract_strided_slice %select_n3A_218 {offsets = [2, 0], sizes = [1, 1], strides = [1, 1]} : vector<8x1xi32> to vector<1x1xi32>
    %add3A_223 = arith.addi %add3A_221, %slice3A_222 : vector<1x1xi32>
    %slice3A_224 = vector.extract_strided_slice %select_n3A_218 {offsets = [3, 0], sizes = [1, 1], strides = [1, 1]} : vector<8x1xi32> to vector<1x1xi32>
    %add3A_225 = arith.addi %add3A_223, %slice3A_224 : vector<1x1xi32>
    %slice3A_226 = vector.extract_strided_slice %select_n3A_218 {offsets = [4, 0], sizes = [1, 1], strides = [1, 1]} : vector<8x1xi32> to vector<1x1xi32>
    %add3A_227 = arith.addi %add3A_225, %slice3A_226 : vector<1x1xi32>
    %slice3A_228 = vector.extract_strided_slice %select_n3A_218 {offsets = [5, 0], sizes = [1, 1], strides = [1, 1]} : vector<8x1xi32> to vector<1x1xi32>
    %add3A_229 = arith.addi %add3A_227, %slice3A_228 : vector<1x1xi32>
    %slice3A_230 = vector.extract_strided_slice %select_n3A_218 {offsets = [6, 0], sizes = [1, 1], strides = [1, 1]} : vector<8x1xi32> to vector<1x1xi32>
    %add3A_231 = arith.addi %add3A_229, %slice3A_230 : vector<1x1xi32>
    %slice3A_232 = vector.extract_strided_slice %select_n3A_218 {offsets = [7, 0], sizes = [1, 1], strides = [1, 1]} : vector<8x1xi32> to vector<1x1xi32>
    %add3A_233 = arith.addi %add3A_231, %slice3A_232 : vector<1x1xi32>
    %concatenate3A_234 = tpu.concatenate %slice3A_219, %add3A_221, %add3A_223, %add3A_225, %add3A_227, %add3A_229, %add3A_231, %add3A_233 in 0 : vector<1x1xi32>, vector<1x1xi32>, vector<1x1xi32>, vector<1x1xi32>, vector<1x1xi32>, vector<1x1xi32>, vector<1x1xi32>, vector<1x1xi32> -> vector<8x1xi32>
    %sub3A_235 = arith.subi %concatenate3A_234, %select_n3A_218 : vector<8x1xi32>
    %mul3A_236 = arith.constant 512 : i32
    %mul3A_237 = vector.broadcast %mul3A_236 : i32 to vector<8x1xi32>
    %mul3A_238 = arith.muli %sub3A_235, %mul3A_237 : vector<8x1xi32>
    %convert_element_type3A_239 = arith.sitofp %mul3A_238 : vector<8x1xi32> to vector<8x1xf32>
    %add3A_240 = vector.broadcast %convert_element_type3A_239 : vector<8x1xf32> to vector<8x2048xf32>
    %add3A_241 = arith.addf %add3A_240, %sub3A_185 : vector<8x2048xf32>
    %mul3A_242 = arith.mulf %mul3A, %add3A_241 : vector<8x2048xf32>
    %reduce_sum3A_243 = arith.constant dense<0.000000e+00> : vector<2048xf32>
    %reduce_sum3A_244 = vector.multi_reduction <add>, %mul3A_242, %reduce_sum3A_243 [0] : vector<8x2048xf32> to vector<2048xf32>
    %broadcast_in_dim3A_245 = vector.shape_cast %reduce_sum3A_244 : vector<2048xf32> to vector<1x2048xf32>
    %add3A_246 = arith.addf %convert_element_type3A_239, %slice3A_183 : vector<8x1xf32>
    %add3A_247 = vector.broadcast %add3A_246 : vector<8x1xf32> to vector<8x2048xf32>
    %add3A_248 = arith.addf %add3A_247, %sub3A_186 : vector<8x2048xf32>
    %mul3A_249 = arith.mulf %mul3A_65, %add3A_248 : vector<8x2048xf32>
    %reduce_sum3A_250 = arith.constant dense<0.000000e+00> : vector<2048xf32>
    %reduce_sum3A_251 = vector.multi_reduction <add>, %mul3A_249, %reduce_sum3A_250 [0] : vector<8x2048xf32> to vector<2048xf32>
    %broadcast_in_dim3A_252 = vector.shape_cast %reduce_sum3A_251 : vector<2048xf32> to vector<1x2048xf32>
    %broadcast_in_dim3A_253 = arith.constant 0 : i32
    %broadcast_in_dim3A_254 = vector.broadcast %broadcast_in_dim3A_253 : i32 to vector<6x2048xi32>
    %broadcast_in_dim3A_255 = arith.constant 0.000000e+00 : f32
    %broadcast_in_dim3A_256 = vector.broadcast %broadcast_in_dim3A_255 : f32 to vector<6x2048xf32>
    %convert_element_type3A_257 = arith.fptosi %broadcast_in_dim3A_245 : vector<1x2048xf32> to vector<1x2048xi32>
    %convert_element_type3A_258 = arith.fptosi %broadcast_in_dim3A_252 : vector<1x2048xf32> to vector<1x2048xi32>
    %concatenate3A_259 = tpu.concatenate %convert_element_type3A_257, %convert_element_type3A_258, %broadcast_in_dim3A_254 in 0 : vector<1x2048xi32>, vector<1x2048xi32>, vector<6x2048xi32> -> vector<8x2048xi32>
    %swap3A = arith.constant 0 : index
    %swap3A_260 = arith.constant 0 : index
    %swap3A_261 = vector.load %arg1[%swap3A, %swap3A_260] : memref<8x2048xi32, #tpu.memory_space<vmem>>, vector<8x2048xi32>
    tpu.vector_store %arg1[%swap3A, %swap3A_260], %concatenate3A_259 {strides = array<i32>} : memref<8x2048xi32, #tpu.memory_space<vmem>>, vector<8x2048xi32>,
    %concatenate3A_262 = tpu.concatenate %div3A_71, %div3A_72, %broadcast_in_dim3A_256 in 0 : vector<1x2048xf32>, vector<1x2048xf32>, vector<6x2048xf32> -> vector<8x2048xf32>
    %swap3A_263 = arith.constant 0 : index
    %swap3A_264 = arith.constant 0 : index
    %swap3A_265 = vector.load %arg2[%swap3A_263, %swap3A_264] : memref<8x2048xf32, #tpu.memory_space<vmem>>, vector<8x2048xf32>
    tpu.vector_store %arg2[%swap3A_263, %swap3A_264], %concatenate3A_262 {strides = array<i32>} : memref<8x2048xf32, #tpu.memory_space<vmem>>, vector<8x2048xf32>,
    %iota3A = tpu.iota {dimensions = array<i32: 0>} : vector<8x128xi32>
    %iota3A_266 = tpu.iota {dimensions = array<i32: 1>} : vector<8x128xi32>
    %eq3A_267 = arith.cmpi eq, %iota3A, %iota3A_266 : vector<8x128xi32>
    %convert_element_type3A_268 = arith.extui %eq3A_267 : vector<8x128xi1> to vector<8x128xi32>
    %convert_element_type3A_269 = arith.sitofp %convert_element_type3A_268 : vector<8x128xi32> to vector<8x128xf32>
    %convert_element_type3A_270 = arith.sitofp %select_n3A_218 : vector<8x1xi32> to vector<8x1xf32>
    %mul3A_271 = vector.broadcast %convert_element_type3A_270 : vector<8x1xf32> to vector<8x128xf32>
    %mul3A_272 = arith.mulf %mul3A_271, %convert_element_type3A_269 : vector<8x128xf32>
    %reduce_sum3A_273 = arith.constant dense<0.000000e+00> : vector<128xf32>
    %reduce_sum3A_274 = vector.multi_reduction <add>, %mul3A_272, %reduce_sum3A_273 [0] : vector<8x128xf32> to vector<128xf32>
    %broadcast_in_dim3A_275 = vector.shape_cast %reduce_sum3A_274 : vector<128xf32> to vector<1x128xf32>
    %mul3A_276 = vector.broadcast %convert_element_type3A_239 : vector<8x1xf32> to vector<8x128xf32>
    %mul3A_277 = arith.mulf %mul3A_276, %convert_element_type3A_269 : vector<8x128xf32>
    %reduce_sum3A_278 = arith.constant dense<0.000000e+00> : vector<128xf32>
    %reduce_sum3A_279 = vector.multi_reduction <add>, %mul3A_277, %reduce_sum3A_278 [0] : vector<8x128xf32> to vector<128xf32>
    %broadcast_in_dim3A_280 = vector.shape_cast %reduce_sum3A_279 : vector<128xf32> to vector<1x128xf32>
    %broadcast_in_dim3A_281 = arith.constant 0.000000e+00 : f32
    %broadcast_in_dim3A_282 = vector.broadcast %broadcast_in_dim3A_281 : f32 to vector<6x128xf32>
    %concatenate3A_283 = tpu.concatenate %broadcast_in_dim3A_275, %broadcast_in_dim3A_280, %broadcast_in_dim3A_282 in 0 : vector<1x128xf32>, vector<1x128xf32>, vector<6x128xf32> -> vector<8x128xf32>
    %convert_element_type3A_284 = arith.fptosi %concatenate3A_283 : vector<8x128xf32> to vector<8x128xi32>
    %swap3A_285 = arith.constant 0 : index
    %swap3A_286 = arith.constant 0 : index
    %swap3A_287 = vector.load %arg3[%swap3A_285, %swap3A_286] : memref<8x128xi32, #tpu.memory_space<vmem>>, vector<8x128xi32>
    tpu.vector_store %arg3[%swap3A_285, %swap3A_286], %convert_element_type3A_284 {strides = array<i32>} : memref<8x128xi32, #tpu.memory_space<vmem>>, vector<8x128xi32>,
    return
  }
}

module attributes {stable_mosaic.version = 14 : i64} {
  func.func @_ffn_body(%arg0: i32, %arg1: memref<8x128xi32, #tpu.memory_space<smem>>, %arg2: memref<8192x1024xf32, #tpu.memory_space<vmem>>, %arg3: memref<8x4096x1024xf32, #tpu.memory_space<hbm>>, %arg4: memref<8x1024x2048xf32, #tpu.memory_space<hbm>>, %arg5: memref<8192x1024xf32, #tpu.memory_space<hbm>>, %arg6: memref<2x512x1024xf32, #tpu.memory_space<vmem>>, %arg7: memref<2x512x1024xf32, #tpu.memory_space<vmem>>, %arg8: memref<2x1024x512xf32, #tpu.memory_space<vmem>>, %arg9: memref<2048x1024xf32, #tpu.memory_space<vmem>>, %arg10: memref<2x3x!tpu.dma_semaphore, #tpu.memory_space<semaphore_mem>>, %arg11: memref<!tpu.dma_semaphore, #tpu.memory_space<semaphore_mem>>) attributes {dimension_semantics = [#tpu.dimension_semantics<arbitrary>], iteration_bounds = array<i64: 32>, scalar_prefetch = 1 : i64, scratch_operands = 6 : i64, tpu.core_type = #tpu.core_type<tc>, window_params = [{pipeline_mode = #tpu.pipeline_mode<synchronous>, transform_indices = @transform_0, window_bounds = array<i64: 8192, 1024>}, {}, {}, {}]} {
    %jit3A = arith.constant 4 : i32
    %div3A = arith.divsi %arg0, %jit3A : i32
    %sign3A = arith.constant 0 : i32
    %sign3A_0 = arith.cmpi sgt, %arg0, %sign3A : i32
    %sign3A_1 = arith.extui %sign3A_0 : i1 to i32
    %sign3A_2 = arith.constant 0 : i32
    %sign3A_3 = arith.cmpi slt, %arg0, %sign3A_2 : i32
    %sign3A_4 = arith.extui %sign3A_3 : i1 to i32
    %sign3A_5 = arith.subi %sign3A_1, %sign3A_4 : i32
    %sign3A_6 = arith.constant 0 : i32
    %sign3A_7 = arith.cmpi sgt, %jit3A, %sign3A_6 : i32
    %sign3A_8 = arith.extui %sign3A_7 : i1 to i32
    %sign3A_9 = arith.constant 0 : i32
    %sign3A_10 = arith.cmpi slt, %jit3A, %sign3A_9 : i32
    %sign3A_11 = arith.extui %sign3A_10 : i1 to i32
    %sign3A_12 = arith.subi %sign3A_8, %sign3A_11 : i32
    %ne3A = arith.cmpi ne, %sign3A_5, %sign3A_12 : i32
    %rem3A = arith.remsi %arg0, %jit3A : i32
    %ne3A_13 = arith.constant 0 : i32
    %ne3A_14 = arith.cmpi ne, %rem3A, %ne3A_13 : i32
    %and3A = arith.andi %ne3A, %ne3A_14 : i1
    %sub3A = arith.constant 1 : i32
    %sub3A_15 = arith.subi %div3A, %sub3A : i32
    %select_n3A = arith.select %and3A, %sub3A_15, %div3A : i32
    %rem3A_16 = arith.constant 4 : i32
    %rem3A_17 = arith.remsi %arg0, %rem3A_16 : i32
    %rem3A_18 = arith.constant 2 : i32
    %rem3A_19 = arith.remsi %arg0, %rem3A_18 : i32
    %eq3A = arith.constant 0 : i32
    %eq3A_20 = arith.cmpi eq, %arg0, %eq3A : i32
    %convert_element_type3A = arith.extui %eq3A_20 : i1 to i32
    %cond3A = arith.constant 0 : i32
    %cond3A_21 = arith.cmpi ne, %convert_element_type3A, %cond3A : i32
    scf.if %cond3A_21 {
      %rem3A_121 = arith.constant 0 : i32
      %rem3A_122 = arith.constant 4 : i32
      %rem3A_123 = arith.remsi %rem3A_121, %rem3A_122 : i32
      %mul3A_124 = arith.constant 512 : i32
      %mul3A_125 = arith.muli %rem3A_123, %mul3A_124 : i32
      %mul3A_126 = arith.constant 512 : i32
      %mul3A_127 = arith.muli %rem3A_123, %mul3A_126 : i32
      %add3A_128 = arith.constant 2048 : i32
      %add3A_129 = arith.addi %add3A_128, %mul3A_127 : i32
      %mul3A_130 = arith.constant 512 : i32
      %mul3A_131 = arith.muli %rem3A_123, %mul3A_130 : i32
      %dma_start3A = arith.constant 0 : i32
      %dma_start3A_132 = arith.constant 0 : i32
      %dma_start3A_133 = arith.constant 0 : i32
      %dma_start3A_134 = arith.constant 0 : i32
      %dma_start3A_135 = tpu.memref_slice %arg10[%dma_start3A_133, %dma_start3A_134] : memref<2x3x!tpu.dma_semaphore, #tpu.memory_space<semaphore_mem>> -> memref<1x1x!tpu.dma_semaphore, #tpu.memory_space<semaphore_mem>>
      %dma_start3A_136 = tpu.memref_squeeze %dma_start3A_135 : memref<1x1x!tpu.dma_semaphore, #tpu.memory_space<semaphore_mem>> -> memref<!tpu.dma_semaphore, #tpu.memory_space<semaphore_mem>>
      %dma_start3A_137 = arith.constant 0 : i32
      %dma_start3A_138 = arith.constant 0 : i32
      %dma_start3A_139 = tpu.memref_slice %arg6[%dma_start3A_132, %dma_start3A_137, %dma_start3A_138] : memref<2x512x1024xf32, #tpu.memory_space<vmem>> -> memref<1x512x1024xf32, #tpu.memory_space<vmem>>
      %dma_start3A_140 = tpu.memref_squeeze %dma_start3A_139 : memref<1x512x1024xf32, #tpu.memory_space<vmem>> -> memref<512x1024xf32, #tpu.memory_space<vmem>>
      %dma_start3A_141 = arith.constant 0 : i32
      %dma_start3A_142 = tpu.memref_slice %arg3[%dma_start3A, %mul3A_125, %dma_start3A_141] : memref<8x4096x1024xf32, #tpu.memory_space<hbm>> -> memref<1x512x1024xf32, #tpu.memory_space<hbm>>
      %dma_start3A_143 = tpu.memref_squeeze %dma_start3A_142 : memref<1x512x1024xf32, #tpu.memory_space<hbm>> -> memref<512x1024xf32, #tpu.memory_space<hbm>>
      tpu.enqueue_dma source(%dma_start3A_143 : memref<512x1024xf32, #tpu.memory_space<hbm>>) target(%dma_start3A_140 : memref<512x1024xf32, #tpu.memory_space<vmem>>) target_semaphore(%dma_start3A_136 : memref<!tpu.dma_semaphore, #tpu.memory_space<semaphore_mem>>)
      %dma_start3A_144 = arith.constant 0 : i32
      %dma_start3A_145 = arith.constant 0 : i32
      %dma_start3A_146 = arith.constant 0 : i32
      %dma_start3A_147 = arith.constant 1 : i32
      %dma_start3A_148 = tpu.memref_slice %arg10[%dma_start3A_146, %dma_start3A_147] : memref<2x3x!tpu.dma_semaphore, #tpu.memory_space<semaphore_mem>> -> memref<1x1x!tpu.dma_semaphore, #tpu.memory_space<semaphore_mem>>
      %dma_start3A_149 = tpu.memref_squeeze %dma_start3A_148 : memref<1x1x!tpu.dma_semaphore, #tpu.memory_space<semaphore_mem>> -> memref<!tpu.dma_semaphore, #tpu.memory_space<semaphore_mem>>
      %dma_start3A_150 = arith.constant 0 : i32
      %dma_start3A_151 = arith.constant 0 : i32
      %dma_start3A_152 = tpu.memref_slice %arg7[%dma_start3A_145, %dma_start3A_150, %dma_start3A_151] : memref<2x512x1024xf32, #tpu.memory_space<vmem>> -> memref<1x512x1024xf32, #tpu.memory_space<vmem>>
      %dma_start3A_153 = tpu.memref_squeeze %dma_start3A_152 : memref<1x512x1024xf32, #tpu.memory_space<vmem>> -> memref<512x1024xf32, #tpu.memory_space<vmem>>
      %dma_start3A_154 = arith.constant 0 : i32
      %dma_start3A_155 = tpu.memref_slice %arg3[%dma_start3A_144, %add3A_129, %dma_start3A_154] : memref<8x4096x1024xf32, #tpu.memory_space<hbm>> -> memref<1x512x1024xf32, #tpu.memory_space<hbm>>
      %dma_start3A_156 = tpu.memref_squeeze %dma_start3A_155 : memref<1x512x1024xf32, #tpu.memory_space<hbm>> -> memref<512x1024xf32, #tpu.memory_space<hbm>>
      tpu.enqueue_dma source(%dma_start3A_156 : memref<512x1024xf32, #tpu.memory_space<hbm>>) target(%dma_start3A_153 : memref<512x1024xf32, #tpu.memory_space<vmem>>) target_semaphore(%dma_start3A_149 : memref<!tpu.dma_semaphore, #tpu.memory_space<semaphore_mem>>)
      %dma_start3A_157 = arith.constant 0 : i32
      %dma_start3A_158 = arith.constant 0 : i32
      %dma_start3A_159 = arith.constant 0 : i32
      %dma_start3A_160 = arith.constant 2 : i32
      %dma_start3A_161 = tpu.memref_slice %arg10[%dma_start3A_159, %dma_start3A_160] : memref<2x3x!tpu.dma_semaphore, #tpu.memory_space<semaphore_mem>> -> memref<1x1x!tpu.dma_semaphore, #tpu.memory_space<semaphore_mem>>
      %dma_start3A_162 = tpu.memref_squeeze %dma_start3A_161 : memref<1x1x!tpu.dma_semaphore, #tpu.memory_space<semaphore_mem>> -> memref<!tpu.dma_semaphore, #tpu.memory_space<semaphore_mem>>
      %dma_start3A_163 = arith.constant 0 : i32
      %dma_start3A_164 = arith.constant 0 : i32
      %dma_start3A_165 = tpu.memref_slice %arg8[%dma_start3A_158, %dma_start3A_163, %dma_start3A_164] : memref<2x1024x512xf32, #tpu.memory_space<vmem>> -> memref<1x1024x512xf32, #tpu.memory_space<vmem>>
      %dma_start3A_166 = tpu.memref_squeeze %dma_start3A_165 : memref<1x1024x512xf32, #tpu.memory_space<vmem>> -> memref<1024x512xf32, #tpu.memory_space<vmem>>
      %dma_start3A_167 = arith.constant 0 : i32
      %dma_start3A_168 = tpu.memref_slice %arg4[%dma_start3A_157, %dma_start3A_167, %mul3A_131] : memref<8x1024x2048xf32, #tpu.memory_space<hbm>> -> memref<1x1024x512xf32, #tpu.memory_space<hbm>>
      %dma_start3A_169 = tpu.memref_squeeze %dma_start3A_168 : memref<1x1024x512xf32, #tpu.memory_space<hbm>> -> memref<1024x512xf32, #tpu.memory_space<hbm>>
      tpu.enqueue_dma source(%dma_start3A_169 : memref<1024x512xf32, #tpu.memory_space<hbm>>) target(%dma_start3A_166 : memref<1024x512xf32, #tpu.memory_space<vmem>>) target_semaphore(%dma_start3A_162 : memref<!tpu.dma_semaphore, #tpu.memory_space<semaphore_mem>>)
    } else {
    }
    %add3A = arith.constant 1 : i32
    %add3A_22 = arith.addi %arg0, %add3A : i32
    %lt3A = arith.constant 32 : i32
    %lt3A_23 = arith.cmpi slt, %add3A_22, %lt3A : i32
    %convert_element_type3A_24 = arith.extui %lt3A_23 : i1 to i32
    %cond3A_25 = arith.constant 0 : i32
    %cond3A_26 = arith.cmpi ne, %convert_element_type3A_24, %cond3A_25 : i32
    scf.if %cond3A_26 {
      %add3A_121 = arith.constant 1 : i32
      %add3A_122 = arith.addi %arg0, %add3A_121 : i32
      %sub3A_123 = arith.constant 1 : i32
      %sub3A_124 = arith.subi %sub3A_123, %rem3A_19 : i32
      %jit3A_125 = arith.constant 4 : i32
      %div3A_126 = arith.divsi %add3A_122, %jit3A_125 : i32
      %sign3A_127 = arith.constant 0 : i32
      %sign3A_128 = arith.cmpi sgt, %add3A_122, %sign3A_127 : i32
      %sign3A_129 = arith.extui %sign3A_128 : i1 to i32
      %sign3A_130 = arith.constant 0 : i32
      %sign3A_131 = arith.cmpi slt, %add3A_122, %sign3A_130 : i32
      %sign3A_132 = arith.extui %sign3A_131 : i1 to i32
      %sign3A_133 = arith.subi %sign3A_129, %sign3A_132 : i32
      %sign3A_134 = arith.constant 0 : i32
      %sign3A_135 = arith.cmpi sgt, %jit3A_125, %sign3A_134 : i32
      %sign3A_136 = arith.extui %sign3A_135 : i1 to i32
      %sign3A_137 = arith.constant 0 : i32
      %sign3A_138 = arith.cmpi slt, %jit3A_125, %sign3A_137 : i32
      %sign3A_139 = arith.extui %sign3A_138 : i1 to i32
      %sign3A_140 = arith.subi %sign3A_136, %sign3A_139 : i32
      %ne3A_141 = arith.cmpi ne, %sign3A_133, %sign3A_140 : i32
      %rem3A_142 = arith.remsi %add3A_122, %jit3A_125 : i32
      %ne3A_143 = arith.constant 0 : i32
      %ne3A_144 = arith.cmpi ne, %rem3A_142, %ne3A_143 : i32
      %and3A_145 = arith.andi %ne3A_141, %ne3A_144 : i1
      %sub3A_146 = arith.constant 1 : i32
      %sub3A_147 = arith.subi %div3A_126, %sub3A_146 : i32
      %select_n3A_148 = arith.select %and3A_145, %sub3A_147, %div3A_126 : i32
      %rem3A_149 = arith.constant 4 : i32
      %rem3A_150 = arith.remsi %add3A_122, %rem3A_149 : i32
      %mul3A_151 = arith.constant 512 : i32
      %mul3A_152 = arith.muli %rem3A_150, %mul3A_151 : i32
      %mul3A_153 = arith.constant 512 : i32
      %mul3A_154 = arith.muli %rem3A_150, %mul3A_153 : i32
      %add3A_155 = arith.constant 2048 : i32
      %add3A_156 = arith.addi %add3A_155, %mul3A_154 : i32
      %mul3A_157 = arith.constant 512 : i32
      %mul3A_158 = arith.muli %rem3A_150, %mul3A_157 : i32
      %dma_start3A = arith.constant 0 : i32
      %dma_start3A_159 = tpu.memref_slice %arg10[%sub3A_124, %dma_start3A] : memref<2x3x!tpu.dma_semaphore, #tpu.memory_space<semaphore_mem>> -> memref<1x1x!tpu.dma_semaphore, #tpu.memory_space<semaphore_mem>>
      %dma_start3A_160 = tpu.memref_squeeze %dma_start3A_159 : memref<1x1x!tpu.dma_semaphore, #tpu.memory_space<semaphore_mem>> -> memref<!tpu.dma_semaphore, #tpu.memory_space<semaphore_mem>>
      %dma_start3A_161 = arith.constant 0 : i32
      %dma_start3A_162 = arith.constant 0 : i32
      %dma_start3A_163 = tpu.memref_slice %arg6[%sub3A_124, %dma_start3A_161, %dma_start3A_162] : memref<2x512x1024xf32, #tpu.memory_space<vmem>> -> memref<1x512x1024xf32, #tpu.memory_space<vmem>>
      %dma_start3A_164 = tpu.memref_squeeze %dma_start3A_163 : memref<1x512x1024xf32, #tpu.memory_space<vmem>> -> memref<512x1024xf32, #tpu.memory_space<vmem>>
      %dma_start3A_165 = arith.constant 0 : i32
      %dma_start3A_166 = tpu.memref_slice %arg3[%select_n3A_148, %mul3A_152, %dma_start3A_165] : memref<8x4096x1024xf32, #tpu.memory_space<hbm>> -> memref<1x512x1024xf32, #tpu.memory_space<hbm>>
      %dma_start3A_167 = tpu.memref_squeeze %dma_start3A_166 : memref<1x512x1024xf32, #tpu.memory_space<hbm>> -> memref<512x1024xf32, #tpu.memory_space<hbm>>
      tpu.enqueue_dma source(%dma_start3A_167 : memref<512x1024xf32, #tpu.memory_space<hbm>>) target(%dma_start3A_164 : memref<512x1024xf32, #tpu.memory_space<vmem>>) target_semaphore(%dma_start3A_160 : memref<!tpu.dma_semaphore, #tpu.memory_space<semaphore_mem>>)
      %dma_start3A_168 = arith.constant 1 : i32
      %dma_start3A_169 = tpu.memref_slice %arg10[%sub3A_124, %dma_start3A_168] : memref<2x3x!tpu.dma_semaphore, #tpu.memory_space<semaphore_mem>> -> memref<1x1x!tpu.dma_semaphore, #tpu.memory_space<semaphore_mem>>
      %dma_start3A_170 = tpu.memref_squeeze %dma_start3A_169 : memref<1x1x!tpu.dma_semaphore, #tpu.memory_space<semaphore_mem>> -> memref<!tpu.dma_semaphore, #tpu.memory_space<semaphore_mem>>
      %dma_start3A_171 = arith.constant 0 : i32
      %dma_start3A_172 = arith.constant 0 : i32
      %dma_start3A_173 = tpu.memref_slice %arg7[%sub3A_124, %dma_start3A_171, %dma_start3A_172] : memref<2x512x1024xf32, #tpu.memory_space<vmem>> -> memref<1x512x1024xf32, #tpu.memory_space<vmem>>
      %dma_start3A_174 = tpu.memref_squeeze %dma_start3A_173 : memref<1x512x1024xf32, #tpu.memory_space<vmem>> -> memref<512x1024xf32, #tpu.memory_space<vmem>>
      %dma_start3A_175 = arith.constant 0 : i32
      %dma_start3A_176 = tpu.memref_slice %arg3[%select_n3A_148, %add3A_156, %dma_start3A_175] : memref<8x4096x1024xf32, #tpu.memory_space<hbm>> -> memref<1x512x1024xf32, #tpu.memory_space<hbm>>
      %dma_start3A_177 = tpu.memref_squeeze %dma_start3A_176 : memref<1x512x1024xf32, #tpu.memory_space<hbm>> -> memref<512x1024xf32, #tpu.memory_space<hbm>>
      tpu.enqueue_dma source(%dma_start3A_177 : memref<512x1024xf32, #tpu.memory_space<hbm>>) target(%dma_start3A_174 : memref<512x1024xf32, #tpu.memory_space<vmem>>) target_semaphore(%dma_start3A_170 : memref<!tpu.dma_semaphore, #tpu.memory_space<semaphore_mem>>)
      %dma_start3A_178 = arith.constant 2 : i32
      %dma_start3A_179 = tpu.memref_slice %arg10[%sub3A_124, %dma_start3A_178] : memref<2x3x!tpu.dma_semaphore, #tpu.memory_space<semaphore_mem>> -> memref<1x1x!tpu.dma_semaphore, #tpu.memory_space<semaphore_mem>>
      %dma_start3A_180 = tpu.memref_squeeze %dma_start3A_179 : memref<1x1x!tpu.dma_semaphore, #tpu.memory_space<semaphore_mem>> -> memref<!tpu.dma_semaphore, #tpu.memory_space<semaphore_mem>>
      %dma_start3A_181 = arith.constant 0 : i32
      %dma_start3A_182 = arith.constant 0 : i32
      %dma_start3A_183 = tpu.memref_slice %arg8[%sub3A_124, %dma_start3A_181, %dma_start3A_182] : memref<2x1024x512xf32, #tpu.memory_space<vmem>> -> memref<1x1024x512xf32, #tpu.memory_space<vmem>>
      %dma_start3A_184 = tpu.memref_squeeze %dma_start3A_183 : memref<1x1024x512xf32, #tpu.memory_space<vmem>> -> memref<1024x512xf32, #tpu.memory_space<vmem>>
      %dma_start3A_185 = arith.constant 0 : i32
      %dma_start3A_186 = tpu.memref_slice %arg4[%select_n3A_148, %dma_start3A_185, %mul3A_158] : memref<8x1024x2048xf32, #tpu.memory_space<hbm>> -> memref<1x1024x512xf32, #tpu.memory_space<hbm>>
      %dma_start3A_187 = tpu.memref_squeeze %dma_start3A_186 : memref<1x1024x512xf32, #tpu.memory_space<hbm>> -> memref<1024x512xf32, #tpu.memory_space<hbm>>
      tpu.enqueue_dma source(%dma_start3A_187 : memref<1024x512xf32, #tpu.memory_space<hbm>>) target(%dma_start3A_184 : memref<1024x512xf32, #tpu.memory_space<vmem>>) target_semaphore(%dma_start3A_180 : memref<!tpu.dma_semaphore, #tpu.memory_space<semaphore_mem>>)
    } else {
    }
    %jit3A_27 = arith.constant 4 : i32
    %div3A_28 = arith.divsi %arg0, %jit3A_27 : i32
    %sign3A_29 = arith.constant 0 : i32
    %sign3A_30 = arith.cmpi sgt, %arg0, %sign3A_29 : i32
    %sign3A_31 = arith.extui %sign3A_30 : i1 to i32
    %sign3A_32 = arith.constant 0 : i32
    %sign3A_33 = arith.cmpi slt, %arg0, %sign3A_32 : i32
    %sign3A_34 = arith.extui %sign3A_33 : i1 to i32
    %sign3A_35 = arith.subi %sign3A_31, %sign3A_34 : i32
    %sign3A_36 = arith.constant 0 : i32
    %sign3A_37 = arith.cmpi sgt, %jit3A_27, %sign3A_36 : i32
    %sign3A_38 = arith.extui %sign3A_37 : i1 to i32
    %sign3A_39 = arith.constant 0 : i32
    %sign3A_40 = arith.cmpi slt, %jit3A_27, %sign3A_39 : i32
    %sign3A_41 = arith.extui %sign3A_40 : i1 to i32
    %sign3A_42 = arith.subi %sign3A_38, %sign3A_41 : i32
    %ne3A_43 = arith.cmpi ne, %sign3A_35, %sign3A_42 : i32
    %rem3A_44 = arith.remsi %arg0, %jit3A_27 : i32
    %ne3A_45 = arith.constant 0 : i32
    %ne3A_46 = arith.cmpi ne, %rem3A_44, %ne3A_45 : i32
    %and3A_47 = arith.andi %ne3A_43, %ne3A_46 : i1
    %sub3A_48 = arith.constant 1 : i32
    %sub3A_49 = arith.subi %div3A_28, %sub3A_48 : i32
    %select_n3A_50 = arith.select %and3A_47, %sub3A_49, %div3A_28 : i32
    %rem3A_51 = arith.constant 4 : i32
    %rem3A_52 = arith.remsi %arg0, %rem3A_51 : i32
    %mul3A = arith.constant 512 : i32
    %mul3A_53 = arith.muli %rem3A_52, %mul3A : i32
    %mul3A_54 = arith.constant 512 : i32
    %mul3A_55 = arith.muli %rem3A_52, %mul3A_54 : i32
    %add3A_56 = arith.constant 2048 : i32
    %add3A_57 = arith.addi %add3A_56, %mul3A_55 : i32
    %mul3A_58 = arith.constant 512 : i32
    %mul3A_59 = arith.muli %rem3A_52, %mul3A_58 : i32
    %dma_wait3A = arith.constant 0 : i32
    %dma_wait3A_60 = tpu.memref_slice %arg10[%rem3A_19, %dma_wait3A] : memref<2x3x!tpu.dma_semaphore, #tpu.memory_space<semaphore_mem>> -> memref<1x1x!tpu.dma_semaphore, #tpu.memory_space<semaphore_mem>>
    %dma_wait3A_61 = tpu.memref_squeeze %dma_wait3A_60 : memref<1x1x!tpu.dma_semaphore, #tpu.memory_space<semaphore_mem>> -> memref<!tpu.dma_semaphore, #tpu.memory_space<semaphore_mem>>
    %dma_wait3A_62 = arith.constant 0 : i32
    %dma_wait3A_63 = arith.constant 0 : i32
    %dma_wait3A_64 = tpu.memref_slice %arg6[%rem3A_19, %dma_wait3A_62, %dma_wait3A_63] : memref<2x512x1024xf32, #tpu.memory_space<vmem>> -> memref<1x512x1024xf32, #tpu.memory_space<vmem>>
    %dma_wait3A_65 = tpu.memref_squeeze %dma_wait3A_64 : memref<1x512x1024xf32, #tpu.memory_space<vmem>> -> memref<512x1024xf32, #tpu.memory_space<vmem>>
    %dma_wait3A_66 = arith.constant 0 : i32
    %dma_wait3A_67 = tpu.memref_slice %arg3[%select_n3A_50, %mul3A_53, %dma_wait3A_66] : memref<8x4096x1024xf32, #tpu.memory_space<hbm>> -> memref<1x512x1024xf32, #tpu.memory_space<hbm>>
    %dma_wait3A_68 = tpu.memref_squeeze %dma_wait3A_67 : memref<1x512x1024xf32, #tpu.memory_space<hbm>> -> memref<512x1024xf32, #tpu.memory_space<hbm>>
    tpu.wait_dma2 semaphore(%dma_wait3A_61 : memref<!tpu.dma_semaphore, #tpu.memory_space<semaphore_mem>>) src(%dma_wait3A_68 : memref<512x1024xf32, #tpu.memory_space<hbm>>) dst(%dma_wait3A_65 : memref<512x1024xf32, #tpu.memory_space<vmem>>)
    %dma_wait3A_69 = arith.constant 1 : i32
    %dma_wait3A_70 = tpu.memref_slice %arg10[%rem3A_19, %dma_wait3A_69] : memref<2x3x!tpu.dma_semaphore, #tpu.memory_space<semaphore_mem>> -> memref<1x1x!tpu.dma_semaphore, #tpu.memory_space<semaphore_mem>>
    %dma_wait3A_71 = tpu.memref_squeeze %dma_wait3A_70 : memref<1x1x!tpu.dma_semaphore, #tpu.memory_space<semaphore_mem>> -> memref<!tpu.dma_semaphore, #tpu.memory_space<semaphore_mem>>
    %dma_wait3A_72 = arith.constant 0 : i32
    %dma_wait3A_73 = arith.constant 0 : i32
    %dma_wait3A_74 = tpu.memref_slice %arg7[%rem3A_19, %dma_wait3A_72, %dma_wait3A_73] : memref<2x512x1024xf32, #tpu.memory_space<vmem>> -> memref<1x512x1024xf32, #tpu.memory_space<vmem>>
    %dma_wait3A_75 = tpu.memref_squeeze %dma_wait3A_74 : memref<1x512x1024xf32, #tpu.memory_space<vmem>> -> memref<512x1024xf32, #tpu.memory_space<vmem>>
    %dma_wait3A_76 = arith.constant 0 : i32
    %dma_wait3A_77 = tpu.memref_slice %arg3[%select_n3A_50, %add3A_57, %dma_wait3A_76] : memref<8x4096x1024xf32, #tpu.memory_space<hbm>> -> memref<1x512x1024xf32, #tpu.memory_space<hbm>>
    %dma_wait3A_78 = tpu.memref_squeeze %dma_wait3A_77 : memref<1x512x1024xf32, #tpu.memory_space<hbm>> -> memref<512x1024xf32, #tpu.memory_space<hbm>>
    tpu.wait_dma2 semaphore(%dma_wait3A_71 : memref<!tpu.dma_semaphore, #tpu.memory_space<semaphore_mem>>) src(%dma_wait3A_78 : memref<512x1024xf32, #tpu.memory_space<hbm>>) dst(%dma_wait3A_75 : memref<512x1024xf32, #tpu.memory_space<vmem>>)
    %dma_wait3A_79 = arith.constant 2 : i32
    %dma_wait3A_80 = tpu.memref_slice %arg10[%rem3A_19, %dma_wait3A_79] : memref<2x3x!tpu.dma_semaphore, #tpu.memory_space<semaphore_mem>> -> memref<1x1x!tpu.dma_semaphore, #tpu.memory_space<semaphore_mem>>
    %dma_wait3A_81 = tpu.memref_squeeze %dma_wait3A_80 : memref<1x1x!tpu.dma_semaphore, #tpu.memory_space<semaphore_mem>> -> memref<!tpu.dma_semaphore, #tpu.memory_space<semaphore_mem>>
    %dma_wait3A_82 = arith.constant 0 : i32
    %dma_wait3A_83 = arith.constant 0 : i32
    %dma_wait3A_84 = tpu.memref_slice %arg8[%rem3A_19, %dma_wait3A_82, %dma_wait3A_83] : memref<2x1024x512xf32, #tpu.memory_space<vmem>> -> memref<1x1024x512xf32, #tpu.memory_space<vmem>>
    %dma_wait3A_85 = tpu.memref_squeeze %dma_wait3A_84 : memref<1x1024x512xf32, #tpu.memory_space<vmem>> -> memref<1024x512xf32, #tpu.memory_space<vmem>>
    %dma_wait3A_86 = arith.constant 0 : i32
    %dma_wait3A_87 = tpu.memref_slice %arg4[%select_n3A_50, %dma_wait3A_86, %mul3A_59] : memref<8x1024x2048xf32, #tpu.memory_space<hbm>> -> memref<1x1024x512xf32, #tpu.memory_space<hbm>>
    %dma_wait3A_88 = tpu.memref_squeeze %dma_wait3A_87 : memref<1x1024x512xf32, #tpu.memory_space<hbm>> -> memref<1024x512xf32, #tpu.memory_space<hbm>>
    tpu.wait_dma2 semaphore(%dma_wait3A_81 : memref<!tpu.dma_semaphore, #tpu.memory_space<semaphore_mem>>) src(%dma_wait3A_88 : memref<1024x512xf32, #tpu.memory_space<hbm>>) dst(%dma_wait3A_85 : memref<1024x512xf32, #tpu.memory_space<vmem>>)
    %get3A = arith.constant 0 : index
    %get3A_89 = arith.index_cast %select_n3A : i32 to index
    %get3A_90 = memref.load %arg1[%get3A, %get3A_89] : memref<8x128xi32, #tpu.memory_space<smem>>
    %get3A_91 = arith.constant 1 : index
    %get3A_92 = arith.index_cast %select_n3A : i32 to index
    %get3A_93 = memref.load %arg1[%get3A_91, %get3A_92] : memref<8x128xi32, #tpu.memory_space<smem>>
    %get3A_94 = arith.index_cast %rem3A_19 : i32 to index
    %get3A_95 = arith.constant 0 : index
    %get3A_96 = arith.constant 0 : index
    %get3A_97 = vector.load %arg6[%get3A_94, %get3A_95, %get3A_96] : memref<2x512x1024xf32, #tpu.memory_space<vmem>>, vector<1x512x1024xf32>
    %get3A_98 = vector.shape_cast %get3A_97 : vector<1x512x1024xf32> to vector<512x1024xf32>
    %convert_element_type3A_99 = arith.truncf %get3A_98 : vector<512x1024xf32> to vector<512x1024xbf16>
    %get3A_100 = arith.index_cast %rem3A_19 : i32 to index
    %get3A_101 = arith.constant 0 : index
    %get3A_102 = arith.constant 0 : index
    %get3A_103 = vector.load %arg7[%get3A_100, %get3A_101, %get3A_102] : memref<2x512x1024xf32, #tpu.memory_space<vmem>>, vector<1x512x1024xf32>
    %get3A_104 = vector.shape_cast %get3A_103 : vector<1x512x1024xf32> to vector<512x1024xf32>
    %convert_element_type3A_105 = arith.truncf %get3A_104 : vector<512x1024xf32> to vector<512x1024xbf16>
    %get3A_106 = arith.index_cast %rem3A_19 : i32 to index
    %get3A_107 = arith.constant 0 : index
    %get3A_108 = arith.constant 0 : index
    %get3A_109 = vector.load %arg8[%get3A_106, %get3A_107, %get3A_108] : memref<2x1024x512xf32, #tpu.memory_space<vmem>>, vector<1x1024x512xf32>
    %get3A_110 = vector.shape_cast %get3A_109 : vector<1x1024x512xf32> to vector<1024x512xf32>
    %convert_element_type3A_111 = arith.truncf %get3A_110 : vector<1024x512xf32> to vector<1024x512xbf16>
    %while3A = arith.constant 0 : i32
    %while3A_112 = arith.constant 0 : i32
    %while3A_113 = arith.subi %get3A_90, %while3A_112 : i32
    %while3A_114 = arith.addi %while3A_112, %while3A_113 : i32
    %while3A_115 = arith.constant 1 : i32
    %while3A_116 = arith.divsi %while3A_113, %while3A_115 : i32
    %while3A_117 = arith.muli %while3A_116, %while3A_115 : i32
    %while3A_118 = arith.addi %while3A_112, %while3A_117 : i32
    %while3A_119 = arith.constant 1 : i32
    scf.for %while3A_121 = %while3A_112 to %while3A_118 step %while3A_119  : i32 {
      %mul3A_122 = arith.constant 512 : i32
      %mul3A_123 = arith.muli %while3A_121, %mul3A_122 : i32
      %add3A_124 = arith.addi %get3A_93, %mul3A_123 : i32
      %multiple_of3A = tpu.assume_multiple %add3A_124, 512 : i32
      %get3A_125 = arith.index_cast %multiple_of3A : i32 to index
      %get3A_126 = arith.constant 0 : index
      %get3A_127 = vector.load %arg2[%get3A_125, %get3A_126] : memref<8192x1024xf32, #tpu.memory_space<vmem>>, vector<512x1024xf32>
      %convert_element_type3A_128 = arith.truncf %get3A_127 : vector<512x1024xf32> to vector<512x1024xbf16>
      %dot_general3A = arith.constant dense<0.000000e+00> : vector<512x512xf32>
      %dot_general3A_129 = tpu.matmul %convert_element_type3A_128, %convert_element_type3A_99, %dot_general3A {dimension_numbers = #tpu.dot_dimension_numbers<[1], [1], [0], [0], [0, 0, 1, 0], [], []>, transpose_lhs_hint = false} : vector<512x1024xbf16>, vector<512x1024xbf16>, vector<512x512xf32> -> vector<512x512xf32>
      %dot_general3A_130 = arith.constant dense<0.000000e+00> : vector<512x512xf32>
      %dot_general3A_131 = tpu.matmul %convert_element_type3A_128, %convert_element_type3A_105, %dot_general3A_130 {dimension_numbers = #tpu.dot_dimension_numbers<[1], [1], [0], [0], [0, 0, 1, 0], [], []>, transpose_lhs_hint = false} : vector<512x1024xbf16>, vector<512x1024xbf16>, vector<512x512xf32> -> vector<512x512xf32>
      %logistic3A = arith.negf %dot_general3A_129 : vector<512x512xf32>
      %logistic3A_132 = math.exp %logistic3A : vector<512x512xf32>
      %logistic3A_133 = arith.constant 1.000000e+00 : f32
      %logistic3A_134 = vector.broadcast %logistic3A_133 : f32 to vector<512x512xf32>
      %logistic3A_135 = arith.addf %logistic3A_134, %logistic3A_132 : vector<512x512xf32>
      %logistic3A_136 = arith.divf %logistic3A_134, %logistic3A_135 : vector<512x512xf32>
      %mul3A_137 = arith.mulf %dot_general3A_129, %logistic3A_136 : vector<512x512xf32>
      %mul3A_138 = arith.mulf %mul3A_137, %dot_general3A_131 : vector<512x512xf32>
      %convert_element_type3A_139 = arith.truncf %mul3A_138 : vector<512x512xf32> to vector<512x512xbf16>
      %dot_general3A_140 = arith.constant dense<0.000000e+00> : vector<512x1024xf32>
      %dot_general3A_141 = tpu.matmul %convert_element_type3A_139, %convert_element_type3A_111, %dot_general3A_140 {dimension_numbers = #tpu.dot_dimension_numbers<[1], [1], [0], [0], [0, 0, 1, 0], [], []>, transpose_lhs_hint = false} : vector<512x512xbf16>, vector<1024x512xbf16>, vector<512x1024xf32> -> vector<512x1024xf32>
      %mul3A_142 = arith.constant 512 : i32
      %mul3A_143 = arith.muli %while3A_121, %mul3A_142 : i32
      %multiple_of3A_144 = tpu.assume_multiple %mul3A_143, 512 : i32
      %eq3A_145 = arith.constant 0 : i32
      %eq3A_146 = arith.cmpi eq, %rem3A_17, %eq3A_145 : i32
      %convert_element_type3A_147 = arith.extui %eq3A_146 : i1 to i32
      %cond3A_148 = arith.constant 0 : i32
      %cond3A_149 = arith.cmpi ne, %convert_element_type3A_147, %cond3A_148 : i32
      scf.if %cond3A_149 {
        %swap3A = arith.index_cast %multiple_of3A_144 : i32 to index
        %swap3A_160 = arith.constant 0 : index
        %swap3A_161 = vector.load %arg9[%swap3A, %swap3A_160] : memref<2048x1024xf32, #tpu.memory_space<vmem>>, vector<512x1024xf32>
        tpu.vector_store %arg9[%swap3A, %swap3A_160], %dot_general3A_141 {strides = array<i32>} : memref<2048x1024xf32, #tpu.memory_space<vmem>>, vector<512x1024xf32>,
      } else {
      }
      %ne3A_150 = arith.constant 0 : i32
      %ne3A_151 = arith.cmpi ne, %rem3A_17, %ne3A_150 : i32
      %convert_element_type3A_152 = arith.extui %ne3A_151 : i1 to i32
      %cond3A_153 = arith.constant 0 : i32
      %cond3A_154 = arith.cmpi ne, %convert_element_type3A_152, %cond3A_153 : i32
      scf.if %cond3A_154 {
        %get3A_160 = arith.index_cast %multiple_of3A_144 : i32 to index
        %get3A_161 = arith.constant 0 : index
        %get3A_162 = vector.load %arg9[%get3A_160, %get3A_161] : memref<2048x1024xf32, #tpu.memory_space<vmem>>, vector<512x1024xf32>
        %add3A_163 = arith.addf %get3A_162, %dot_general3A_141 : vector<512x1024xf32>
        %swap3A = arith.index_cast %multiple_of3A_144 : i32 to index
        %swap3A_164 = arith.constant 0 : index
        %swap3A_165 = vector.load %arg9[%swap3A, %swap3A_164] : memref<2048x1024xf32, #tpu.memory_space<vmem>>, vector<512x1024xf32>
        tpu.vector_store %arg9[%swap3A, %swap3A_164], %add3A_163 {strides = array<i32>} : memref<2048x1024xf32, #tpu.memory_space<vmem>>, vector<512x1024xf32>,
      } else {
      }
      %eq3A_155 = arith.constant 3 : i32
      %eq3A_156 = arith.cmpi eq, %rem3A_17, %eq3A_155 : i32
      %convert_element_type3A_157 = arith.extui %eq3A_156 : i1 to i32
      %cond3A_158 = arith.constant 0 : i32
      %cond3A_159 = arith.cmpi ne, %convert_element_type3A_157, %cond3A_158 : i32
      scf.if %cond3A_159 {
        %dma_start3A = arith.constant 0 : i32
        %dma_start3A_160 = tpu.memref_slice %arg5[%multiple_of3A, %dma_start3A] : memref<8192x1024xf32, #tpu.memory_space<hbm>> -> memref<512x1024xf32, #tpu.memory_space<hbm>>
        %dma_start3A_161 = arith.constant 0 : i32
        %dma_start3A_162 = tpu.memref_slice %arg9[%multiple_of3A_144, %dma_start3A_161] : memref<2048x1024xf32, #tpu.memory_space<vmem>> -> memref<512x1024xf32, #tpu.memory_space<vmem>>
        tpu.enqueue_dma source(%dma_start3A_162 : memref<512x1024xf32, #tpu.memory_space<vmem>>) target(%dma_start3A_160 : memref<512x1024xf32, #tpu.memory_space<hbm>>) target_semaphore(%arg11 : memref<!tpu.dma_semaphore, #tpu.memory_space<semaphore_mem>>)
        %dma_wait3A_163 = arith.constant 0 : i32
        %dma_wait3A_164 = tpu.memref_slice %arg5[%multiple_of3A, %dma_wait3A_163] : memref<8192x1024xf32, #tpu.memory_space<hbm>> -> memref<512x1024xf32, #tpu.memory_space<hbm>>
        %dma_wait3A_165 = arith.constant 0 : i32
        %dma_wait3A_166 = tpu.memref_slice %arg9[%multiple_of3A_144, %dma_wait3A_165] : memref<2048x1024xf32, #tpu.memory_space<vmem>> -> memref<512x1024xf32, #tpu.memory_space<vmem>>
        tpu.wait_dma2 semaphore(%arg11 : memref<!tpu.dma_semaphore, #tpu.memory_space<semaphore_mem>>) src(%dma_wait3A_166 : memref<512x1024xf32, #tpu.memory_space<vmem>>) dst(%dma_wait3A_164 : memref<512x1024xf32, #tpu.memory_space<hbm>>)
      } else {
      }
    }
    %while3A_120 = arith.constant 1 : i32
    scf.for %while3A_121 = %while3A_118 to %while3A_114 step %while3A_120  : i32 {
      %mul3A_122 = arith.constant 512 : i32
      %mul3A_123 = arith.muli %while3A_121, %mul3A_122 : i32
      %add3A_124 = arith.addi %get3A_93, %mul3A_123 : i32
      %multiple_of3A = tpu.assume_multiple %add3A_124, 512 : i32
      %get3A_125 = arith.index_cast %multiple_of3A : i32 to index
      %get3A_126 = arith.constant 0 : index
      %get3A_127 = vector.load %arg2[%get3A_125, %get3A_126] : memref<8192x1024xf32, #tpu.memory_space<vmem>>, vector<512x1024xf32>
      %convert_element_type3A_128 = arith.truncf %get3A_127 : vector<512x1024xf32> to vector<512x1024xbf16>
      %dot_general3A = arith.constant dense<0.000000e+00> : vector<512x512xf32>
      %dot_general3A_129 = tpu.matmul %convert_element_type3A_128, %convert_element_type3A_99, %dot_general3A {dimension_numbers = #tpu.dot_dimension_numbers<[1], [1], [0], [0], [0, 0, 1, 0], [], []>, transpose_lhs_hint = false} : vector<512x1024xbf16>, vector<512x1024xbf16>, vector<512x512xf32> -> vector<512x512xf32>
      %dot_general3A_130 = arith.constant dense<0.000000e+00> : vector<512x512xf32>
      %dot_general3A_131 = tpu.matmul %convert_element_type3A_128, %convert_element_type3A_105, %dot_general3A_130 {dimension_numbers = #tpu.dot_dimension_numbers<[1], [1], [0], [0], [0, 0, 1, 0], [], []>, transpose_lhs_hint = false} : vector<512x1024xbf16>, vector<512x1024xbf16>, vector<512x512xf32> -> vector<512x512xf32>
      %logistic3A = arith.negf %dot_general3A_129 : vector<512x512xf32>
      %logistic3A_132 = math.exp %logistic3A : vector<512x512xf32>
      %logistic3A_133 = arith.constant 1.000000e+00 : f32
      %logistic3A_134 = vector.broadcast %logistic3A_133 : f32 to vector<512x512xf32>
      %logistic3A_135 = arith.addf %logistic3A_134, %logistic3A_132 : vector<512x512xf32>
      %logistic3A_136 = arith.divf %logistic3A_134, %logistic3A_135 : vector<512x512xf32>
      %mul3A_137 = arith.mulf %dot_general3A_129, %logistic3A_136 : vector<512x512xf32>
      %mul3A_138 = arith.mulf %mul3A_137, %dot_general3A_131 : vector<512x512xf32>
      %convert_element_type3A_139 = arith.truncf %mul3A_138 : vector<512x512xf32> to vector<512x512xbf16>
      %dot_general3A_140 = arith.constant dense<0.000000e+00> : vector<512x1024xf32>
      %dot_general3A_141 = tpu.matmul %convert_element_type3A_139, %convert_element_type3A_111, %dot_general3A_140 {dimension_numbers = #tpu.dot_dimension_numbers<[1], [1], [0], [0], [0, 0, 1, 0], [], []>, transpose_lhs_hint = false} : vector<512x512xbf16>, vector<1024x512xbf16>, vector<512x1024xf32> -> vector<512x1024xf32>
      %mul3A_142 = arith.constant 512 : i32
      %mul3A_143 = arith.muli %while3A_121, %mul3A_142 : i32
      %multiple_of3A_144 = tpu.assume_multiple %mul3A_143, 512 : i32
      %eq3A_145 = arith.constant 0 : i32
      %eq3A_146 = arith.cmpi eq, %rem3A_17, %eq3A_145 : i32
      %convert_element_type3A_147 = arith.extui %eq3A_146 : i1 to i32
      %cond3A_148 = arith.constant 0 : i32
      %cond3A_149 = arith.cmpi ne, %convert_element_type3A_147, %cond3A_148 : i32
      scf.if %cond3A_149 {
        %swap3A = arith.index_cast %multiple_of3A_144 : i32 to index
        %swap3A_160 = arith.constant 0 : index
        %swap3A_161 = vector.load %arg9[%swap3A, %swap3A_160] : memref<2048x1024xf32, #tpu.memory_space<vmem>>, vector<512x1024xf32>
        tpu.vector_store %arg9[%swap3A, %swap3A_160], %dot_general3A_141 {strides = array<i32>} : memref<2048x1024xf32, #tpu.memory_space<vmem>>, vector<512x1024xf32>,
      } else {
      }
      %ne3A_150 = arith.constant 0 : i32
      %ne3A_151 = arith.cmpi ne, %rem3A_17, %ne3A_150 : i32
      %convert_element_type3A_152 = arith.extui %ne3A_151 : i1 to i32
      %cond3A_153 = arith.constant 0 : i32
      %cond3A_154 = arith.cmpi ne, %convert_element_type3A_152, %cond3A_153 : i32
      scf.if %cond3A_154 {
        %get3A_160 = arith.index_cast %multiple_of3A_144 : i32 to index
        %get3A_161 = arith.constant 0 : index
        %get3A_162 = vector.load %arg9[%get3A_160, %get3A_161] : memref<2048x1024xf32, #tpu.memory_space<vmem>>, vector<512x1024xf32>
        %add3A_163 = arith.addf %get3A_162, %dot_general3A_141 : vector<512x1024xf32>
        %swap3A = arith.index_cast %multiple_of3A_144 : i32 to index
        %swap3A_164 = arith.constant 0 : index
        %swap3A_165 = vector.load %arg9[%swap3A, %swap3A_164] : memref<2048x1024xf32, #tpu.memory_space<vmem>>, vector<512x1024xf32>
        tpu.vector_store %arg9[%swap3A, %swap3A_164], %add3A_163 {strides = array<i32>} : memref<2048x1024xf32, #tpu.memory_space<vmem>>, vector<512x1024xf32>,
      } else {
      }
      %eq3A_155 = arith.constant 3 : i32
      %eq3A_156 = arith.cmpi eq, %rem3A_17, %eq3A_155 : i32
      %convert_element_type3A_157 = arith.extui %eq3A_156 : i1 to i32
      %cond3A_158 = arith.constant 0 : i32
      %cond3A_159 = arith.cmpi ne, %convert_element_type3A_157, %cond3A_158 : i32
      scf.if %cond3A_159 {
        %dma_start3A = arith.constant 0 : i32
        %dma_start3A_160 = tpu.memref_slice %arg5[%multiple_of3A, %dma_start3A] : memref<8192x1024xf32, #tpu.memory_space<hbm>> -> memref<512x1024xf32, #tpu.memory_space<hbm>>
        %dma_start3A_161 = arith.constant 0 : i32
        %dma_start3A_162 = tpu.memref_slice %arg9[%multiple_of3A_144, %dma_start3A_161] : memref<2048x1024xf32, #tpu.memory_space<vmem>> -> memref<512x1024xf32, #tpu.memory_space<vmem>>
        tpu.enqueue_dma source(%dma_start3A_162 : memref<512x1024xf32, #tpu.memory_space<vmem>>) target(%dma_start3A_160 : memref<512x1024xf32, #tpu.memory_space<hbm>>) target_semaphore(%arg11 : memref<!tpu.dma_semaphore, #tpu.memory_space<semaphore_mem>>)
        %dma_wait3A_163 = arith.constant 0 : i32
        %dma_wait3A_164 = tpu.memref_slice %arg5[%multiple_of3A, %dma_wait3A_163] : memref<8192x1024xf32, #tpu.memory_space<hbm>> -> memref<512x1024xf32, #tpu.memory_space<hbm>>
        %dma_wait3A_165 = arith.constant 0 : i32
        %dma_wait3A_166 = tpu.memref_slice %arg9[%multiple_of3A_144, %dma_wait3A_165] : memref<2048x1024xf32, #tpu.memory_space<vmem>> -> memref<512x1024xf32, #tpu.memory_space<vmem>>
        tpu.wait_dma2 semaphore(%arg11 : memref<!tpu.dma_semaphore, #tpu.memory_space<semaphore_mem>>) src(%dma_wait3A_166 : memref<512x1024xf32, #tpu.memory_space<vmem>>) dst(%dma_wait3A_164 : memref<512x1024xf32, #tpu.memory_space<hbm>>)
      } else {
      }
    }
    return
  }
  func.func @transform_0(%arg0: i32, %arg1: memref<8x128xi32, #tpu.memory_space<smem>>) -> (i32, i32) {
    %c0_i32 = arith.constant 0 : i32
    %c0_i32_0 = arith.constant 0 : i32
    %c0_i32_1 = arith.constant 0 : i32
    return %c0_i32, %c0_i32_0 : i32, i32
  }
}

</mosaic_0001>

<sc_bundles>
// kernel: kernel.6.cloned.1.call-start
scs
__scs_entry_jumppad:
0x0: {  	(pc) =	sbr.rel $0x88, $3  }
0x1: {  	(tag) =	ssettag $0x0;
	lr =	simm.s32 $0x1  }
0x2: {  	[smem:$0x3F9D] =	sst lr;
	_ =	strace $0xD0000000  }
0x3: {  	_ = 	snop  }
0x4: {  	_ = 	snop  }
0x5: {  	_ = 	snop  }
0x6: {  	_ = 	snop  }
0x7: {  	_ = 	snop  }
__scs_overlays_trampoline_lowered:
0x8: {  	[smem:$0x3FAC] =	sst s0  }
0x9: {  	[smem:$0x3FAD] =	sst s1  }
0xa: {  	[smem:$0x3FAE] =	sst s2  }
0xb: {  	[smem:$0x3FAF] =	sst s3  }
0xc: {  	[smem:$0x3FB0] =	sst s4  }
0xd: {  	[smem:$0x3FB1] =	sst s5  }
0xe: {  	[smem:$0x3FB2] =	sst s6  }
0xf: {  	[smem:$0x3FB3] =	sst s7  }
0x10: {  	[smem:$0x3FB4] =	sst s8  }
0x11: {  	[smem:$0x3FB5] =	sst s9;
	s0 =	simm.s32 @!p0 $0x0  }
0x12: {  	s1 =	sld [smem:$0x3F9B];
	s0 =	simm.s32 @p0 $0x1  }
0x13: {  	[smem:$0x3FB6] =	sst s0;
	s0 =	simm.s32 @!p1 $0x0  }
0x14: {  	s2 =	sld [smem:$0x3F9A];
	s0 =	simm.s32 @p1 $0x1  }
0x15: {  	[smem:$0x3FB7] =	sst s0;
	s0 =	simm.s32 @!p2 $0x0  }
0x16: {  	s3 =	sld [smem:$0x3FDB];
	s0 =	simm.s32 @p2 $0x1  }
0x17: {  	s4 =	simm.s32 $0x1BF5;
	[smem:$0x3FB9] =	sst s0  }
0x18: {  	s0 =	sld [smem:$0x3F9C];
	_ =	swait.ge [sflag:s4], $0x0  }
0x19: {  	s7 =	sld [smem:$0x3F9D]  }
0x1a: {  	s8 =	sadd.s32 $0xFFFFE003, lr  }
0x1b: {  	s9 =	sadd.s32 $0xFFFFFEF7, lr;
	s5 =	simm.s32 $0xFFFFFFFF;
	p2 =	slt.u32 s8, $0xFFFFF086  }
0x1c: {  	p1 =	slt.u32 s9, $0xF7A;
	s5 =	simm.s32 @!p2 $0x0  }
0x1d: {  	s5 =	simm.s32 @p1 $0x1;
	p0 =	seq.s32 s7, s2  }
0x1e: {  	s7 =	smul.u32 @!p0 $0xF7A, s2;
	p2 =	seq.s32 @!p0 s5, $0x0  }
0x1f: {  	s9 =	smul.u32 $0xF7A, s1;
	s8 =	simm.s32 @!p0 $0x1BF5;
	p2 =	por !p2, p0  }
0x20: {  	[sflag:s8] =	ssyncset.s32 @!p0 $0xFFFFF086;
	s6 =	sadd.s32 @!p0 s3, s7;
	s7 =	simm.s32 @!p0 $0x108  }
0x21: {  	s3 =	sadd.s32 s3, s9;
	s6 =	sadd.s32 @!p0 $0x88, s6;
	s7 =	simm.s32 @p2 $0x1082  }
0x22: {  	[simem:s7], [sflag:s8] =	dma.local @!p0 [hbm:s6], $0xF7A  }
0x23: {  	s9 =	sor.u32 $0xD0000000, s2;
	s6 =	simm.s32 $0x108;
	_ =	swait.ge @!p0 [sflag:s8], $0x0  }
0x24: {  	s3 =	sadd.s32 $0x88, s3;
	s6 =	simm.s32 @!p1 $0x1082;
	[sflag:s4] =	ssyncset.s32 $0xFFFFF086  }
0x25: {  	[simem:s6], [sflag:s4] =	dma.local [hbm:s3], $0xF7A  }
0x26: {  	[smem:$0x3F9D] =	sst s1;
	(tag) =	ssettag s2;
	_ =	strace s9  }
0x27: {  	s1 =	sld [smem:$0x3FAD]  }
0x28: {  	s2 =	sld [smem:$0x3FAE]  }
0x29: {  	s4 =	sld [smem:$0x3FB0]  }
0x2a: {  	p0 =	seq.s32 s5, $0x0;
	s5 =	sld [smem:$0x3FB1]  }
0x2b: {  	s6 =	sld [smem:$0x3FB2]  }
0x2c: {  	s7 =	sld [smem:$0x3FB3]  }
0x2d: {  	s3 =	simm.s32 $0x108;
	s8 =	sld [smem:$0x3FB4]  }
0x2e: {  	s3 =	simm.s32 @!p0 $0x1082;
	s9 =	sld [smem:$0x3FB5]  }
0x2f: {  	lr =	sadd.s32 s0, s3;
	s0 =	sld [smem:$0x3FAC]  }
0x30: {  	s3 =	sld [smem:$0x3FAF]  }
0x31: {  	[smem:$0x3FB8] =	sst s10  }
0x32: {  	s10 =	sld [smem:$0x3FB6];
	_ =	sdelay $0x3  }
0x33: {  	p0 =	seq.s32 s10, $0x1;
	s10 =	sld [smem:$0x3FB8];
	_ =	sdelay $0x3  }
0x34: {  	[smem:$0x3FB8] =	sst s10  }
0x35: {  	s10 =	sld [smem:$0x3FB7];
	_ =	sdelay $0x3  }
0x36: {  	p1 =	seq.s32 s10, $0x1;
	s10 =	sld [smem:$0x3FB8];
	_ =	sdelay $0x3  }
0x37: {  	[smem:$0x3FB8] =	sst s10  }
0x38: {  	s10 =	sld [smem:$0x3FB9]  }
0x39: {  	_ = 	snop;
	(pc) =	sbr.ind lr, $3  }
0x3a: {  	_ = 	snop  }
0x3b: {  	_ = 	snop  }
0x3c: {  	p2 =	seq.s32 s10, $0x1;
	s10 =	sld [smem:$0x3FB8]  }
0x3d: {  	_ =	shalt  }
0x3e: {  	_ =	shalt  }
0x3f: {  	_ =	shalt  }
0x40: {  	_ =	shalt  }
0x41: {  	_ =	shalt  }
0x42: {  	_ =	shalt  }
0x43: {  	_ =	shalt  }
0x44: {  	_ =	shalt  }
0x45: {  	_ =	shalt  }
0x46: {  	_ =	shalt  }
0x47: {  	_ =	shalt  }
0x48: {  	_ =	shalt  }
0x49: {  	_ =	shalt  }
0x4a: {  	_ =	shalt  }
0x4b: {  	_ =	shalt  }
0x4c: {  	_ =	shalt  }
0x4d: {  	_ =	shalt  }
0x4e: {  	_ =	shalt  }
0x4f: {  	_ =	shalt  }
0x50: {  	_ =	shalt  }
0x51: {  	_ =	shalt  }
0x52: {  	_ =	shalt  }
0x53: {  	_ =	shalt  }
0x54: {  	_ =	shalt  }
0x55: {  	_ =	shalt  }
0x56: {  	_ =	shalt  }
0x57: {  	_ =	shalt  }
0x58: {  	_ =	shalt  }
0x59: {  	_ =	shalt  }
0x5a: {  	_ =	shalt  }
0x5b: {  	_ =	shalt  }
0x5c: {  	_ =	shalt  }
0x5d: {  	_ =	shalt  }
0x5e: {  	_ =	shalt  }
0x5f: {  	_ =	shalt  }
0x60: {  	_ =	shalt  }
0x61: {  	_ =	shalt  }
0x62: {  	_ =	shalt  }
0x63: {  	_ =	shalt  }
0x64: {  	_ =	shalt  }
0x65: {  	_ =	shalt  }
0x66: {  	_ =	shalt  }
0x67: {  	_ =	shalt  }
0x68: {  	_ =	shalt  }
0x69: {  	_ =	shalt  }
0x6a: {  	_ =	shalt  }
0x6b: {  	_ =	shalt  }
0x6c: {  	_ =	shalt  }
0x6d: {  	_ =	shalt  }
0x6e: {  	_ =	shalt  }
0x6f: {  	_ =	shalt  }
0x70: {  	_ =	shalt  }
0x71: {  	_ =	shalt  }
0x72: {  	_ =	shalt  }
0x73: {  	_ =	shalt  }
0x74: {  	_ =	shalt  }
0x75: {  	_ =	shalt  }
0x76: {  	_ =	shalt  }
0x77: {  	_ =	shalt  }
0x78: {  	_ =	shalt  }
0x79: {  	_ =	shalt  }
0x7a: {  	_ =	shalt  }
0x7b: {  	_ =	shalt  }
0x7c: {  	_ =	shalt  }
0x7d: {  	_ =	shalt  }
0x7e: {  	_ =	shalt  }
0x7f: {  	_ =	shalt  }
0x80: {  	_ =	shalt  }
0x81: {  	_ =	shalt  }
0x82: {  	_ =	shalt  }
0x83: {  	_ =	shalt  }
0x84: {  	_ =	shalt  }
0x85: {  	_ =	shalt  }
0x86: {  	_ =	shalt  }
0x87: {  	_ =	shalt  }
.Lfunc_end0:
.L_simem_size_0:
called_computation_lowered:
.L_overlay_start_0:
0x88: {  	s2 =	sld [smem:$0x3FD9]  }
0x89: {  	s3 =	sld [smem:$0x3FFE];
	_ =	sdelay $0x1  }
0x8a: {  	s1 =	srdreg.scid  }
0x8b: {  	s0 =	sand.u32 $0x1, s1  }
0x8c: {  	s17 =	sshll.u32 s0, $0xA;
	s2 =	sadd.s32 s3, s2  }
0x8d: {  	s2 =	sadd.s32 s2, s17  }
0x8e: {  	[smem:$0x3FC4] =	sst s2  }
0x8f: {  	_ = 	snop  }
0x90: {  	s2 =	sld [smem:$0x3FC9]  }
0x91: {  	s18 =	sld [smem:$0x3FD0];
	(tm) =	ssettm $0x1  }
0x92: {  	s4 =	sld [smem:$0x3FFB];
	_ =	sdelay $0x3  }
0x93: {  	_ =	strace s4  }
0x94: {  	s4 =	sld [smem:$0x3FFC];
	_ =	sdelay $0x3  }
0x95: {  	_ =	strace s4  }
0x96: {  	s4 =	sld [smem:$0x3FFD];
	_ =	sdelay $0x3  }
0x97: {  	_ =	strace s4  }
0x98: {  	_ =	strace $0x8FFFFFFF  }
0x99: {  	s19 =	sld [smem:$0x3FDB];
	_ =	sdelay $0x1  }
0x9a: {  	s5 =	simm.s32 $_scs_section_size  }
0x9b: {  	s6 =	simm.s32 $_size__tile_overlayer_lowered;
	s7 =	simm.s32 $_tile_overlayer_lowered  }
0x9c: {  	s22 =	simm.s32 $0x1BFF;
	s21 =	sshll.u32 s7, $0x1;
	s4 =	sadd.s32 s5, s19  }
0x9d: {  	s8 =	simm.s32 $0x0;
	s20 =	sshll.u32 s6, $0x1;
	s6 =	sadd.s32 s21, s4  }
0x9e: {  	[timem:s8], [sflag:s22] =	dma.local [hbm:s6], s20  }
0x9f: {  	_ =	swait.ge [sflag:s22], s20  }
0xa0: {  	s5 =	ssub.s32 $0x0, s20;
	[sflag:s22] =	ssyncset.done $0x0  }
0xa1: {  	[sflag:s22] =	ssyncadd.s32 s5;
	_ =	sdelay $0x1  }
0xa2: {  	s23 =	simm.s32 $0x1B8B  }
0xa3: {  	_ =	swait.ge [sflag:s23], $0x1  }
0xa4: {  	[sflag:s23] =	ssyncset.done $0x0  }
0xa5: {  	s25 =	simm.s32 $0x1B8E;
	s24 =	sld [smem:$0x3FFE];
	[sflag:s23] =	ssyncadd.s32 $0xFFFFFFFF  }
0xa6: {  	s26 =	simm.s32 $execute0_lowered;
	[smem:$0x3FD2] =	sst s25  }
0xa7: {  	s6 =	sshll.u32 s26, $0x1;
	_ =	strace $0x80000046;
	[dreg:$0x1] =	wrdreg $0xFFFFFFFF  }
0xa8: {  	s28 =	simm.s32 $_size_execute0_lowered;
	s4 =	sadd.s32 s4, s6;
	[dreg:$0x0] =	wrdreg $0x0  }
0xa9: {  	s6 =	sshll.u32 s28, $0x1;
	[dreg:$0x2] =	wrdreg s4  }
0xaa: {  	[dreg:$0x3] =	wrdreg s6  }
0xab: {  	[dreg:$0x4] =	wrdreg $0xC0  }
0xac: {  	_ =	task [dreg:s8], $0x5FFFF  }
0xad: {  	[dreg:$0x1] =	wrdreg $0xFFFFFFFF  }
0xae: {  	[dreg:$0x0] =	wrdreg $0x60  }
0xaf: {  	[dreg:$0x2] =	wrdreg s2  }
0xb0: {  	[dreg:$0x3] =	wrdreg s18  }
0xb1: {  	[dreg:$0x4] =	wrdreg s24  }
0xb2: {  	[dreg:$0x5] =	wrdreg $0x9  }
0xb3: {  	_ =	task.clear_ibuf [dreg:s8], $0x6FFFF;
	_ =	strace $0x90000046  }
0xb4: {  	s29 =	simm.s32 $0x9;
	_ =	strace $0x80000048  }
0xb5: {  	_ =	swait.ge [sflag:s29], $0x1  }
0xb6: {  	[sflag:s29] =	ssyncadd.s32 $0xFFFFFFFF  }
0xb7: {  	_ =	strace $0x90000048  }
0xb8: {  	_ =	sfence  }
0xb9: {  	s30 =	sld [smem:$0x0];
	_ =	sdelay $0x2  }
0xba: {  	s31 =	sshll.u32 s1, $0xD;
	s1 =	sshrl.u32 s1, $0x2  }
0xbb: {  	s3 =	sand.u32 $0x4000, s31;
	s1 =	sadd.s32 s1, s30  }
0xbc: {  	s0 =	sor.u32 s3, s0;
	s1 =	sshll.u32 s1, $0x11  }
0xbd: {  	s0 =	sor.u32 s1, s0  }
0xbe: {  	s0 =	sadd.s32 $0x8F2B, s0  }
0xbf: {  	[sflag:s0] =	ssyncadd.remote.s32 $0x1  }
0xc0: {  	_ =	sfence.sel $0xFFFF  }
0xc1: {  	[dreg:$0x0] =	wrdreg $0xFFFFFFFF;
	(pc) =	sbr.abs _section_cstart, $3  }
0xc2: {  	[dreg:$0x1] =	wrdreg $0xFFFFFFFF  }
0xc3: {  	_ =	task.clear_ibuf [dreg:s8], $0x2FFFF;
	_ =	strace $0x9FFFFFFF  }
0xc4: {  	(tm) =	ssettm $0x7FFFFFFF  }
0xc5: {  	_ =	shalt  }
tec
execute0_lowered:
.L_overlay_start_1:
0x0: {  	(tag) =	ssettag $0x1  }
0x1: {  	s0 =	rddreg [dreg:$0x0]  }
0x2: {  	s1 =	rddreg [dreg:$0x1]  }
0x3: {  	s6 =	rddreg [dreg:$0x2]  }
0x4: {  	s3 =	srdreg.scid;
	s4 =	stileid.u32;
	s2 =	simm.s32 $0x0  }
0x5: {  	s25 =	simm.s32 $0x10000;
	s26 =	simm.s32 $0x10080;
	s20 =	simm.s32 $0x1800  }
0x6: {  	s28 =	simm.s32 $0x5000;
	s29 =	simm.s32 $0x5800;
	s30 =	simm.s32 $0x6000  }
0x7: {  	s31 =	simm.s32 $0x6800;
	s9 =	simm.s32 $0x8000;
	s10 =	simm.s32 $0x8800  }
0x8: {  	s11 =	simm.s32 $0x9000;
	s12 =	simm.s32 $0x9800;
	s13 =	simm.s32 $0xA000  }
0x9: {  	s14 =	simm.s32 $0xA800;
	s15 =	simm.s32 $0xB000;
	s16 =	simm.s32 $0xB800  }
0xa: {  	s3 =	sand.u32 $0x1, s3;
	s4 =	sshll.u32 s4, $0x1;
	[smem:$0x7FF] =	sst s2  }
0xb: {  	s17 =	simm.s32 $0xC000;
	s4 =	sor.u32 s3, s4;
	_ =	strace $0x80000047  }
0xc: {  	s8 =	ssub.s32 $0x2, s3;
	s3 =	sadd.s32 $0x400, s6;
	[dreg:$0x7] =	wrdreg s25  }
0xd: {  	[dreg:$0x8] =	wrdreg s26;
	s25 =	simm.s32 $0x4000;
	s26 =	simm.s32 $0x4800  }
0xe: {  	s5 =	sshll.u32 s4, $0x4;
	s22 =	sshll.u32 s4, $0xD;
	s23 =	sshrl.u32 s8, $0x1  }
0xf: {  	s4 =	sadd.s32 $0x500, s6;
	s7 =	sadd.s32 s5, s6;
	s1 =	sadd.s32 s1, s5  }
0x10: {  	s0 =	sadd.s32 s0, s22;
	s24 =	ssub.s32 s8, s23;
	s5 =	sadd.s32 $0x600, s6  }
0x11: {  	s6 =	sadd.s32 $0x700, s6;
	s8 =	simm.s32 $0x3;
	s22 =	simm.s32 $0x2800  }
0x12: {  	v2 =	vlaneseq.u32;
	s23 =	simm.s32 $0x3000;
	[dreg:$0x4] =	wrdreg s1;
	s21 =	sadd.s32 $0x200, s7  }
0x13: {  	vm0 =	vmmov $0xffff;
	v1 =	vshrl.u32 v2, $0x3;
	[dreg:$0x6] =	wrdreg s0;
	s7 =	smax.u32 s24, $0x1;
	s24 =	simm.s32 $0x3800  }
0x14: {  	v0 =	vand.u32 $0x7, v2;
	v2 =	vor.u32 $0x8, v2;
	v1 =	vmul.u32 $0x8, v1;
	s1 =	simm.s32 $0x7800;
	[dreg:$0x5] =	wrdreg s21;
	s21 =	simm.s32 $0x2000  }
.LBB2_1:
0x15: {  	s18 =	rddreg [dreg:$0x4]  }
0x16: {  	s19 =	rddreg [dreg:$0x7]  }
0x17: {  	[tilespmem:s19], [sflag:$0x3] =	stream.linear.gather [hbm4b:s18+s2], $0x80, $0x38;
	[tilespmem:$0x10100] =	vst v63  }
0x18: {  	_ =	swait.ge [sflag:s8], $0x80  }
0x19: {  	s19 =	rddreg [dreg:$0x5];
	[sflag:s8] =	ssyncset.done $0x0  }
0x1a: {  	s0 =	rddreg [dreg:$0x8];
	[sflag:s8] =	ssyncadd.s32 $0xFFFFFF80  }
0x1b: {  	[tilespmem:s0], [sflag:$0x3] =	stream.linear.gather [hbm4b:s19+s2], $0x80, $0x38;
	[tilespmem:$0x10100] =	vst v63  }
0x1c: {  	_ =	swait.ge [sflag:s8], $0x80  }
0x1d: {  	[sflag:s8] =	ssyncset.done $0x0  }
0x1e: {  	s0 =	rddreg [dreg:$0x6];
	[sflag:s8] =	ssyncadd.s32 $0xFFFFFF80  }
0x1f: {  	[tilespmem:s2], [sflag:$0x3] =	stream.linear.gather [hbm4b:s0+s2], $0x10000, $0x38;
	[tilespmem:$0x10100] =	vst v63  }
0x20: {  	_ =	swait.ge [sflag:s8], $0x10000  }
0x21: {  	[sflag:s8] =	ssyncset.done $0x0  }
0x22: {  	[sflag:s8] =	ssyncadd.s32 $0xFFFF0000  }
0x23: {  	v3 =	vld [tilespmem:$0x10000];
	_ =	sdelay $0x4  }
0x24: {  	v4 =	vshll.u32 v3, $0x3  }
0x25: {  	v3 =	vand.u32 $0x7, v3;
	v4 =	vand.u32 $0xFFFFFFC0, v4  }
0x26: {  	v3 =	vor.u32 v3, v4  }
0x27: {  	v4 =	vperm.xlane v3, v0;
	_ =	sdelay $0x1  }
0x28: {  	v4 =	vadd.s32 v1, v4;
	_ =	sdelay $0x4  }
0x29: {  	[hbm4b:s3+s2] =	stream.indirect_vreg.scatter [tilespmem:s2], [sflag:$0x1], $0x80, v4, vm0, $0xb8;
	[tilespmem:$0x10100] =	vst v63  }
0x2a: {  	s18 =	simm.s32 $0x800;
	v3 =	vperm.xlane v3, v2  }
0x2b: {  	[hbm4b:s4+s2] =	stream.indirect_vreg.scatter [tilespmem:s18], [sflag:$0x1], $0x80, v4, vm0, $0xb8;
	[tilespmem:$0x10100] =	vst v63  }
0x2c: {  	s19 =	simm.s32 $0x1000;
	v3 =	vadd.s32 v1, v3  }
0x2d: {  	[hbm4b:s5+s2] =	stream.indirect_vreg.scatter [tilespmem:s19], [sflag:$0x1], $0x80, v4, vm0, $0xb8;
	[tilespmem:$0x10100] =	vst v63  }
0x2e: {  	_ = 	snop  }
0x2f: {  	[hbm4b:s6+s2] =	stream.indirect_vreg.scatter [tilespmem:s20], [sflag:$0x1], $0x80, v4, vm0, $0xb8;
	[tilespmem:$0x10100] =	vst v63  }
0x30: {  	_ = 	snop  }
0x31: {  	[hbm4b:s3+s2] =	stream.indirect_vreg.scatter [tilespmem:s21], [sflag:$0x1], $0x80, v3, vm0, $0xb8;
	[tilespmem:$0x10100] =	vst v63  }
0x32: {  	_ = 	snop  }
0x33: {  	[hbm4b:s4+s2] =	stream.indirect_vreg.scatter [tilespmem:s22], [sflag:$0x1], $0x80, v3, vm0, $0xb8;
	[tilespmem:$0x10100] =	vst v63  }
0x34: {  	_ = 	snop  }
0x35: {  	[hbm4b:s5+s2] =	stream.indirect_vreg.scatter [tilespmem:s23], [sflag:$0x1], $0x80, v3, vm0, $0xb8;
	[tilespmem:$0x10100] =	vst v63  }
0x36: {  	_ = 	snop  }
0x37: {  	[hbm4b:s6+s2] =	stream.indirect_vreg.scatter [tilespmem:s24], [sflag:$0x1], $0x80, v3, vm0, $0xb8;
	[tilespmem:$0x10100] =	vst v63  }
0x38: {  	v3 =	vld [tilespmem:$0x10010];
	_ =	sdelay $0x4  }
0x39: {  	v57 =	vshll.u32 v3, $0x3  }
0x3a: {  	v3 =	vand.u32 $0x7, v3;
	v4 =	vand.u32 $0xFFFFFFC0, v57  }
0x3b: {  	v3 =	vor.u32 v3, v4  }
0x3c: {  	v4 =	vperm.xlane v3, v0;
	_ =	sdelay $0x1  }
0x3d: {  	v4 =	vadd.s32 v1, v4;
	_ =	sdelay $0x4  }
0x3e: {  	[hbm4b:s3+s2] =	stream.indirect_vreg.scatter [tilespmem:s25], [sflag:$0x1], $0x80, v4, vm0, $0xb8;
	[tilespmem:$0x10100] =	vst v63  }
0x3f: {  	v3 =	vperm.xlane v3, v2  }
0x40: {  	[hbm4b:s4+s2] =	stream.indirect_vreg.scatter [tilespmem:s26], [sflag:$0x1], $0x80, v4, vm0, $0xb8;
	[tilespmem:$0x10100] =	vst v63  }
0x41: {  	v3 =	vadd.s32 v1, v3  }
0x42: {  	[hbm4b:s5+s2] =	stream.indirect_vreg.scatter [tilespmem:s28], [sflag:$0x1], $0x80, v4, vm0, $0xb8;
	[tilespmem:$0x10100] =	vst v63  }
0x43: {  	_ = 	snop  }
0x44: {  	[hbm4b:s6+s2] =	stream.indirect_vreg.scatter [tilespmem:s29], [sflag:$0x1], $0x80, v4, vm0, $0xb8;
	[tilespmem:$0x10100] =	vst v63  }
0x45: {  	_ = 	snop  }
0x46: {  	[hbm4b:s3+s2] =	stream.indirect_vreg.scatter [tilespmem:s30], [sflag:$0x1], $0x80, v3, vm0, $0xb8;
	[tilespmem:$0x10100] =	vst v63  }
0x47: {  	_ = 	snop  }
0x48: {  	[hbm4b:s4+s2] =	stream.indirect_vreg.scatter [tilespmem:s31], [sflag:$0x1], $0x80, v3, vm0, $0xb8;
	[tilespmem:$0x10100] =	vst v63  }
0x49: {  	s0 =	simm.s32 $0x7000  }
0x4a: {  	[hbm4b:s5+s2] =	stream.indirect_vreg.scatter [tilespmem:s0], [sflag:$0x1], $0x80, v3, vm0, $0xb8;
	[tilespmem:$0x10100] =	vst v63  }
0x4b: {  	_ = 	snop  }
0x4c: {  	[hbm4b:s6+s2] =	stream.indirect_vreg.scatter [tilespmem:s1], [sflag:$0x1], $0x80, v3, vm0, $0xb8;
	[tilespmem:$0x10100] =	vst v63  }
0x4d: {  	v3 =	vld [tilespmem:$0x10020];
	_ =	sdelay $0x4  }
0x4e: {  	v58 =	vshll.u32 v3, $0x3  }
0x4f: {  	v3 =	vand.u32 $0x7, v3;
	v4 =	vand.u32 $0xFFFFFFC0, v58  }
0x50: {  	v3 =	vor.u32 v3, v4  }
0x51: {  	v4 =	vperm.xlane v3, v0;
	_ =	sdelay $0x1  }
0x52: {  	v4 =	vadd.s32 v1, v4;
	_ =	sdelay $0x4  }
0x53: {  	[hbm4b:s3+s2] =	stream.indirect_vreg.scatter [tilespmem:s9], [sflag:$0x1], $0x80, v4, vm0, $0xb8;
	[tilespmem:$0x10100] =	vst v63  }
0x54: {  	v3 =	vperm.xlane v3, v2  }
0x55: {  	[hbm4b:s4+s2] =	stream.indirect_vreg.scatter [tilespmem:s10], [sflag:$0x1], $0x80, v4, vm0, $0xb8;
	[tilespmem:$0x10100] =	vst v63  }
0x56: {  	v3 =	vadd.s32 v1, v3  }
0x57: {  	[hbm4b:s5+s2] =	stream.indirect_vreg.scatter [tilespmem:s11], [sflag:$0x1], $0x80, v4, vm0, $0xb8;
	[tilespmem:$0x10100] =	vst v63  }
0x58: {  	_ = 	snop  }
0x59: {  	[hbm4b:s6+s2] =	stream.indirect_vreg.scatter [tilespmem:s12], [sflag:$0x1], $0x80, v4, vm0, $0xb8;
	[tilespmem:$0x10100] =	vst v63  }
0x5a: {  	_ = 	snop  }
0x5b: {  	[hbm4b:s3+s2] =	stream.indirect_vreg.scatter [tilespmem:s13], [sflag:$0x1], $0x80, v3, vm0, $0xb8;
	[tilespmem:$0x10100] =	vst v63  }
0x5c: {  	_ = 	snop  }
0x5d: {  	[hbm4b:s4+s2] =	stream.indirect_vreg.scatter [tilespmem:s14], [sflag:$0x1], $0x80, v3, vm0, $0xb8;
	[tilespmem:$0x10100] =	vst v63  }
0x5e: {  	_ = 	snop  }
0x5f: {  	[hbm4b:s5+s2] =	stream.indirect_vreg.scatter [tilespmem:s15], [sflag:$0x1], $0x80, v3, vm0, $0xb8;
	[tilespmem:$0x10100] =	vst v63  }
0x60: {  	_ = 	snop  }
0x61: {  	[hbm4b:s6+s2] =	stream.indirect_vreg.scatter [tilespmem:s16], [sflag:$0x1], $0x80, v3, vm0, $0xb8;
	[tilespmem:$0x10100] =	vst v63  }
0x62: {  	v3 =	vld [tilespmem:$0x10030];
	_ =	sdelay $0x4  }
0x63: {  	v59 =	vshll.u32 v3, $0x3  }
0x64: {  	v3 =	vand.u32 $0x7, v3;
	v4 =	vand.u32 $0xFFFFFFC0, v59  }
0x65: {  	v3 =	vor.u32 v3, v4  }
0x66: {  	v4 =	vperm.xlane v3, v0;
	_ =	sdelay $0x1  }
0x67: {  	v4 =	vadd.s32 v1, v4;
	_ =	sdelay $0x4  }
0x68: {  	[hbm4b:s3+s2] =	stream.indirect_vreg.scatter [tilespmem:s17], [sflag:$0x1], $0x80, v4, vm0, $0xb8;
	[tilespmem:$0x10100] =	vst v63  }
0x69: {  	s0 =	simm.s32 $0xC800;
	v3 =	vperm.xlane v3, v2  }
0x6a: {  	[hbm4b:s4+s2] =	stream.indirect_vreg.scatter [tilespmem:s0], [sflag:$0x1], $0x80, v4, vm0, $0xb8;
	[tilespmem:$0x10100] =	vst v63  }
0x6b: {  	v3 =	vadd.s32 v1, v3;
	s0 =	simm.s32 $0xD000  }
0x6c: {  	[hbm4b:s5+s2] =	stream.indirect_vreg.scatter [tilespmem:s0], [sflag:$0x1], $0x80, v4, vm0, $0xb8;
	[tilespmem:$0x10100] =	vst v63  }
0x6d: {  	s0 =	simm.s32 $0xD800  }
0x6e: {  	[hbm4b:s6+s2] =	stream.indirect_vreg.scatter [tilespmem:s0], [sflag:$0x1], $0x80, v4, vm0, $0xb8;
	[tilespmem:$0x10100] =	vst v63  }
0x6f: {  	s0 =	simm.s32 $0xE000  }
0x70: {  	[hbm4b:s3+s2] =	stream.indirect_vreg.scatter [tilespmem:s0], [sflag:$0x1], $0x80, v3, vm0, $0xb8;
	[tilespmem:$0x10100] =	vst v63  }
0x71: {  	s0 =	simm.s32 $0xE800  }
0x72: {  	[hbm4b:s4+s2] =	stream.indirect_vreg.scatter [tilespmem:s0], [sflag:$0x1], $0x80, v3, vm0, $0xb8;
	[tilespmem:$0x10100] =	vst v63  }
0x73: {  	s0 =	simm.s32 $0xF000  }
0x74: {  	[hbm4b:s5+s2] =	stream.indirect_vreg.scatter [tilespmem:s0], [sflag:$0x1], $0x80, v3, vm0, $0xb8;
	[tilespmem:$0x10100] =	vst v63  }
0x75: {  	s0 =	simm.s32 $0xF800  }
0x76: {  	[hbm4b:s6+s2] =	stream.indirect_vreg.scatter [tilespmem:s0], [sflag:$0x1], $0x80, v3, vm0, $0xb8;
	[tilespmem:$0x10100] =	vst v63  }
0x77: {  	v3 =	vld [tilespmem:$0x10080];
	_ =	sdelay $0x4  }
0x78: {  	v60 =	vshll.u32 v3, $0x3  }
0x79: {  	v3 =	vand.u32 $0x7, v3;
	v4 =	vand.u32 $0xFFFFFFC0, v60  }
0x7a: {  	v3 =	vor.u32 v3, v4  }
0x7b: {  	v4 =	vperm.xlane v3, v0;
	_ =	sdelay $0x1  }
0x7c: {  	v4 =	vadd.s32 v1, v4;
	_ =	sdelay $0x4  }
0x7d: {  	[hbm4b:s3+s2] =	stream.indirect_vreg.scatter [tilespmem:s2], [sflag:$0x2], $0x80, v4, vm0, $0xb8;
	[tilespmem:$0x10100] =	vst v63  }
0x7e: {  	v3 =	vperm.xlane v3, v2  }
0x7f: {  	[hbm4b:s4+s2] =	stream.indirect_vreg.scatter [tilespmem:s18], [sflag:$0x2], $0x80, v4, vm0, $0xb8;
	[tilespmem:$0x10100] =	vst v63  }
0x80: {  	v3 =	vadd.s32 v1, v3  }
0x81: {  	[hbm4b:s5+s2] =	stream.indirect_vreg.scatter [tilespmem:s19], [sflag:$0x2], $0x80, v4, vm0, $0xb8;
	[tilespmem:$0x10100] =	vst v63  }
0x82: {  	_ = 	snop  }
0x83: {  	[hbm4b:s6+s2] =	stream.indirect_vreg.scatter [tilespmem:s20], [sflag:$0x2], $0x80, v4, vm0, $0xb8;
	[tilespmem:$0x10100] =	vst v63  }
0x84: {  	_ = 	snop  }
0x85: {  	[hbm4b:s3+s2] =	stream.indirect_vreg.scatter [tilespmem:s21], [sflag:$0x2], $0x80, v3, vm0, $0xb8;
	[tilespmem:$0x10100] =	vst v63  }
0x86: {  	_ = 	snop  }
0x87: {  	[hbm4b:s4+s2] =	stream.indirect_vreg.scatter [tilespmem:s22], [sflag:$0x2], $0x80, v3, vm0, $0xb8;
	[tilespmem:$0x10100] =	vst v63  }
0x88: {  	_ = 	snop  }
0x89: {  	[hbm4b:s5+s2] =	stream.indirect_vreg.scatter [tilespmem:s23], [sflag:$0x2], $0x80, v3, vm0, $0xb8;
	[tilespmem:$0x10100] =	vst v63  }
0x8a: {  	_ = 	snop  }
0x8b: {  	[hbm4b:s6+s2] =	stream.indirect_vreg.scatter [tilespmem:s24], [sflag:$0x2], $0x80, v3, vm0, $0xb8;
	[tilespmem:$0x10100] =	vst v63  }
0x8c: {  	v3 =	vld [tilespmem:$0x10090];
	_ =	sdelay $0x4  }
0x8d: {  	v61 =	vshll.u32 v3, $0x3  }
0x8e: {  	v3 =	vand.u32 $0x7, v3;
	v4 =	vand.u32 $0xFFFFFFC0, v61  }
0x8f: {  	v3 =	vor.u32 v3, v4  }
0x90: {  	v4 =	vperm.xlane v3, v0;
	_ =	sdelay $0x1  }
0x91: {  	v4 =	vadd.s32 v1, v4;
	_ =	sdelay $0x4  }
0x92: {  	[hbm4b:s3+s2] =	stream.indirect_vreg.scatter [tilespmem:s25], [sflag:$0x2], $0x80, v4, vm0, $0xb8;
	[tilespmem:$0x10100] =	vst v63  }
0x93: {  	v3 =	vperm.xlane v3, v2  }
0x94: {  	[hbm4b:s4+s2] =	stream.indirect_vreg.scatter [tilespmem:s26], [sflag:$0x2], $0x80, v4, vm0, $0xb8;
	[tilespmem:$0x10100] =	vst v63  }
0x95: {  	v3 =	vadd.s32 v1, v3  }
0x96: {  	[hbm4b:s5+s2] =	stream.indirect_vreg.scatter [tilespmem:s28], [sflag:$0x2], $0x80, v4, vm0, $0xb8;
	[tilespmem:$0x10100] =	vst v63  }
0x97: {  	_ = 	snop  }
0x98: {  	[hbm4b:s6+s2] =	stream.indirect_vreg.scatter [tilespmem:s29], [sflag:$0x2], $0x80, v4, vm0, $0xb8;
	[tilespmem:$0x10100] =	vst v63  }
0x99: {  	_ = 	snop  }
0x9a: {  	[hbm4b:s3+s2] =	stream.indirect_vreg.scatter [tilespmem:s30], [sflag:$0x2], $0x80, v3, vm0, $0xb8;
	[tilespmem:$0x10100] =	vst v63  }
0x9b: {  	_ = 	snop  }
0x9c: {  	[hbm4b:s4+s2] =	stream.indirect_vreg.scatter [tilespmem:s31], [sflag:$0x2], $0x80, v3, vm0, $0xb8;
	[tilespmem:$0x10100] =	vst v63  }
0x9d: {  	s18 =	simm.s32 $0x7000  }
0x9e: {  	[hbm4b:s5+s2] =	stream.indirect_vreg.scatter [tilespmem:s18], [sflag:$0x2], $0x80, v3, vm0, $0xb8;
	[tilespmem:$0x10100] =	vst v63  }
0x9f: {  	_ = 	snop  }
0xa0: {  	[hbm4b:s6+s2] =	stream.indirect_vreg.scatter [tilespmem:s1], [sflag:$0x2], $0x80, v3, vm0, $0xb8;
	[tilespmem:$0x10100] =	vst v63  }
0xa1: {  	v3 =	vld [tilespmem:$0x100A0];
	_ =	sdelay $0x4  }
0xa2: {  	v62 =	vshll.u32 v3, $0x3  }
0xa3: {  	v3 =	vand.u32 $0x7, v3;
	v4 =	vand.u32 $0xFFFFFFC0, v62  }
0xa4: {  	v3 =	vor.u32 v3, v4  }
0xa5: {  	v4 =	vperm.xlane v3, v0;
	_ =	sdelay $0x1  }
0xa6: {  	v4 =	vadd.s32 v1, v4;
	_ =	sdelay $0x4  }
0xa7: {  	[hbm4b:s3+s2] =	stream.indirect_vreg.scatter [tilespmem:s9], [sflag:$0x2], $0x80, v4, vm0, $0xb8;
	[tilespmem:$0x10100] =	vst v63  }
0xa8: {  	v3 =	vperm.xlane v3, v2  }
0xa9: {  	[hbm4b:s4+s2] =	stream.indirect_vreg.scatter [tilespmem:s10], [sflag:$0x2], $0x80, v4, vm0, $0xb8;
	[tilespmem:$0x10100] =	vst v63  }
0xaa: {  	v3 =	vadd.s32 v1, v3  }
0xab: {  	[hbm4b:s5+s2] =	stream.indirect_vreg.scatter [tilespmem:s11], [sflag:$0x2], $0x80, v4, vm0, $0xb8;
	[tilespmem:$0x10100] =	vst v63  }
0xac: {  	_ = 	snop  }
0xad: {  	[hbm4b:s6+s2] =	stream.indirect_vreg.scatter [tilespmem:s12], [sflag:$0x2], $0x80, v4, vm0, $0xb8;
	[tilespmem:$0x10100] =	vst v63  }
0xae: {  	_ = 	snop  }
0xaf: {  	[hbm4b:s3+s2] =	stream.indirect_vreg.scatter [tilespmem:s13], [sflag:$0x2], $0x80, v3, vm0, $0xb8;
	[tilespmem:$0x10100] =	vst v63  }
0xb0: {  	_ = 	snop  }
0xb1: {  	[hbm4b:s4+s2] =	stream.indirect_vreg.scatter [tilespmem:s14], [sflag:$0x2], $0x80, v3, vm0, $0xb8;
	[tilespmem:$0x10100] =	vst v63  }
0xb2: {  	_ = 	snop  }
0xb3: {  	[hbm4b:s5+s2] =	stream.indirect_vreg.scatter [tilespmem:s15], [sflag:$0x2], $0x80, v3, vm0, $0xb8;
	[tilespmem:$0x10100] =	vst v63  }
0xb4: {  	_ = 	snop  }
0xb5: {  	[hbm4b:s6+s2] =	stream.indirect_vreg.scatter [tilespmem:s16], [sflag:$0x2], $0x80, v3, vm0, $0xb8;
	[tilespmem:$0x10100] =	vst v63  }
0xb6: {  	v3 =	vld [tilespmem:$0x100B0];
	_ =	sdelay $0x4  }
0xb7: {  	v63 =	vshll.u32 v3, $0x3  }
0xb8: {  	v3 =	vand.u32 $0x7, v3;
	v4 =	vand.u32 $0xFFFFFFC0, v63  }
0xb9: {  	v3 =	vor.u32 v3, v4  }
0xba: {  	v4 =	vperm.xlane v3, v0;
	_ =	sdelay $0x1  }
0xbb: {  	v4 =	vadd.s32 v1, v4;
	_ =	sdelay $0x4  }
0xbc: {  	[hbm4b:s3+s2] =	stream.indirect_vreg.scatter [tilespmem:s17], [sflag:$0x2], $0x80, v4, vm0, $0xb8;
	[tilespmem:$0x10100] =	vst v63  }
0xbd: {  	s19 =	simm.s32 $0xC800;
	v3 =	vperm.xlane v3, v2  }
0xbe: {  	[hbm4b:s4+s2] =	stream.indirect_vreg.scatter [tilespmem:s19], [sflag:$0x2], $0x80, v4, vm0, $0xb8;
	[tilespmem:$0x10100] =	vst v63  }
0xbf: {  	s18 =	simm.s32 $0xD000;
	v3 =	vadd.s32 v1, v3  }
0xc0: {  	[hbm4b:s5+s2] =	stream.indirect_vreg.scatter [tilespmem:s18], [sflag:$0x2], $0x80, v4, vm0, $0xb8;
	[tilespmem:$0x10100] =	vst v63  }
0xc1: {  	s19 =	simm.s32 $0xD800  }
0xc2: {  	[hbm4b:s6+s2] =	stream.indirect_vreg.scatter [tilespmem:s19], [sflag:$0x2], $0x80, v4, vm0, $0xb8;
	[tilespmem:$0x10100] =	vst v63  }
0xc3: {  	s18 =	simm.s32 $0xE000  }
0xc4: {  	[hbm4b:s3+s2] =	stream.indirect_vreg.scatter [tilespmem:s18], [sflag:$0x2], $0x80, v3, vm0, $0xb8;
	[tilespmem:$0x10100] =	vst v63  }
0xc5: {  	s19 =	simm.s32 $0xE800  }
0xc6: {  	[hbm4b:s4+s2] =	stream.indirect_vreg.scatter [tilespmem:s19], [sflag:$0x2], $0x80, v3, vm0, $0xb8;
	[tilespmem:$0x10100] =	vst v63  }
0xc7: {  	s18 =	simm.s32 $0xF000  }
0xc8: {  	[hbm4b:s5+s2] =	stream.indirect_vreg.scatter [tilespmem:s18], [sflag:$0x2], $0x80, v3, vm0, $0xb8;
	[tilespmem:$0x10100] =	vst v63  }
0xc9: {  	s19 =	simm.s32 $0xF800;
	s18 =	simm.s32 $0x1  }
0xca: {  	[hbm4b:s6+s2] =	stream.indirect_vreg.scatter [tilespmem:s19], [sflag:$0x2], $0x80, v3, vm0, $0xb8;
	[tilespmem:$0x10100] =	vst v63  }
0xcb: {  	p0 =	sne.s32 s7, $0x1;
	_ =	swait.ge [sflag:s18], $0x10000  }
.Ltmp0:
0xcc: {  	[sflag:s18] =	ssyncset.done $0x0;
	(pc) =	sbr.rel @p0 .LBB2_1-.Ltmp0, $4  }
0xcd: {  	s19 =	simm.s32 $0x2;
	[sflag:s18] =	ssyncadd.s32 $0xFFFF0000  }
0xce: {  	_ =	swait.ge [sflag:s19], $0x10000  }
0xcf: {  	[sflag:s19] =	ssyncset.done $0x0  }
0xd0: {  	s7 =	sadd.s32 $0xFFFFFFFF, s7;
	[sflag:s19] =	ssyncadd.s32 $0xFFFF0000  }
0xd1: {  	_ =	sfence.sel $0x180000  }
0xd2: {  	[bflag:$0x0] =	sbarrier.arrive $0xFFFF  }
0xd3: {  	_ =	strace $0x90000047  }
0xd4: {  	s0 =	stileid.u32;
	[bflag:$0x2] =	sbarrier.arrive $0xFFFF  }
0xd5: {  	p0 =	sne.s32 s0, $0x0;
	s0 =	rddreg [dreg:$0x3]  }
0xd6: {  	s0 =	sadd.s32 @!p0 $0x100000, s0  }
0xd7: {  	[sflag:s0] =	ssyncadd.tile.s32 @!p0 $0x1;
	_ =	shalt  }
.Lfunc_end2:
_tile_overlayer_lowered:
.L_overlay_start_2:
0xd8: {  	(tag) =	ssettag $0x2  }
0xd9: {  	s0 =	rddreg [dreg:$0x0];
	s2 =	stileid.u32  }
0xda: {  	s1 =	rddreg [dreg:$0x1];
	p0 =	sne.s32 s2, $0x0  }
0xdb: {  	s3 =	rddreg [dreg:$0x2];
	[bflag:$0x3] =	sbarrier.arrive $0xFFFF;
	s2 =	simm.s32 @!p0 $0x1C03  }
0xdc: {  	[timem:s3], [sflag:s2] =	dma.local @!p0 [hbm:s0], s1  }
0xdd: {  	s0 =	simm.s32 @!p0 $0x3  }
0xde: {  	_ =	swait.ge @!p0 [sflag:s0], s1  }
0xdf: {  	s1 =	ssub.s32 @!p0 $0x0, s1;
	[sflag:s0] =	ssyncset.done @!p0 $0x0  }
0xe0: {  	[sflag:s0] =	ssyncadd.s32 @!p0 s1  }
0xe1: {  	[bflag:$0x3] =	sbarrier.arrive $0xFFFF  }
0xe2: {  	_ =	shalt  }

// kernel: kernel.9.cloned.1.call-start
scs
__scs_entry_jumppad:
0x0: {  	(pc) =	sbr.rel $0x88, $3  }
0x1: {  	(tag) =	ssettag $0x0;
	lr =	simm.s32 $0x1  }
0x2: {  	[smem:$0x3F9D] =	sst lr;
	_ =	strace $0xD0000000  }
0x3: {  	_ = 	snop  }
0x4: {  	_ = 	snop  }
0x5: {  	_ = 	snop  }
0x6: {  	_ = 	snop  }
0x7: {  	_ = 	snop  }
__scs_overlays_trampoline_lowered:
0x8: {  	[smem:$0x3FAC] =	sst s0  }
0x9: {  	[smem:$0x3FAD] =	sst s1  }
0xa: {  	[smem:$0x3FAE] =	sst s2  }
0xb: {  	[smem:$0x3FAF] =	sst s3  }
0xc: {  	[smem:$0x3FB0] =	sst s4  }
0xd: {  	[smem:$0x3FB1] =	sst s5  }
0xe: {  	[smem:$0x3FB2] =	sst s6  }
0xf: {  	[smem:$0x3FB3] =	sst s7  }
0x10: {  	[smem:$0x3FB4] =	sst s8  }
0x11: {  	[smem:$0x3FB5] =	sst s9;
	s0 =	simm.s32 @!p0 $0x0  }
0x12: {  	s1 =	sld [smem:$0x3F9B];
	s0 =	simm.s32 @p0 $0x1  }
0x13: {  	[smem:$0x3FB6] =	sst s0;
	s0 =	simm.s32 @!p1 $0x0  }
0x14: {  	s2 =	sld [smem:$0x3F9A];
	s0 =	simm.s32 @p1 $0x1  }
0x15: {  	[smem:$0x3FB7] =	sst s0;
	s0 =	simm.s32 @!p2 $0x0  }
0x16: {  	s3 =	sld [smem:$0x3FDB];
	s0 =	simm.s32 @p2 $0x1  }
0x17: {  	s4 =	simm.s32 $0x1BF5;
	[smem:$0x3FB9] =	sst s0  }
0x18: {  	s0 =	sld [smem:$0x3F9C];
	_ =	swait.ge [sflag:s4], $0x0  }
0x19: {  	s7 =	sld [smem:$0x3F9D]  }
0x1a: {  	s8 =	sadd.s32 $0xFFFFE003, lr  }
0x1b: {  	s9 =	sadd.s32 $0xFFFFFEF7, lr;
	s5 =	simm.s32 $0xFFFFFFFF;
	p2 =	slt.u32 s8, $0xFFFFF086  }
0x1c: {  	p1 =	slt.u32 s9, $0xF7A;
	s5 =	simm.s32 @!p2 $0x0  }
0x1d: {  	s5 =	simm.s32 @p1 $0x1;
	p0 =	seq.s32 s7, s2  }
0x1e: {  	s7 =	smul.u32 @!p0 $0xF7A, s2;
	p2 =	seq.s32 @!p0 s5, $0x0  }
0x1f: {  	s9 =	smul.u32 $0xF7A, s1;
	s8 =	simm.s32 @!p0 $0x1BF5;
	p2 =	por !p2, p0  }
0x20: {  	[sflag:s8] =	ssyncset.s32 @!p0 $0xFFFFF086;
	s6 =	sadd.s32 @!p0 s3, s7;
	s7 =	simm.s32 @!p0 $0x108  }
0x21: {  	s3 =	sadd.s32 s3, s9;
	s6 =	sadd.s32 @!p0 $0x88, s6;
	s7 =	simm.s32 @p2 $0x1082  }
0x22: {  	[simem:s7], [sflag:s8] =	dma.local @!p0 [hbm:s6], $0xF7A  }
0x23: {  	s9 =	sor.u32 $0xD0000000, s2;
	s6 =	simm.s32 $0x108;
	_ =	swait.ge @!p0 [sflag:s8], $0x0  }
0x24: {  	s3 =	sadd.s32 $0x88, s3;
	s6 =	simm.s32 @!p1 $0x1082;
	[sflag:s4] =	ssyncset.s32 $0xFFFFF086  }
0x25: {  	[simem:s6], [sflag:s4] =	dma.local [hbm:s3], $0xF7A  }
0x26: {  	[smem:$0x3F9D] =	sst s1;
	(tag) =	ssettag s2;
	_ =	strace s9  }
0x27: {  	s1 =	sld [smem:$0x3FAD]  }
0x28: {  	s2 =	sld [smem:$0x3FAE]  }
0x29: {  	s4 =	sld [smem:$0x3FB0]  }
0x2a: {  	p0 =	seq.s32 s5, $0x0;
	s5 =	sld [smem:$0x3FB1]  }
0x2b: {  	s6 =	sld [smem:$0x3FB2]  }
0x2c: {  	s7 =	sld [smem:$0x3FB3]  }
0x2d: {  	s3 =	simm.s32 $0x108;
	s8 =	sld [smem:$0x3FB4]  }
0x2e: {  	s3 =	simm.s32 @!p0 $0x1082;
	s9 =	sld [smem:$0x3FB5]  }
0x2f: {  	lr =	sadd.s32 s0, s3;
	s0 =	sld [smem:$0x3FAC]  }
0x30: {  	s3 =	sld [smem:$0x3FAF]  }
0x31: {  	[smem:$0x3FB8] =	sst s10  }
0x32: {  	s10 =	sld [smem:$0x3FB6];
	_ =	sdelay $0x3  }
0x33: {  	p0 =	seq.s32 s10, $0x1;
	s10 =	sld [smem:$0x3FB8];
	_ =	sdelay $0x3  }
0x34: {  	[smem:$0x3FB8] =	sst s10  }
0x35: {  	s10 =	sld [smem:$0x3FB7];
	_ =	sdelay $0x3  }
0x36: {  	p1 =	seq.s32 s10, $0x1;
	s10 =	sld [smem:$0x3FB8];
	_ =	sdelay $0x3  }
0x37: {  	[smem:$0x3FB8] =	sst s10  }
0x38: {  	s10 =	sld [smem:$0x3FB9]  }
0x39: {  	_ = 	snop;
	(pc) =	sbr.ind lr, $3  }
0x3a: {  	_ = 	snop  }
0x3b: {  	_ = 	snop  }
0x3c: {  	p2 =	seq.s32 s10, $0x1;
	s10 =	sld [smem:$0x3FB8]  }
0x3d: {  	_ =	shalt  }
0x3e: {  	_ =	shalt  }
0x3f: {  	_ =	shalt  }
0x40: {  	_ =	shalt  }
0x41: {  	_ =	shalt  }
0x42: {  	_ =	shalt  }
0x43: {  	_ =	shalt  }
0x44: {  	_ =	shalt  }
0x45: {  	_ =	shalt  }
0x46: {  	_ =	shalt  }
0x47: {  	_ =	shalt  }
0x48: {  	_ =	shalt  }
0x49: {  	_ =	shalt  }
0x4a: {  	_ =	shalt  }
0x4b: {  	_ =	shalt  }
0x4c: {  	_ =	shalt  }
0x4d: {  	_ =	shalt  }
0x4e: {  	_ =	shalt  }
0x4f: {  	_ =	shalt  }
0x50: {  	_ =	shalt  }
0x51: {  	_ =	shalt  }
0x52: {  	_ =	shalt  }
0x53: {  	_ =	shalt  }
0x54: {  	_ =	shalt  }
0x55: {  	_ =	shalt  }
0x56: {  	_ =	shalt  }
0x57: {  	_ =	shalt  }
0x58: {  	_ =	shalt  }
0x59: {  	_ =	shalt  }
0x5a: {  	_ =	shalt  }
0x5b: {  	_ =	shalt  }
0x5c: {  	_ =	shalt  }
0x5d: {  	_ =	shalt  }
0x5e: {  	_ =	shalt  }
0x5f: {  	_ =	shalt  }
0x60: {  	_ =	shalt  }
0x61: {  	_ =	shalt  }
0x62: {  	_ =	shalt  }
0x63: {  	_ =	shalt  }
0x64: {  	_ =	shalt  }
0x65: {  	_ =	shalt  }
0x66: {  	_ =	shalt  }
0x67: {  	_ =	shalt  }
0x68: {  	_ =	shalt  }
0x69: {  	_ =	shalt  }
0x6a: {  	_ =	shalt  }
0x6b: {  	_ =	shalt  }
0x6c: {  	_ =	shalt  }
0x6d: {  	_ =	shalt  }
0x6e: {  	_ =	shalt  }
0x6f: {  	_ =	shalt  }
0x70: {  	_ =	shalt  }
0x71: {  	_ =	shalt  }
0x72: {  	_ =	shalt  }
0x73: {  	_ =	shalt  }
0x74: {  	_ =	shalt  }
0x75: {  	_ =	shalt  }
0x76: {  	_ =	shalt  }
0x77: {  	_ =	shalt  }
0x78: {  	_ =	shalt  }
0x79: {  	_ =	shalt  }
0x7a: {  	_ =	shalt  }
0x7b: {  	_ =	shalt  }
0x7c: {  	_ =	shalt  }
0x7d: {  	_ =	shalt  }
0x7e: {  	_ =	shalt  }
0x7f: {  	_ =	shalt  }
0x80: {  	_ =	shalt  }
0x81: {  	_ =	shalt  }
0x82: {  	_ =	shalt  }
0x83: {  	_ =	shalt  }
0x84: {  	_ =	shalt  }
0x85: {  	_ =	shalt  }
0x86: {  	_ =	shalt  }
0x87: {  	_ =	shalt  }
.Lfunc_end0:
.L_simem_size_0:
called_computation.1_lowered:
.L_overlay_start_0:
0x88: {  	s2 =	sld [smem:$0x3FD9]  }
0x89: {  	s3 =	sld [smem:$0x3FFE];
	_ =	sdelay $0x1  }
0x8a: {  	s1 =	srdreg.scid  }
0x8b: {  	s0 =	sand.u32 $0x1, s1  }
0x8c: {  	s17 =	sshll.u32 s0, $0xA;
	s2 =	sadd.s32 s3, s2  }
0x8d: {  	s2 =	sadd.s32 s2, s17  }
0x8e: {  	[smem:$0x3FC4] =	sst s2  }
0x8f: {  	_ = 	snop  }
0x90: {  	s2 =	sld [smem:$0x3FD0];
	(tm) =	ssettm $0x1  }
0x91: {  	s18 =	sld [smem:$0x3FFB];
	_ =	sdelay $0x3  }
0x92: {  	_ =	strace s18  }
0x93: {  	s3 =	sld [smem:$0x3FFC];
	_ =	sdelay $0x3  }
0x94: {  	_ =	strace s3  }
0x95: {  	s3 =	sld [smem:$0x3FFD];
	_ =	sdelay $0x3  }
0x96: {  	_ =	strace s3  }
0x97: {  	_ =	strace $0x8FFFFFFF  }
0x98: {  	s19 =	sld [smem:$0x3FDB];
	_ =	sdelay $0x1  }
0x99: {  	s4 =	simm.s32 $_scs_section_size  }
0x9a: {  	s5 =	simm.s32 $_size__tile_overlayer_lowered;
	s6 =	simm.s32 $_tile_overlayer_lowered  }
0x9b: {  	s22 =	simm.s32 $0x1BFF;
	s21 =	sshll.u32 s6, $0x1;
	s3 =	sadd.s32 s4, s19  }
0x9c: {  	s7 =	simm.s32 $0x0;
	s20 =	sshll.u32 s5, $0x1;
	s5 =	sadd.s32 s21, s3  }
0x9d: {  	[timem:s7], [sflag:s22] =	dma.local [hbm:s5], s20  }
0x9e: {  	_ =	swait.ge [sflag:s22], s20  }
0x9f: {  	s4 =	ssub.s32 $0x0, s20;
	[sflag:s22] =	ssyncset.done $0x0  }
0xa0: {  	[sflag:s22] =	ssyncadd.s32 s4;
	_ =	sdelay $0x1  }
0xa1: {  	s23 =	simm.s32 $0x1B8B  }
0xa2: {  	_ =	swait.ge [sflag:s23], $0x1  }
0xa3: {  	[sflag:s23] =	ssyncset.done $0x0  }
0xa4: {  	s25 =	simm.s32 $0x1B8E;
	s24 =	sld [smem:$0x3FFE];
	[sflag:s23] =	ssyncadd.s32 $0xFFFFFFFF  }
0xa5: {  	s26 =	simm.s32 $execute0_lowered;
	[smem:$0x3FD2] =	sst s25  }
0xa6: {  	s5 =	sshll.u32 s26, $0x1;
	_ =	strace $0x80000049;
	[dreg:$0x1] =	wrdreg $0xFFFFFFFF  }
0xa7: {  	s28 =	simm.s32 $_size_execute0_lowered;
	s3 =	sadd.s32 s3, s5;
	[dreg:$0x0] =	wrdreg $0x0  }
0xa8: {  	s5 =	sshll.u32 s28, $0x1;
	[dreg:$0x2] =	wrdreg s3  }
0xa9: {  	[dreg:$0x3] =	wrdreg s5  }
0xaa: {  	[dreg:$0x4] =	wrdreg $0xC0  }
0xab: {  	_ =	task [dreg:s7], $0x5FFFF  }
0xac: {  	[dreg:$0x1] =	wrdreg $0xFFFFFFFF  }
0xad: {  	[dreg:$0x0] =	wrdreg $0x60  }
0xae: {  	[dreg:$0x2] =	wrdreg s24  }
0xaf: {  	[dreg:$0x3] =	wrdreg s2  }
0xb0: {  	[dreg:$0x4] =	wrdreg $0x9  }
0xb1: {  	_ =	task.clear_ibuf [dreg:s7], $0x5FFFF;
	_ =	strace $0x90000049  }
0xb2: {  	s29 =	simm.s32 $0x9;
	_ =	strace $0x8000004B  }
0xb3: {  	_ =	swait.ge [sflag:s29], $0x1  }
0xb4: {  	[sflag:s29] =	ssyncadd.s32 $0xFFFFFFFF  }
0xb5: {  	_ =	strace $0x9000004B  }
0xb6: {  	_ =	sfence  }
0xb7: {  	s30 =	sld [smem:$0x0];
	_ =	sdelay $0x2  }
0xb8: {  	s31 =	sshll.u32 s1, $0xD;
	s1 =	sshrl.u32 s1, $0x2  }
0xb9: {  	s3 =	sand.u32 $0x4000, s31;
	s1 =	sadd.s32 s1, s30  }
0xba: {  	s0 =	sor.u32 s3, s0;
	s1 =	sshll.u32 s1, $0x11  }
0xbb: {  	s0 =	sor.u32 s1, s0  }
0xbc: {  	s0 =	sadd.s32 $0x8F2B, s0  }
0xbd: {  	[sflag:s0] =	ssyncadd.remote.s32 $0x1  }
0xbe: {  	_ =	sfence.sel $0xFFFF  }
0xbf: {  	[dreg:$0x0] =	wrdreg $0xFFFFFFFF;
	(pc) =	sbr.abs _section_cstart, $3  }
0xc0: {  	[dreg:$0x1] =	wrdreg $0xFFFFFFFF  }
0xc1: {  	_ =	task.clear_ibuf [dreg:s7], $0x2FFFF;
	_ =	strace $0x9FFFFFFF  }
0xc2: {  	(tm) =	ssettm $0x7FFFFFFF  }
0xc3: {  	_ =	shalt  }
tec
execute0_lowered:
.L_overlay_start_1:
0x0: {  	(tag) =	ssettag $0x1  }
0x1: {  	s0 =	rddreg [dreg:$0x0];
	s1 =	simm.s32 $0x0;
	s24 =	srdreg.scid  }
0x2: {  	s9 =	stileid.u32;
	s21 =	simm.s32 $0xB000;
	s22 =	simm.s32 $0xB800  }
0x3: {  	s23 =	simm.s32 $0xC000;
	s28 =	simm.s32 $0xE000;
	s29 =	simm.s32 $0xE800  }
0x4: {  	s30 =	simm.s32 $0xF000;
	s31 =	simm.s32 $0xF800;
	[smem:$0x7FF] =	sst s1  }
0x5: {  	s16 =	simm.s32 $0x3;
	s3 =	sadd.s32 $0x101400, s0;
	s4 =	sadd.s32 $0x100400, s0  }
0x6: {  	s1 =	sand.u32 $0x1, s24;
	s6 =	sadd.s32 $0x100800, s0;
	s7 =	sadd.s32 $0x100C00, s0  }
0x7: {  	s8 =	sadd.s32 $0x101000, s0;
	s25 =	sshll.u32 s9, $0x2;
	s11 =	sadd.s32 $0x101500, s0  }
0x8: {  	s10 =	sshll.u32 s9, $0x6;
	s12 =	sadd.s32 $0x101600, s0;
	s13 =	sadd.s32 $0x101700, s0  }
0x9: {  	v2 =	vlaneseq.u32;
	s24 =	simm.s32 $0xC800;
	s0 =	simm.s32 $0x1;
	s2 =	ssub.s32 $0x2, s1  }
0xa: {  	v0 =	vand.u32 $0x7, v2;
	v1 =	vshrl.u32 v2, $0x3;
	_ =	strace $0x8000004A;
	s1 =	sshll.u32 s1, $0x1;
	s5 =	sshrl.u32 s2, $0x1  }
0xb: {  	v63 =	vor.u32 $0x8, v2;
	s10 =	sand.u32 $0x380, s10;
	[tilespmem:$0x1FFD0] =	vst v0;
	v62 =	vmul.u32 $0x8, v1;
	s9 =	sor.u32 s1, s25;
	s2 =	ssub.s32 s2, s5  }
0xc: {  	[tilespmem:$0x1FFF0] =	vst v63;
	s25 =	simm.s32 $0xD000;
	s5 =	simm.s32 $0x2;
	s26 =	smax.u32 s2, $0x1  }
0xd: {  	vm0 =	vmmov $0xffff;
	[tilespmem:$0x1FFE0] =	vst v62;
	s2 =	simm.s32 $0x0;
	[dreg:$0x3] =	wrdreg s26;
	s26 =	simm.s32 $0xD800  }
.LBB2_1:
0xe: {  	[dreg:$0x4] =	wrdreg s2;
	p1 =	por $0x1, $0x1;
	s1 =	simm.s32 $0x0  }
.LBB2_2:
0xf: {  	s14 =	sor.u32 s9, s1  }
0x10: {  	s1 =	sshll.u32 s14, $0x4  }
0x11: {  	s1 =	sand.u32 $0x70, s1  }
0x12: {  	s1 =	sor.u32 s10, s1  }
0x13: {  	s2 =	simm.s32 $0x0;
	s17 =	simm.s32 $0x10000;
	s15 =	sadd.s32 s4, s1  }
0x14: {  	[tilespmem:s17], [sflag:$0x3] =	stream.linear.gather [hbm4b:s15+s2], $0x80, $0x38;
	[tilespmem:$0x10200] =	vst v63  }
0x15: {  	_ =	swait.ge [sflag:s16], $0x80  }
0x16: {  	[sflag:s16] =	ssyncset.done $0x0  }
0x17: {  	s20 =	simm.s32 $0x10080;
	s19 =	sadd.s32 s6, s1;
	[sflag:s16] =	ssyncadd.s32 $0xFFFFFF80  }
0x18: {  	[tilespmem:s20], [sflag:$0x3] =	stream.linear.gather [hbm4b:s19+s2], $0x80, $0x38;
	[tilespmem:$0x10200] =	vst v63  }
0x19: {  	_ =	swait.ge [sflag:s16], $0x80  }
0x1a: {  	[sflag:s16] =	ssyncset.done $0x0  }
0x1b: {  	s18 =	simm.s32 $0x10100;
	s17 =	sadd.s32 s7, s1;
	[sflag:s16] =	ssyncadd.s32 $0xFFFFFF80  }
0x1c: {  	[tilespmem:s18], [sflag:$0x3] =	stream.linear.gather [hbm4b:s17+s2], $0x80, $0x38;
	[tilespmem:$0x10200] =	vst v63  }
0x1d: {  	_ =	swait.ge [sflag:s16], $0x80  }
0x1e: {  	[sflag:s16] =	ssyncset.done $0x0  }
0x1f: {  	s1 =	sadd.s32 s8, s1;
	s19 =	simm.s32 $0x10180;
	[sflag:s16] =	ssyncadd.s32 $0xFFFFFF80  }
0x20: {  	[tilespmem:s19], [sflag:$0x3] =	stream.linear.gather [hbm4b:s1+s2], $0x80, $0x38;
	[tilespmem:$0x10200] =	vst v63  }
0x21: {  	_ =	swait.ge [sflag:s16], $0x80  }
0x22: {  	[sflag:s16] =	ssyncset.done $0x0  }
0x23: {  	[sflag:s16] =	ssyncadd.s32 $0xFFFFFF80  }
0x24: {  	v3 =	vld [tilespmem:$0x10000];
	_ =	sdelay $0x2  }
0x25: {  	v0 =	vld [tilespmem:$0x1FFD0];
	_ =	sdelay $0x1  }
0x26: {  	v1 =	vld [tilespmem:$0x1FFE0];
	v4 =	vshll.u32 v3, $0x3  }
0x27: {  	v3 =	vand.u32 $0x7, v3;
	v4 =	vand.u32 $0xFFFFFFC0, v4  }
0x28: {  	v3 =	vor.u32 v3, v4  }
0x29: {  	v4 =	vperm.xlane v3, v0;
	_ =	sdelay $0x1  }
0x2a: {  	v4 =	vadd.s32 v1, v4  }
0x2b: {  	v2 =	vld [tilespmem:$0x1FFF0];
	_ =	sdelay $0x3  }
0x2c: {  	[tilespmem:s2], [sflag:$0x1] =	stream.indirect_vreg.gather [hbm4b:s3+s2], $0x80, v4, vm0, $0xb8;
	[tilespmem:$0x10200] =	vst v63  }
0x2d: {  	s20 =	simm.s32 $0x800;
	v3 =	vperm.xlane v3, v2  }
0x2e: {  	[tilespmem:s20], [sflag:$0x1] =	stream.indirect_vreg.gather [hbm4b:s11+s2], $0x80, v4, vm0, $0xb8;
	[tilespmem:$0x10200] =	vst v63  }
0x2f: {  	s15 =	simm.s32 $0x1000;
	v3 =	vadd.s32 v1, v3  }
0x30: {  	[tilespmem:s15], [sflag:$0x1] =	stream.indirect_vreg.gather [hbm4b:s12+s2], $0x80, v4, vm0, $0xb8;
	[tilespmem:$0x10200] =	vst v63  }
0x31: {  	s17 =	simm.s32 $0x1800  }
0x32: {  	[tilespmem:s17], [sflag:$0x1] =	stream.indirect_vreg.gather [hbm4b:s13+s2], $0x80, v4, vm0, $0xb8;
	[tilespmem:$0x10200] =	vst v63  }
0x33: {  	s18 =	simm.s32 $0x2000  }
0x34: {  	[tilespmem:s18], [sflag:$0x1] =	stream.indirect_vreg.gather [hbm4b:s3+s2], $0x80, v3, vm0, $0xb8;
	[tilespmem:$0x10200] =	vst v63  }
0x35: {  	s19 =	simm.s32 $0x2800  }
0x36: {  	[tilespmem:s19], [sflag:$0x1] =	stream.indirect_vreg.gather [hbm4b:s11+s2], $0x80, v3, vm0, $0xb8;
	[tilespmem:$0x10200] =	vst v63  }
0x37: {  	s20 =	simm.s32 $0x3000  }
0x38: {  	[tilespmem:s20], [sflag:$0x1] =	stream.indirect_vreg.gather [hbm4b:s12+s2], $0x80, v3, vm0, $0xb8;
	[tilespmem:$0x10200] =	vst v63  }
0x39: {  	s15 =	simm.s32 $0x3800  }
0x3a: {  	[tilespmem:s15], [sflag:$0x1] =	stream.indirect_vreg.gather [hbm4b:s13+s2], $0x80, v3, vm0, $0xb8;
	[tilespmem:$0x10200] =	vst v63  }
0x3b: {  	v3 =	vld [tilespmem:$0x10010];
	_ =	sdelay $0x4  }
0x3c: {  	v61 =	vshll.u32 v3, $0x3  }
0x3d: {  	v3 =	vand.u32 $0x7, v3;
	v4 =	vand.u32 $0xFFFFFFC0, v61  }
0x3e: {  	v3 =	vor.u32 v3, v4  }
0x3f: {  	v4 =	vperm.xlane v3, v0;
	_ =	sdelay $0x1  }
0x40: {  	v4 =	vadd.s32 v1, v4;
	_ =	sdelay $0x3  }
0x41: {  	s17 =	simm.s32 $0x4000  }
0x42: {  	[tilespmem:s17], [sflag:$0x1] =	stream.indirect_vreg.gather [hbm4b:s3+s2], $0x80, v4, vm0, $0xb8;
	[tilespmem:$0x10200] =	vst v63  }
0x43: {  	s18 =	simm.s32 $0x4800;
	v3 =	vperm.xlane v3, v2  }
0x44: {  	[tilespmem:s18], [sflag:$0x1] =	stream.indirect_vreg.gather [hbm4b:s11+s2], $0x80, v4, vm0, $0xb8;
	[tilespmem:$0x10200] =	vst v63  }
0x45: {  	s19 =	simm.s32 $0x5000;
	v3 =	vadd.s32 v1, v3  }
0x46: {  	[tilespmem:s19], [sflag:$0x1] =	stream.indirect_vreg.gather [hbm4b:s12+s2], $0x80, v4, vm0, $0xb8;
	[tilespmem:$0x10200] =	vst v63  }
0x47: {  	s20 =	simm.s32 $0x5800  }
0x48: {  	[tilespmem:s20], [sflag:$0x1] =	stream.indirect_vreg.gather [hbm4b:s13+s2], $0x80, v4, vm0, $0xb8;
	[tilespmem:$0x10200] =	vst v63  }
0x49: {  	s15 =	simm.s32 $0x6000  }
0x4a: {  	[tilespmem:s15], [sflag:$0x1] =	stream.indirect_vreg.gather [hbm4b:s3+s2], $0x80, v3, vm0, $0xb8;
	[tilespmem:$0x10200] =	vst v63  }
0x4b: {  	s17 =	simm.s32 $0x6800  }
0x4c: {  	[tilespmem:s17], [sflag:$0x1] =	stream.indirect_vreg.gather [hbm4b:s11+s2], $0x80, v3, vm0, $0xb8;
	[tilespmem:$0x10200] =	vst v63  }
0x4d: {  	s18 =	simm.s32 $0x7000  }
0x4e: {  	[tilespmem:s18], [sflag:$0x1] =	stream.indirect_vreg.gather [hbm4b:s12+s2], $0x80, v3, vm0, $0xb8;
	[tilespmem:$0x10200] =	vst v63  }
0x4f: {  	s19 =	simm.s32 $0x7800  }
0x50: {  	[tilespmem:s19], [sflag:$0x1] =	stream.indirect_vreg.gather [hbm4b:s13+s2], $0x80, v3, vm0, $0xb8;
	[tilespmem:$0x10200] =	vst v63  }
0x51: {  	v3 =	vld [tilespmem:$0x10080];
	_ =	sdelay $0x4  }
0x52: {  	v62 =	vshll.u32 v3, $0x3  }
0x53: {  	v3 =	vand.u32 $0x7, v3;
	v4 =	vand.u32 $0xFFFFFFC0, v62  }
0x54: {  	v3 =	vor.u32 v3, v4  }
0x55: {  	v4 =	vperm.xlane v3, v0;
	_ =	sdelay $0x1  }
0x56: {  	v4 =	vadd.s32 v1, v4;
	_ =	sdelay $0x3  }
0x57: {  	s20 =	simm.s32 $0x8000  }
0x58: {  	[tilespmem:s20], [sflag:$0x2] =	stream.indirect_vreg.gather [hbm4b:s3+s2], $0x80, v4, vm0, $0xb8;
	[tilespmem:$0x10200] =	vst v63  }
0x59: {  	s15 =	simm.s32 $0x8800;
	v3 =	vperm.xlane v3, v2  }
0x5a: {  	[tilespmem:s15], [sflag:$0x2] =	stream.indirect_vreg.gather [hbm4b:s11+s2], $0x80, v4, vm0, $0xb8;
	[tilespmem:$0x10200] =	vst v63  }
0x5b: {  	s17 =	simm.s32 $0x9000;
	v3 =	vadd.s32 v1, v3  }
0x5c: {  	[tilespmem:s17], [sflag:$0x2] =	stream.indirect_vreg.gather [hbm4b:s12+s2], $0x80, v4, vm0, $0xb8;
	[tilespmem:$0x10200] =	vst v63  }
0x5d: {  	s18 =	simm.s32 $0x9800  }
0x5e: {  	[tilespmem:s18], [sflag:$0x2] =	stream.indirect_vreg.gather [hbm4b:s13+s2], $0x80, v4, vm0, $0xb8;
	[tilespmem:$0x10200] =	vst v63  }
0x5f: {  	s19 =	simm.s32 $0xA000  }
0x60: {  	[tilespmem:s19], [sflag:$0x2] =	stream.indirect_vreg.gather [hbm4b:s3+s2], $0x80, v3, vm0, $0xb8;
	[tilespmem:$0x10200] =	vst v63  }
0x61: {  	s20 =	simm.s32 $0xA800  }
0x62: {  	[tilespmem:s20], [sflag:$0x2] =	stream.indirect_vreg.gather [hbm4b:s11+s2], $0x80, v3, vm0, $0xb8;
	[tilespmem:$0x10200] =	vst v63  }
0x63: {  	_ = 	snop  }
0x64: {  	[tilespmem:s21], [sflag:$0x2] =	stream.indirect_vreg.gather [hbm4b:s12+s2], $0x80, v3, vm0, $0xb8;
	[tilespmem:$0x10200] =	vst v63  }
0x65: {  	_ = 	snop  }
0x66: {  	[tilespmem:s22], [sflag:$0x2] =	stream.indirect_vreg.gather [hbm4b:s13+s2], $0x80, v3, vm0, $0xb8;
	[tilespmem:$0x10200] =	vst v63  }
0x67: {  	v3 =	vld [tilespmem:$0x10090];
	_ =	sdelay $0x4  }
0x68: {  	v63 =	vshll.u32 v3, $0x3  }
0x69: {  	v3 =	vand.u32 $0x7, v3;
	v4 =	vand.u32 $0xFFFFFFC0, v63  }
0x6a: {  	v3 =	vor.u32 v3, v4  }
0x6b: {  	v4 =	vperm.xlane v3, v0;
	_ =	sdelay $0x1  }
0x6c: {  	v4 =	vadd.s32 v1, v4;
	_ =	sdelay $0x4  }
0x6d: {  	[tilespmem:s23], [sflag:$0x2] =	stream.indirect_vreg.gather [hbm4b:s3+s2], $0x80, v4, vm0, $0xb8;
	[tilespmem:$0x10200] =	vst v63  }
0x6e: {  	v3 =	vperm.xlane v3, v2  }
0x6f: {  	[tilespmem:s24], [sflag:$0x2] =	stream.indirect_vreg.gather [hbm4b:s11+s2], $0x80, v4, vm0, $0xb8;
	[tilespmem:$0x10200] =	vst v63  }
0x70: {  	v3 =	vadd.s32 v1, v3  }
0x71: {  	[tilespmem:s25], [sflag:$0x2] =	stream.indirect_vreg.gather [hbm4b:s12+s2], $0x80, v4, vm0, $0xb8;
	[tilespmem:$0x10200] =	vst v63  }
0x72: {  	_ = 	snop  }
0x73: {  	[tilespmem:s26], [sflag:$0x2] =	stream.indirect_vreg.gather [hbm4b:s13+s2], $0x80, v4, vm0, $0xb8;
	[tilespmem:$0x10200] =	vst v63  }
0x74: {  	_ = 	snop  }
0x75: {  	[tilespmem:s28], [sflag:$0x2] =	stream.indirect_vreg.gather [hbm4b:s3+s2], $0x80, v3, vm0, $0xb8;
	[tilespmem:$0x10200] =	vst v63  }
0x76: {  	_ = 	snop  }
0x77: {  	[tilespmem:s29], [sflag:$0x2] =	stream.indirect_vreg.gather [hbm4b:s11+s2], $0x80, v3, vm0, $0xb8;
	[tilespmem:$0x10200] =	vst v63  }
0x78: {  	_ = 	snop  }
0x79: {  	[tilespmem:s30], [sflag:$0x2] =	stream.indirect_vreg.gather [hbm4b:s12+s2], $0x80, v3, vm0, $0xb8;
	[tilespmem:$0x10200] =	vst v63  }
0x7a: {  	_ = 	snop  }
0x7b: {  	[tilespmem:s31], [sflag:$0x2] =	stream.indirect_vreg.gather [hbm4b:s13+s2], $0x80, v3, vm0, $0xb8;
	[tilespmem:$0x10200] =	vst v63  }
0x7c: {  	_ =	swait.ge [sflag:s0], $0x8000  }
0x7d: {  	[sflag:s0] =	ssyncset.done $0x0  }
0x7e: {  	[sflag:s0] =	ssyncadd.s32 $0xFFFF8000  }
0x7f: {  	_ =	swait.ge [sflag:s5], $0x8000  }
0x80: {  	[sflag:s5] =	ssyncset.done $0x0  }
0x81: {  	p0 =	por p1, p1;
	p2 =	por $0x1, $0x1;
	[sflag:s5] =	ssyncadd.s32 $0xFFFF8000  }
.LBB2_3:
0x82: {  	v0 =	vld [tilespmem:s2+$0x10100]  }
0x83: {  	v63 =	vld [tilespmem:s2+$0x10180];
	_ =	sdelay $0x3  }
0x84: {  	s1 =	sshll.u32 s2, $0xA;
	p1 =	por p2, p2;
	[tilespmem:$0x1FFB0] =	vst v0  }
0x85: {  	s2 =	simm.s32 $0x0;
	s15 =	simm.s32 $0x0;
	s17 =	simm.s32 $0x0;
	[tilespmem:$0x1FFC0] =	vst v63  }
.LBB2_4:
0x86: {  	s18 =	sand.u32 $0x6000, s1;
	s19 =	sand.u32 $0x380, s15;
	v0 =	vld [tilespmem:$0x1FFB0]  }
0x87: {  	v12 =	vld [tilespmem:$0x1FFC0];
	s18 =	sor.u32 s19, s18  }
0x88: {  	v9 =	vld [tilespmem:s18+$0x0]  }
0x89: {  	v10 =	vld [tilespmem:s18+$0x8000]  }
0x8a: {  	v15 =	vld [tilespmem:s18+$0x10]  }
0x8b: {  	v16 =	vld [tilespmem:s18+$0x8010]  }
0x8c: {  	v20 =	vld [tilespmem:s18+$0x20]  }
0x8d: {  	v21 =	vld [tilespmem:s18+$0x8020]  }
0x8e: {  	v26 =	vld [tilespmem:s18+$0x30]  }
0x8f: {  	v27 =	vld [tilespmem:s18+$0x8030]  }
0x90: {  	v30 =	vld [tilespmem:s18+$0x40]  }
0x91: {  	v31 =	vld [tilespmem:s18+$0x8040]  }
0x92: {  	v32 =	vld [tilespmem:s18+$0x50]  }
0x93: {  	v33 =	vld [tilespmem:s18+$0x8050]  }
0x94: {  	v34 =	vld [tilespmem:s18+$0x60]  }
0x95: {  	v35 =	vld [tilespmem:s18+$0x8060]  }
0x96: {  	v36 =	vld [tilespmem:s18+$0x70]  }
0x97: {  	v37 =	vld [tilespmem:s18+$0x8070]  }
0x98: {  	v38 =	vld [tilespmem:s18+$0x400]  }
0x99: {  	v39 =	vld [tilespmem:s18+$0x8400]  }
0x9a: {  	v40 =	vld [tilespmem:s18+$0x410]  }
0x9b: {  	v41 =	vld [tilespmem:s18+$0x8410]  }
0x9c: {  	v42 =	vld [tilespmem:s18+$0x420]  }
0x9d: {  	v43 =	vld [tilespmem:s18+$0x8420]  }
0x9e: {  	v44 =	vld [tilespmem:s18+$0x430]  }
0x9f: {  	v45 =	vld [tilespmem:s18+$0x8430]  }
0xa0: {  	v46 =	vld [tilespmem:s18+$0x440]  }
0xa1: {  	v47 =	vld [tilespmem:s18+$0x8440]  }
0xa2: {  	v48 =	vld [tilespmem:s18+$0x450]  }
0xa3: {  	v49 =	vld [tilespmem:s18+$0x8450]  }
0xa4: {  	v50 =	vld [tilespmem:s18+$0x460]  }
0xa5: {  	v51 =	vld [tilespmem:s18+$0x8460]  }
0xa6: {  	v52 =	vld [tilespmem:s18+$0x470]  }
0xa7: {  	v53 =	vld [tilespmem:s18+$0x8470]  }
0xa8: {  	v54 =	vld [tilespmem:s18+$0x800]  }
0xa9: {  	v55 =	vld [tilespmem:s18+$0x8800]  }
0xaa: {  	v56 =	vld [tilespmem:s18+$0x810]  }
0xab: {  	v57 =	vld [tilespmem:s18+$0x8810]  }
0xac: {  	v58 =	vld [tilespmem:s18+$0x820]  }
0xad: {  	v59 =	vld [tilespmem:s18+$0x8820]  }
0xae: {  	v60 =	vld [tilespmem:s18+$0x830]  }
0xaf: {  	v61 =	vld [tilespmem:s18+$0x8830]  }
0xb0: {  	v62 =	vld [tilespmem:s18+$0x840]  }
0xb1: {  	v63 =	vld [tilespmem:s18+$0x8840]  }
0xb2: {  	v1 =	vld [tilespmem:s18+$0x850]  }
0xb3: {  	v2 =	vld [tilespmem:s18+$0x8850]  }
0xb4: {  	v7 =	vld [tilespmem:s18+$0x860]  }
0xb5: {  	v3 =	vld [tilespmem:s18+$0x8860]  }
0xb6: {  	v28 =	vld [tilespmem:s18+$0x870]  }
0xb7: {  	v29 =	vld [tilespmem:s18+$0x8870]  }
0xb8: {  	v24 =	vld [tilespmem:s18+$0xC00]  }
0xb9: {  	v25 =	vld [tilespmem:s18+$0x8C00]  }
0xba: {  	v22 =	vld [tilespmem:s18+$0xC10]  }
0xbb: {  	v23 =	vld [tilespmem:s18+$0x8C10]  }
0xbc: {  	v5 =	vmov s17;
	v18 =	vld [tilespmem:s18+$0xC20]  }
0xbd: {  	v5 =	vand.u32 $0xF, v5;
	v4 =	vld [tilespmem:s18+$0xC60]  }
0xbe: {  	v19 =	vld [tilespmem:s18+$0x8C20];
	v6 =	vbroadcast v5, $0x0  }
0xbf: {  	v13 =	vld [tilespmem:s18+$0xC30]  }
0xc0: {  	v17 =	vld [tilespmem:s18+$0x8C30];
	v5 =	vperm.xlane v0, v6;
	v6 =	vperm.xlane v12, v6  }
0xc1: {  	v11 =	vld [tilespmem:s18+$0xC40]  }
0xc2: {  	v14 =	vld [tilespmem:s18+$0x8C40];
	[tilespmem:$0x1FFA0] =	vst v4;
	v4 =	vmul.f32 v9, v5;
	v0 =	vmul.f32 v10, v6  }
0xc3: {  	v8 =	vld [tilespmem:s18+$0xC50];
	v15 =	vmul.f32 v15, v5;
	v16 =	vmul.f32 v16, v6  }
0xc4: {  	v12 =	vld [tilespmem:s18+$0x8C50];
	v20 =	vmul.f32 v20, v5;
	v21 =	vmul.f32 v21, v6  }
0xc5: {  	v10 =	vld [tilespmem:s18+$0x8C60];
	v26 =	vmul.f32 v26, v5;
	v27 =	vmul.f32 v27, v6  }
0xc6: {  	v9 =	vld [tilespmem:s18+$0xC70];
	v30 =	vmul.f32 v30, v5;
	v31 =	vmul.f32 v31, v6  }
0xc7: {  	v38 =	vmul.f32 v38, v5;
	v39 =	vmul.f32 v39, v6;
	v4 =	vadd.f32 v0, v4;
	v0 =	vld [tilespmem:s18+$0x8C70]  }
0xc8: {  	v40 =	vmul.f32 v40, v5;
	v41 =	vmul.f32 v41, v6;
	v15 =	vadd.f32 v16, v15;
	v16 =	vld [tilespmem:s18+$0x1000]  }
0xc9: {  	v43 =	vmul.f32 v43, v6;
	v62 =	vmul.f32 v62, v5;
	[tilespmem:s18+$0x0] =	vst v4;
	v4 =	vadd.f32 v21, v20;
	v20 =	vld [tilespmem:s18+$0x9000]  }
0xca: {  	v1 =	vmul.f32 v1, v5;
	v2 =	vmul.f32 v2, v6;
	v40 =	vadd.f32 v41, v40;
	v21 =	vld [tilespmem:s18+$0x1010]  }
0xcb: {  	v7 =	vmul.f32 v7, v5;
	v3 =	vmul.f32 v3, v6;
	[tilespmem:s18+$0x10] =	vst v15;
	v15 =	vadd.f32 v27, v26;
	v26 =	vld [tilespmem:s18+$0x9010]  }
0xcc: {  	v27 =	vmul.f32 v32, v5;
	v32 =	vmul.f32 v33, v6;
	[tilespmem:s18+$0x410] =	vst v40;
	v40 =	vld [tilespmem:s18+$0x9050]  }
0xcd: {  	v1 =	vadd.f32 v2, v1;
	v3 =	vadd.f32 v3, v7;
	v33 =	vmul.f32 v8, v5;
	v8 =	vld [tilespmem:s18+$0x1460];
	[tilespmem:s18+$0x20] =	vst v4  }
0xce: {  	v4 =	vadd.f32 v31, v30;
	v30 =	vmul.f32 v34, v5;
	[tilespmem:s18+$0x30] =	vst v15;
	v15 =	vadd.f32 v32, v27;
	v27 =	vld [tilespmem:s18+$0x1020]  }
0xcf: {  	[tilespmem:s18+$0x850] =	vst v1;
	v31 =	vmul.f32 v35, v6;
	v32 =	vmul.f32 v36, v5;
	v35 =	vld [tilespmem:s18+$0x1030]  }
0xd0: {  	[tilespmem:s18+$0x860] =	vst v3;
	v36 =	vmul.f32 v37, v6;
	v34 =	vmul.f32 v12, v6;
	v12 =	vld [tilespmem:s18+$0x1450]  }
0xd1: {  	v41 =	vmul.f32 v44, v5;
	v44 =	vmul.f32 v46, v5;
	[tilespmem:s18+$0x40] =	vst v4;
	v37 =	vadd.f32 v31, v30;
	v30 =	vld [tilespmem:s18+$0x9020]  }
0xd2: {  	v0 =	vmul.f32 v0, v6;
	[tilespmem:s18+$0x50] =	vst v15;
	v15 =	vadd.f32 v36, v32;
	v31 =	vmul.f32 v42, v5;
	v36 =	vld [tilespmem:s18+$0x9030]  }
0xd3: {  	v4 =	vadd.f32 v39, v38;
	v42 =	vmul.f32 v45, v6;
	v45 =	vmul.f32 v47, v6;
	v38 =	vld [tilespmem:s18+$0x9040];
	[tilespmem:s18+$0x60] =	vst v37  }
0xd4: {  	v47 =	vmul.f32 v48, v5;
	v48 =	vmul.f32 v49, v6;
	v39 =	vld [tilespmem:s18+$0x1050];
	[tilespmem:s18+$0x70] =	vst v15;
	v43 =	vadd.f32 v43, v31  }
0xd5: {  	v32 =	vld [tilespmem:s18+$0x1410];
	[tilespmem:s18+$0x400] =	vst v4;
	v46 =	vadd.f32 v42, v41;
	v49 =	vadd.f32 v45, v44;
	v44 =	vmul.f32 v50, v5  }
0xd6: {  	v37 =	vld [tilespmem:s18+$0x1040];
	v45 =	vmul.f32 v51, v6;
	v50 =	vmul.f32 v54, v5;
	[tilespmem:s18+$0x420] =	vst v43  }
0xd7: {  	v41 =	vld [tilespmem:s18+$0x1060];
	v51 =	vmul.f32 v55, v6;
	v54 =	vmul.f32 v57, v6;
	[tilespmem:s18+$0x430] =	vst v46;
	v46 =	vadd.f32 v48, v47  }
0xd8: {  	v42 =	vld [tilespmem:s18+$0x9060];
	v47 =	vmul.f32 v52, v5;
	v48 =	vmul.f32 v53, v6;
	[tilespmem:s18+$0x440] =	vst v49;
	v49 =	vadd.f32 v45, v44  }
0xd9: {  	v57 =	vmul.f32 v59, v6;
	v31 =	vld [tilespmem:s18+$0x9410];
	v53 =	vmul.f32 v56, v5;
	v55 =	vadd.f32 v51, v50;
	[tilespmem:s18+$0x450] =	vst v46  }
0xda: {  	v59 =	vmul.f32 v60, v5;
	v15 =	vld [tilespmem:s18+$0x1440];
	v56 =	vmul.f32 v58, v5;
	v52 =	vadd.f32 v48, v47;
	[tilespmem:s18+$0x460] =	vst v49  }
0xdb: {  	v60 =	vmul.f32 v61, v6;
	v43 =	vld [tilespmem:s18+$0x1070];
	v51 =	vmul.f32 v28, v5;
	v58 =	vadd.f32 v54, v53;
	[tilespmem:s18+$0x800] =	vst v55  }
0xdc: {  	v44 =	vld [tilespmem:s18+$0x9070];
	v61 =	vadd.f32 v57, v56;
	v48 =	vmul.f32 v63, v6;
	v53 =	vmul.f32 v24, v5;
	[tilespmem:s18+$0x470] =	vst v52  }
0xdd: {  	v45 =	vld [tilespmem:s18+$0x1400];
	v49 =	vadd.f32 v60, v59;
	v54 =	vmul.f32 v25, v6;
	v56 =	vmul.f32 v22, v5;
	[tilespmem:s18+$0x810] =	vst v58  }
0xde: {  	v28 =	vld [tilespmem:s18+$0x1420];
	v57 =	vmul.f32 v23, v6;
	v59 =	vmul.f32 v18, v5;
	[tilespmem:s18+$0x820] =	vst v61;
	v50 =	vadd.f32 v48, v62  }
0xdf: {  	v46 =	vld [tilespmem:s18+$0x9400];
	v60 =	vmul.f32 v19, v6;
	v63 =	vmul.f32 v17, v6;
	[tilespmem:s18+$0x830] =	vst v49;
	v58 =	vadd.f32 v54, v53  }
0xe0: {  	v24 =	vld [tilespmem:s18+$0x9420];
	v23 =	vmul.f32 v11, v5;
	v25 =	vmul.f32 v14, v6;
	v61 =	vadd.f32 v57, v56;
	[tilespmem:s18+$0x840] =	vst v50  }
0xe1: {  	v22 =	vld [tilespmem:s18+$0x1430];
	v52 =	vmul.f32 v29, v6;
	v62 =	vmul.f32 v13, v5;
	v19 =	vadd.f32 v60, v59;
	[tilespmem:s18+$0xC00] =	vst v58  }
0xe2: {  	v18 =	vld [tilespmem:s18+$0x9430];
	v47 =	vadd.f32 v25, v23;
	v49 =	vmul.f32 v10, v6;
	v53 =	vmul.f32 v16, v5;
	[tilespmem:s18+$0xC10] =	vst v61  }
0xe3: {  	v11 =	vld [tilespmem:s18+$0x9440];
	v54 =	vmul.f32 v20, v6;
	v56 =	vmul.f32 v26, v6;
	v55 =	vadd.f32 v52, v51;
	[tilespmem:s18+$0xC20] =	vst v19  }
0xe4: {  	v14 =	vld [tilespmem:s18+$0x9470];
	v59 =	vmul.f32 v30, v6;
	v23 =	vmul.f32 v38, v6;
	v29 =	vadd.f32 v63, v62;
	[tilespmem:s18+$0xC40] =	vst v47  }
0xe5: {  	v17 =	vld [tilespmem:s18+$0x9800];
	v26 =	vmul.f32 v39, v5;
	v50 =	vadd.f32 v34, v33;
	v51 =	vmul.f32 v9, v5;
	[tilespmem:s18+$0x870] =	vst v55  }
0xe6: {  	v48 =	vld [tilespmem:$0x1FFA0];
	v30 =	vmul.f32 v41, v5;
	v57 =	vadd.f32 v54, v53;
	v58 =	vmul.f32 v27, v5;
	[tilespmem:s18+$0xC30] =	vst v29  }
0xe7: {  	v10 =	vld [tilespmem:s18+$0x9450];
	v61 =	vmul.f32 v35, v5;
	v62 =	vmul.f32 v36, v6;
	[tilespmem:s18+$0xC50] =	vst v50;
	v0 =	vadd.f32 v0, v51  }
0xe8: {  	v13 =	vld [tilespmem:s18+$0x1470];
	v38 =	vmul.f32 v45, v5;
	v27 =	vmul.f32 v40, v6;
	[tilespmem:s18+$0x1000] =	vst v57;
	v63 =	vadd.f32 v59, v58  }
0xe9: {  	v16 =	vld [tilespmem:s18+$0x1800];
	v33 =	vmul.f32 v42, v6;
	v35 =	vmul.f32 v43, v5;
	v25 =	vadd.f32 v62, v61;
	[tilespmem:s18+$0xC70] =	vst v0  }
0xea: {  	v20 =	vld [tilespmem:s18+$0x9810];
	v36 =	vmul.f32 v44, v6;
	v39 =	vmul.f32 v46, v6;
	v34 =	vadd.f32 v27, v26;
	[tilespmem:s18+$0x1020] =	vst v63  }
0xeb: {  	v9 =	vld [tilespmem:s18+$0x9460];
	v55 =	vmul.f32 v21, v5;
	v21 =	vmul.f32 v37, v5;
	v37 =	vadd.f32 v33, v30;
	[tilespmem:s18+$0x1030] =	vst v25  }
0xec: {  	v19 =	vld [tilespmem:s18+$0x1810];
	v41 =	vadd.f32 v36, v35;
	[tilespmem:s18+$0x1050] =	vst v34  }
0xed: {  	v40 =	vld [tilespmem:s18+$0x9820];
	v45 =	vadd.f32 v39, v38;
	[tilespmem:s18+$0x1060] =	vst v37  }
0xee: {  	v44 =	vld [tilespmem:s18+$0x1830];
	v50 =	vmul.f32 v22, v5;
	v51 =	vmul.f32 v18, v6;
	v60 =	vadd.f32 v56, v55;
	[tilespmem:s18+$0x1070] =	vst v41  }
0xef: {  	v42 =	vmul.f32 v32, v5;
	v32 =	vld [tilespmem:s18+$0x1870];
	v4 =	vmul.f32 v48, v5;
	v29 =	vadd.f32 v23, v21;
	[tilespmem:s18+$0x1400] =	vst v45  }
0xf0: {  	v43 =	vmul.f32 v31, v6;
	v46 =	vmul.f32 v28, v5;
	v28 =	vld [tilespmem:s18+$0x9860];
	v56 =	vadd.f32 v51, v50;
	[tilespmem:s18+$0x1010] =	vst v60  }
0xf1: {  	v18 =	vld [tilespmem:s18+$0x1840];
	v57 =	vmul.f32 v12, v5;
	v58 =	vmul.f32 v10, v6;
	v52 =	vadd.f32 v49, v4;
	[tilespmem:s18+$0x1040] =	vst v29  }
0xf2: {  	v59 =	vld [tilespmem:s18+$0x9850];
	v27 =	vmul.f32 v14, v6;
	v26 =	vmul.f32 v13, v5;
	v49 =	vadd.f32 v43, v42;
	[tilespmem:s18+$0x1430] =	vst v56  }
0xf3: {  	v31 =	vmul.f32 v17, v6;
	v48 =	vld [tilespmem:s18+$0x9830];
	v30 =	vmul.f32 v16, v5;
	v22 =	vadd.f32 v58, v57;
	[tilespmem:s18+$0xC60] =	vst v52  }
0xf4: {  	v53 =	vmul.f32 v15, v5;
	v54 =	vmul.f32 v11, v6;
	v21 =	vld [tilespmem:s18+$0x1820];
	v33 =	vadd.f32 v27, v26;
	[tilespmem:s18+$0x1410] =	vst v49  }
0xf5: {  	v47 =	vmul.f32 v24, v6;
	v61 =	vmul.f32 v8, v5;
	v55 =	vld [tilespmem:s18+$0x1850];
	v37 =	vadd.f32 v31, v30;
	[tilespmem:s18+$0x1450] =	vst v22  }
0xf6: {  	v35 =	vmul.f32 v20, v6;
	v63 =	vld [tilespmem:s18+$0x1860];
	v62 =	vmul.f32 v9, v6;
	v60 =	vadd.f32 v54, v53;
	[tilespmem:s18+$0x1470] =	vst v33  }
0xf7: {  	v36 =	vld [tilespmem:s18+$0x9870];
	v34 =	vmul.f32 v19, v5;
	v39 =	vmul.f32 v40, v6;
	v52 =	vadd.f32 v47, v46;
	[tilespmem:s18+$0x1800] =	vst v37  }
0xf8: {  	v40 =	vld [tilespmem:s18+$0x9840];
	v42 =	vmul.f32 v44, v5;
	v29 =	vadd.f32 v62, v61;
	[tilespmem:s18+$0x1440] =	vst v60;
	v43 =	vmul.f32 v48, v6  }
0xf9: {  	v41 =	vadd.f32 v35, v34;
	[tilespmem:s18+$0x1420] =	vst v52;
	v38 =	vmul.f32 v21, v5  }
0xfa: {  	v46 =	vmul.f32 v59, v6;
	[tilespmem:s18+$0x1460] =	vst v29;
	v45 =	vmul.f32 v55, v5;
	v47 =	vadd.f32 v43, v42  }
0xfb: {  	v49 =	vmul.f32 v28, v6;
	[tilespmem:s18+$0x1810] =	vst v41;
	v48 =	vmul.f32 v63, v5;
	v44 =	vadd.f32 v39, v38  }
0xfc: {  	v51 =	vmul.f32 v32, v5;
	v52 =	vmul.f32 v36, v6;
	v50 =	vadd.f32 v46, v45;
	[tilespmem:s18+$0x1830] =	vst v47  }
0xfd: {  	s20 =	sand.u32 $0x7, s2;
	v54 =	vmul.f32 v18, v5;
	v55 =	vmul.f32 v40, v6;
	v53 =	vadd.f32 v49, v48;
	[tilespmem:s18+$0x1820] =	vst v44  }
0xfe: {  	s19 =	sshll.u32 s20, $0x7;
	v56 =	vadd.f32 v52, v51;
	[tilespmem:s18+$0x1850] =	vst v50  }
0xff: {  	s19 =	sadd.s32 s19, s1;
	v1 =	vadd.f32 v55, v54;
	[tilespmem:s18+$0x1860] =	vst v53  }
0x100: {  	s20 =	sor.u32 $0x1C00, s19;
	[tilespmem:s18+$0x1870] =	vst v56  }
0x101: {  	[tilespmem:s18+$0x1840] =	vst v1;
	v0 =	vld [tilespmem:s20+$0x0]  }
0x102: {  	v1 =	vld [tilespmem:s20+$0x8000];
	_ =	sdelay $0x4  }
0x103: {  	v0 =	vmul.f32 v0, v5;
	v1 =	vmul.f32 v1, v6;
	_ =	sdelay $0x1  }
0x104: {  	v0 =	vadd.f32 v1, v0;
	_ =	sdelay $0x1  }
0x105: {  	[tilespmem:s20+$0x0] =	vst v0;
	s20 =	sor.u32 $0x1C10, s19  }
0x106: {  	v0 =	vld [tilespmem:s20+$0x0]  }
0x107: {  	v57 =	vld [tilespmem:s20+$0x8000];
	_ =	sdelay $0x4  }
0x108: {  	v0 =	vmul.f32 v0, v5;
	v1 =	vmul.f32 v57, v6;
	_ =	sdelay $0x1  }
0x109: {  	v0 =	vadd.f32 v1, v0;
	_ =	sdelay $0x1  }
0x10a: {  	[tilespmem:s20+$0x0] =	vst v0;
	s20 =	sor.u32 $0x1C20, s19  }
0x10b: {  	v0 =	vld [tilespmem:s20+$0x0]  }
0x10c: {  	v58 =	vld [tilespmem:s20+$0x8000];
	_ =	sdelay $0x4  }
0x10d: {  	v0 =	vmul.f32 v0, v5;
	v1 =	vmul.f32 v58, v6;
	_ =	sdelay $0x1  }
0x10e: {  	v0 =	vadd.f32 v1, v0;
	_ =	sdelay $0x1  }
0x10f: {  	[tilespmem:s20+$0x0] =	vst v0;
	s20 =	sor.u32 $0x1C30, s19  }
0x110: {  	v0 =	vld [tilespmem:s20+$0x0]  }
0x111: {  	v59 =	vld [tilespmem:s20+$0x8000];
	_ =	sdelay $0x4  }
0x112: {  	v0 =	vmul.f32 v0, v5;
	v1 =	vmul.f32 v59, v6;
	_ =	sdelay $0x1  }
0x113: {  	v0 =	vadd.f32 v1, v0;
	_ =	sdelay $0x1  }
0x114: {  	[tilespmem:s20+$0x0] =	vst v0;
	s20 =	sor.u32 $0x1C40, s19  }
0x115: {  	v0 =	vld [tilespmem:s20+$0x0]  }
0x116: {  	v60 =	vld [tilespmem:s20+$0x8000];
	_ =	sdelay $0x4  }
0x117: {  	v0 =	vmul.f32 v0, v5;
	v1 =	vmul.f32 v60, v6;
	_ =	sdelay $0x1  }
0x118: {  	v0 =	vadd.f32 v1, v0;
	_ =	sdelay $0x1  }
0x119: {  	[tilespmem:s20+$0x0] =	vst v0;
	s20 =	sor.u32 $0x1C50, s19  }
0x11a: {  	v0 =	vld [tilespmem:s20+$0x0]  }
0x11b: {  	v61 =	vld [tilespmem:s20+$0x8000];
	_ =	sdelay $0x4  }
0x11c: {  	v0 =	vmul.f32 v0, v5;
	v1 =	vmul.f32 v61, v6;
	_ =	sdelay $0x1  }
0x11d: {  	v0 =	vadd.f32 v1, v0;
	_ =	sdelay $0x1  }
0x11e: {  	[tilespmem:s20+$0x0] =	vst v0;
	s20 =	sor.u32 $0x1C60, s19  }
0x11f: {  	v0 =	vld [tilespmem:s20+$0x0]  }
0x120: {  	v62 =	vld [tilespmem:s20+$0x8000];
	_ =	sdelay $0x4  }
0x121: {  	v0 =	vmul.f32 v0, v5;
	v1 =	vmul.f32 v62, v6;
	_ =	sdelay $0x1  }
0x122: {  	v0 =	vadd.f32 v1, v0;
	_ =	sdelay $0x1  }
0x123: {  	[tilespmem:s20+$0x0] =	vst v0;
	s20 =	sor.u32 $0x1C70, s19  }
0x124: {  	v0 =	vld [tilespmem:s20+$0x0]  }
0x125: {  	v63 =	vld [tilespmem:s20+$0x8000];
	_ =	sdelay $0x3  }
0x126: {  	p2 =	sne.s32 s17, $0xF  }
.Ltmp0:
0x127: {  	v0 =	vmul.f32 v0, v5;
	v1 =	vmul.f32 v63, v6;
	(pc) =	sbr.rel @p2 .LBB2_4-.Ltmp0, $4  }
0x128: {  	_ = 	snop  }
0x129: {  	v0 =	vadd.f32 v1, v0  }
0x12a: {  	s15 =	sadd.s32 $0x80, s15  }
0x12b: {  	s2 =	sadd.s32 $0x1, s2;
	s17 =	sadd.s32 $0x1, s17;
	s1 =	sadd.s32 $0x400, s1;
	[tilespmem:s20+$0x0] =	vst v0  }
.Ltmp1:
0x12c: {  	(pc) =	sbr.rel @p1 .LBB2_3-.Ltmp1, $2  }
0x12d: {  	_ =	sdelay $0x2  }
0x12e: {  	s2 =	simm.s32 $0x10;
	p2 =	por $0x0, $0x0  }
0x12f: {  	s1 =	sshll.u32 s14, $0xC;
	s2 =	rddreg [dreg:$0x1]  }
.Ltmp2:
0x130: {  	s20 =	simm.s32 $0x0;
	s1 =	sadd.s32 s2, s1;
	(pc) =	sbr.rel @p0 .LBB2_2-.Ltmp2, $4  }
0x131: {  	[hbm4b:s1+s20] =	stream.linear.scatter [tilespmem:s20], [sflag:$0x3], $0x8000, $0x38;
	[tilespmem:$0x10200] =	vst v63  }
0x132: {  	_ =	swait.ge [sflag:s16], $0x8000  }
0x133: {  	[sflag:s16] =	ssyncset.done $0x0  }
0x134: {  	p1 =	por $0x0, $0x0;
	s1 =	simm.s32 $0x1;
	[sflag:s16] =	ssyncadd.s32 $0xFFFF8000  }
0x135: {  	s2 =	rddreg [dreg:$0x4]  }
0x136: {  	s1 =	rddreg [dreg:$0x3];
	s2 =	sadd.s32 $0x1, s2  }
0x137: {  	p0 =	sne.s32 s2, s1  }
.Ltmp3:
0x138: {  	_ = 	snop;
	(pc) =	sbr.rel @p0 .LBB2_1-.Ltmp3, $1  }
0x139: {  	_ =	sdelay $0x3  }
0x13a: {  	_ =	sfence.sel $0x180000  }
0x13b: {  	[bflag:$0x0] =	sbarrier.arrive $0xFFFF  }
0x13c: {  	_ =	strace $0x9000004A  }
0x13d: {  	s0 =	stileid.u32;
	[bflag:$0x2] =	sbarrier.arrive $0xFFFF  }
0x13e: {  	p0 =	sne.s32 s0, $0x0;
	s0 =	rddreg [dreg:$0x2]  }
0x13f: {  	s0 =	sadd.s32 @!p0 $0x100000, s0  }
0x140: {  	[sflag:s0] =	ssyncadd.tile.s32 @!p0 $0x1;
	_ =	shalt  }
.Lfunc_end2:
_tile_overlayer_lowered:
.L_overlay_start_2:
0x141: {  	(tag) =	ssettag $0x2  }
0x142: {  	s0 =	rddreg [dreg:$0x0];
	s2 =	stileid.u32  }
0x143: {  	s1 =	rddreg [dreg:$0x1];
	p0 =	sne.s32 s2, $0x0  }
0x144: {  	s3 =	rddreg [dreg:$0x2];
	[bflag:$0x3] =	sbarrier.arrive $0xFFFF;
	s2 =	simm.s32 @!p0 $0x1C03  }
0x145: {  	[timem:s3], [sflag:s2] =	dma.local @!p0 [hbm:s0], s1  }
0x146: {  	s0 =	simm.s32 @!p0 $0x3  }
0x147: {  	_ =	swait.ge @!p0 [sflag:s0], s1  }
0x148: {  	s1 =	ssub.s32 @!p0 $0x0, s1;
	[sflag:s0] =	ssyncset.done @!p0 $0x0  }
0x149: {  	[sflag:s0] =	ssyncadd.s32 @!p0 s1  }
0x14a: {  	[bflag:$0x3] =	sbarrier.arrive $0xFFFF  }
0x14b: {  	_ =	shalt  }

</sc_bundles>
